<compile_context>
chip_gen: v7x
topology: tpu7x:2x2x1
jax: 0.10.2.dev20260603
libtpu: 0.0.44.dev20260713+nightly
codegen_flags: <defaults>
</compile_context>

<pallas_src>
import functools

import jax
import jax.numpy as jnp
from jax import lax
from jax.experimental import pallas as pl
from jax.experimental.pallas import tpu as pltpu
from jax.experimental.pallas import tpu_sc as plsc

BATCH = 4096
HIST_LEN = 200
EMBED_DIM = 32

NUM_CORES = 2
NUM_SUBCORES = 16
NUM_WORKERS = NUM_CORES * NUM_SUBCORES

CHUNK = 128
CPT = BATCH // CHUNK
NUM_UNITS = HIST_LEN * CPT
UPW = NUM_UNITS // NUM_WORKERS
RS = 129
DTS = 8 * RS


@functools.partial(
    pl.kernel,
    mesh=plsc.VectorSubcoreMesh(core_axis_name="c", subcore_axis_name="s"),
    out_type=jax.ShapeDtypeStruct((HIST_LEN, 4, 32, 8, 128), jnp.float32),
    scratch_types=[
        pltpu.VMEM((4, CHUNK), jnp.int32),
        pltpu.VMEM((4, CHUNK, EMBED_DIM), jnp.float32),
        pltpu.VMEM((2, 4, 8, RS), jnp.float32),
        pltpu.SemaphoreType.DMA((4,)),
        pltpu.SemaphoreType.DMA((4,)),
        pltpu.SemaphoreType.DMA((2,)),
    ],
    compiler_params=pltpu.CompilerParams(use_tc_tiling_on_sc=False,
                                         needs_layout_passes=False),
)
def _embed(x_hbm, table_hbm, out_hbm, idx_v, rows_v, trans_v, isem, gsem,
           ssem):
    wid = lax.axis_index("s") * NUM_CORES + lax.axis_index("c")
    u0 = wid * UPW

    iota = lax.iota(jnp.int32, 16)
    cdt = [(dl * 2 + (iota >> 3)) for dl in range(2)]
    cds = iota & 7

    def tc_of(u):
        t = u >> 5
        return t >> 3, t & 7, u & 31

    def idx_desc(u, q):
        tt, st, c = tc_of(u)
        return pltpu.make_async_copy(x_hbm.at[tt, c, st], idx_v.at[q],
                                     isem.at[q])

    def gather_desc(q):
        return pltpu.make_async_copy(table_hbm.at[idx_v.at[q]],
                                     rows_v.at[q], gsem.at[q])

    def store_descs(u, p):
        t = u >> 5
        c = u & 31
        return [
            pltpu.make_async_copy(
                trans_v.at[p, dt, :, pl.ds(0, 128)],
                out_hbm.at[t, dt, c],
                ssem.at[p],
            )
            for dt in range(4)
        ]

    def transpose(q, p):
        @plsc.parallel_loop(0, CHUNK, unroll=16, carry=iota * 0)
        def _(r, lvec):
            plsc.store_scatter(trans_v.at[p], [cdt[0], cds, lvec],
                               rows_v[q, r, pl.ds(0, 16)])
            plsc.store_scatter(trans_v.at[p], [cdt[1], cds, lvec],
                               rows_v[q, r, pl.ds(16, 16)])
            return lvec + 1

    for q in range(4):
        idx_desc(u0 + q, q).start()
    for q in range(2):
        idx_desc(u0 + q, q).wait()
        gather_desc(q).start()

    @pl.loop(0, UPW // 4)
    def _(g):
        for k in range(4):
            q = k
            p = k % 2
            u = u0 + g * 4 + k

            @pl.when(g * 4 + k + 2 < UPW)
            def _():
                idx_desc(u + 2, (k + 2) % 4).wait()
                gather_desc((k + 2) % 4).start()

            gather_desc(q).wait()

            @pl.when(g * 4 + k + 4 < UPW)
            def _():
                idx_desc(u + 4, q).start()

            @pl.when(g * 4 + k >= 2)
            def _():
                for d in store_descs(u - 2, p):
                    d.wait()

            transpose(q, p)
            for d in store_descs(u, p):
                d.start()

    for k in range(2):
        u_last = u0 + UPW - 2 + k
        for d in store_descs(u_last, k % 2):
            d.wait()


@jax.jit
def kernel(x, table):
    xq = x.T.reshape(25, 8, 32, 128).transpose(0, 2, 1, 3).astype(jnp.int32)
    out5 = _embed(xq, table)
    return out5.transpose(2, 4, 0, 1, 3).reshape(BATCH, HIST_LEN, EMBED_DIM)

# --- scband reference (transcript-rebuilt; emitter-appended) ---
"""Pipeline reference for scband-phoneme-embedding-39711267618841 (READ-ONLY COPY).

The authoritative reference and input builder live on the scoring server;
editing this copy changes nothing except your own understanding.
"""

import jax, jax.numpy as jnp
import numpy as np

VOCAB_SIZE = 1000000
EMBED_DIM = 32
BATCH = 4096
HIST_LEN = 200


def setup_inputs(seed: int = 0) -> dict:
    key = jax.random.key(seed)
    k_idx, k_tab = jax.random.split(key)
    x = jax.random.randint(k_idx, (BATCH, HIST_LEN), 0, VOCAB_SIZE, dtype=jnp.int64 if jax.config.jax_enable_x64 else jnp.int32)
    # nn.Embedding default init: N(0, 1)
    table = jax.random.normal(k_tab, (VOCAB_SIZE, EMBED_DIM), dtype=jnp.float32)
    return {"x": x, "table": table}


def reference(x, table):
    # PhonemeEmbedding.forward: self.embedding(x)
    return jnp.take(table, x, axis=0)

if __name__ == "__main__":
    import jax
    _d = setup_inputs()
    print(jax.jit(kernel)(*tuple(_d.values())))

</pallas_src>

<mosaic_0001>
#map = affine_map<(d0, d1) -> (0, 0, 0, 0)>
#map1 = affine_map<(d0, d1) -> (0, 0)>
#map2 = affine_map<(d0, d1) -> (0, 0, 0, 0, 0)>
module attributes {stable_mosaic.version = 14 : i64} {
  func.func @_embed(%arg0: i32, %arg1: i32, %arg2: memref<25x32x8x128xi32, #tpu.memory_space<hbm>>, %arg3: memref<1000000x32xf32, #tpu.memory_space<hbm>>, %arg4: memref<200x4x32x8x128xf32, #tpu.memory_space<hbm>>, %arg5: memref<4x128xi32, #tpu.memory_space<vmem>>, %arg6: memref<4x128x32xf32, #tpu.memory_space<vmem>>, %arg7: memref<2x4x8x129xf32, #tpu.memory_space<vmem>>, %arg8: memref<4x!tpu.dma_semaphore, #tpu.memory_space<semaphore_mem>>, %arg9: memref<4x!tpu.dma_semaphore, #tpu.memory_space<semaphore_mem>>, %arg10: memref<2x!tpu.dma_semaphore, #tpu.memory_space<semaphore_mem>>) attributes {dimension_semantics = [#tpu.dimension_semantics<core_parallel>, #tpu.dimension_semantics<subcore_parallel>], iteration_bounds = array<i64: 2, 16>, scalar_prefetch = 0 : i64, scratch_operands = 6 : i64, tpu.core_type = #tpu.core_type<sc_vector_subcore>, window_params = [{transform_indices = #map}, {transform_indices = #map1}, {transform_indices = #map2}]} {
    %mul3A = arith.constant 2 : i32
    %mul3A_0 = arith.muli %arg1, %mul3A : i32
    %add3A = arith.addi %mul3A_0, %arg0 : i32
    %mul3A_1 = arith.constant 200 : i32
    %mul3A_2 = arith.muli %add3A, %mul3A_1 : i32
    %iota3A = tpu.iota {dimensions = array<i32: 0>} : vector<16xi32>
    %shift_right_arithmetic3A = arith.constant 3 : i32
    %shift_right_arithmetic3A_3 = vector.broadcast %shift_right_arithmetic3A : i32 to vector<16xi32>
    %shift_right_arithmetic3A_4 = arith.shrsi %iota3A, %shift_right_arithmetic3A_3 : vector<16xi32>
    %add3A_5 = arith.constant 0 : i32
    %add3A_6 = vector.broadcast %add3A_5 : i32 to vector<16xi32>
    %add3A_7 = arith.addi %add3A_6, %shift_right_arithmetic3A_4 : vector<16xi32>
    %shift_right_arithmetic3A_8 = arith.constant 3 : i32
    %shift_right_arithmetic3A_9 = vector.broadcast %shift_right_arithmetic3A_8 : i32 to vector<16xi32>
    %shift_right_arithmetic3A_10 = arith.shrsi %iota3A, %shift_right_arithmetic3A_9 : vector<16xi32>
    %add3A_11 = arith.constant 2 : i32
    %add3A_12 = vector.broadcast %add3A_11 : i32 to vector<16xi32>
    %add3A_13 = arith.addi %add3A_12, %shift_right_arithmetic3A_10 : vector<16xi32>
    %and3A = arith.constant 7 : i32
    %and3A_14 = vector.broadcast %and3A : i32 to vector<16xi32>
    %and3A_15 = arith.andi %iota3A, %and3A_14 : vector<16xi32>
    %add3A_16 = arith.constant 0 : i32
    %add3A_17 = arith.addi %mul3A_2, %add3A_16 : i32
    %shift_right_arithmetic3A_18 = arith.constant 5 : i32
    %shift_right_arithmetic3A_19 = arith.shrsi %add3A_17, %shift_right_arithmetic3A_18 : i32
    %shift_right_arithmetic3A_20 = arith.constant 3 : i32
    %shift_right_arithmetic3A_21 = arith.shrsi %shift_right_arithmetic3A_19, %shift_right_arithmetic3A_20 : i32
    %and3A_22 = arith.constant 7 : i32
    %and3A_23 = arith.andi %shift_right_arithmetic3A_19, %and3A_22 : i32
    %and3A_24 = arith.constant 31 : i32
    %and3A_25 = arith.andi %add3A_17, %and3A_24 : i32
    %dma_start3A = arith.constant 0 : i32
    %dma_start3A_26 = arith.constant 0 : i32
    %dma_start3A_27 = arith.constant 0 : i32
    %dma_start3A_28 = tpu.memref_slice %arg5[%dma_start3A, %dma_start3A_27] : memref<4x128xi32, #tpu.memory_space<vmem>> -> memref<1x128xi32, #tpu.memory_space<vmem>>
    %dma_start3A_29 = tpu.memref_squeeze %dma_start3A_28 : memref<1x128xi32, #tpu.memory_space<vmem>> -> memref<128xi32, #tpu.memory_space<vmem>>
    %dma_start3A_30 = arith.constant 0 : i32
    %dma_start3A_31 = tpu.memref_slice %arg2[%shift_right_arithmetic3A_21, %and3A_25, %and3A_23, %dma_start3A_30] : memref<25x32x8x128xi32, #tpu.memory_space<hbm>> -> memref<1x1x1x128xi32, #tpu.memory_space<hbm>>
    %dma_start3A_32 = tpu.memref_squeeze %dma_start3A_31 : memref<1x1x1x128xi32, #tpu.memory_space<hbm>> -> memref<128xi32, #tpu.memory_space<hbm>>
    %dma_start3A_33 = tpu.memref_slice %arg8[%dma_start3A_26] : memref<4x!tpu.dma_semaphore, #tpu.memory_space<semaphore_mem>> -> memref<1x!tpu.dma_semaphore, #tpu.memory_space<semaphore_mem>>
    %dma_start3A_34 = tpu.memref_squeeze %dma_start3A_33 : memref<1x!tpu.dma_semaphore, #tpu.memory_space<semaphore_mem>> -> memref<!tpu.dma_semaphore, #tpu.memory_space<semaphore_mem>>
    %dma_start3A_35 = arith.constant 0 : i32
    %dma_start3A_36 = tpu.memref_slice %arg5[%dma_start3A, %dma_start3A_35] : memref<4x128xi32, #tpu.memory_space<vmem>> -> memref<1x128xi32, #tpu.memory_space<vmem>>
    %dma_start3A_37 = tpu.memref_squeeze %dma_start3A_36 : memref<1x128xi32, #tpu.memory_space<vmem>> -> memref<128xi32, #tpu.memory_space<vmem>>
    %dma_start3A_38 = arith.constant 0 : i32
    %dma_start3A_39 = tpu.memref_slice %arg2[%shift_right_arithmetic3A_21, %and3A_25, %and3A_23, %dma_start3A_38] : memref<25x32x8x128xi32, #tpu.memory_space<hbm>> -> memref<1x1x1x128xi32, #tpu.memory_space<hbm>>
    %dma_start3A_40 = tpu.memref_squeeze %dma_start3A_39 : memref<1x1x1x128xi32, #tpu.memory_space<hbm>> -> memref<128xi32, #tpu.memory_space<hbm>>
    tpu.enqueue_dma source(%dma_start3A_40 : memref<128xi32, #tpu.memory_space<hbm>>) target(%dma_start3A_37 : memref<128xi32, #tpu.memory_space<vmem>>) target_semaphore(%dma_start3A_34 : memref<!tpu.dma_semaphore, #tpu.memory_space<semaphore_mem>>)
    %add3A_41 = arith.constant 1 : i32
    %add3A_42 = arith.addi %mul3A_2, %add3A_41 : i32
    %shift_right_arithmetic3A_43 = arith.constant 5 : i32
    %shift_right_arithmetic3A_44 = arith.shrsi %add3A_42, %shift_right_arithmetic3A_43 : i32
    %shift_right_arithmetic3A_45 = arith.constant 3 : i32
    %shift_right_arithmetic3A_46 = arith.shrsi %shift_right_arithmetic3A_44, %shift_right_arithmetic3A_45 : i32
    %and3A_47 = arith.constant 7 : i32
    %and3A_48 = arith.andi %shift_right_arithmetic3A_44, %and3A_47 : i32
    %and3A_49 = arith.constant 31 : i32
    %and3A_50 = arith.andi %add3A_42, %and3A_49 : i32
    %dma_start3A_51 = arith.constant 1 : i32
    %dma_start3A_52 = arith.constant 1 : i32
    %dma_start3A_53 = arith.constant 0 : i32
    %dma_start3A_54 = tpu.memref_slice %arg5[%dma_start3A_51, %dma_start3A_53] : memref<4x128xi32, #tpu.memory_space<vmem>> -> memref<1x128xi32, #tpu.memory_space<vmem>>
    %dma_start3A_55 = tpu.memref_squeeze %dma_start3A_54 : memref<1x128xi32, #tpu.memory_space<vmem>> -> memref<128xi32, #tpu.memory_space<vmem>>
    %dma_start3A_56 = arith.constant 0 : i32
    %dma_start3A_57 = tpu.memref_slice %arg2[%shift_right_arithmetic3A_46, %and3A_50, %and3A_48, %dma_start3A_56] : memref<25x32x8x128xi32, #tpu.memory_space<hbm>> -> memref<1x1x1x128xi32, #tpu.memory_space<hbm>>
    %dma_start3A_58 = tpu.memref_squeeze %dma_start3A_57 : memref<1x1x1x128xi32, #tpu.memory_space<hbm>> -> memref<128xi32, #tpu.memory_space<hbm>>
    %dma_start3A_59 = tpu.memref_slice %arg8[%dma_start3A_52] : memref<4x!tpu.dma_semaphore, #tpu.memory_space<semaphore_mem>> -> memref<1x!tpu.dma_semaphore, #tpu.memory_space<semaphore_mem>>
    %dma_start3A_60 = tpu.memref_squeeze %dma_start3A_59 : memref<1x!tpu.dma_semaphore, #tpu.memory_space<semaphore_mem>> -> memref<!tpu.dma_semaphore, #tpu.memory_space<semaphore_mem>>
    %dma_start3A_61 = arith.constant 0 : i32
    %dma_start3A_62 = tpu.memref_slice %arg5[%dma_start3A_51, %dma_start3A_61] : memref<4x128xi32, #tpu.memory_space<vmem>> -> memref<1x128xi32, #tpu.memory_space<vmem>>
    %dma_start3A_63 = tpu.memref_squeeze %dma_start3A_62 : memref<1x128xi32, #tpu.memory_space<vmem>> -> memref<128xi32, #tpu.memory_space<vmem>>
    %dma_start3A_64 = arith.constant 0 : i32
    %dma_start3A_65 = tpu.memref_slice %arg2[%shift_right_arithmetic3A_46, %and3A_50, %and3A_48, %dma_start3A_64] : memref<25x32x8x128xi32, #tpu.memory_space<hbm>> -> memref<1x1x1x128xi32, #tpu.memory_space<hbm>>
    %dma_start3A_66 = tpu.memref_squeeze %dma_start3A_65 : memref<1x1x1x128xi32, #tpu.memory_space<hbm>> -> memref<128xi32, #tpu.memory_space<hbm>>
    tpu.enqueue_dma source(%dma_start3A_66 : memref<128xi32, #tpu.memory_space<hbm>>) target(%dma_start3A_63 : memref<128xi32, #tpu.memory_space<vmem>>) target_semaphore(%dma_start3A_60 : memref<!tpu.dma_semaphore, #tpu.memory_space<semaphore_mem>>)
    %add3A_67 = arith.constant 2 : i32
    %add3A_68 = arith.addi %mul3A_2, %add3A_67 : i32
    %shift_right_arithmetic3A_69 = arith.constant 5 : i32
    %shift_right_arithmetic3A_70 = arith.shrsi %add3A_68, %shift_right_arithmetic3A_69 : i32
    %shift_right_arithmetic3A_71 = arith.constant 3 : i32
    %shift_right_arithmetic3A_72 = arith.shrsi %shift_right_arithmetic3A_70, %shift_right_arithmetic3A_71 : i32
    %and3A_73 = arith.constant 7 : i32
    %and3A_74 = arith.andi %shift_right_arithmetic3A_70, %and3A_73 : i32
    %and3A_75 = arith.constant 31 : i32
    %and3A_76 = arith.andi %add3A_68, %and3A_75 : i32
    %dma_start3A_77 = arith.constant 2 : i32
    %dma_start3A_78 = arith.constant 2 : i32
    %dma_start3A_79 = arith.constant 0 : i32
    %dma_start3A_80 = tpu.memref_slice %arg5[%dma_start3A_77, %dma_start3A_79] : memref<4x128xi32, #tpu.memory_space<vmem>> -> memref<1x128xi32, #tpu.memory_space<vmem>>
    %dma_start3A_81 = tpu.memref_squeeze %dma_start3A_80 : memref<1x128xi32, #tpu.memory_space<vmem>> -> memref<128xi32, #tpu.memory_space<vmem>>
    %dma_start3A_82 = arith.constant 0 : i32
    %dma_start3A_83 = tpu.memref_slice %arg2[%shift_right_arithmetic3A_72, %and3A_76, %and3A_74, %dma_start3A_82] : memref<25x32x8x128xi32, #tpu.memory_space<hbm>> -> memref<1x1x1x128xi32, #tpu.memory_space<hbm>>
    %dma_start3A_84 = tpu.memref_squeeze %dma_start3A_83 : memref<1x1x1x128xi32, #tpu.memory_space<hbm>> -> memref<128xi32, #tpu.memory_space<hbm>>
    %dma_start3A_85 = tpu.memref_slice %arg8[%dma_start3A_78] : memref<4x!tpu.dma_semaphore, #tpu.memory_space<semaphore_mem>> -> memref<1x!tpu.dma_semaphore, #tpu.memory_space<semaphore_mem>>
    %dma_start3A_86 = tpu.memref_squeeze %dma_start3A_85 : memref<1x!tpu.dma_semaphore, #tpu.memory_space<semaphore_mem>> -> memref<!tpu.dma_semaphore, #tpu.memory_space<semaphore_mem>>
    %dma_start3A_87 = arith.constant 0 : i32
    %dma_start3A_88 = tpu.memref_slice %arg5[%dma_start3A_77, %dma_start3A_87] : memref<4x128xi32, #tpu.memory_space<vmem>> -> memref<1x128xi32, #tpu.memory_space<vmem>>
    %dma_start3A_89 = tpu.memref_squeeze %dma_start3A_88 : memref<1x128xi32, #tpu.memory_space<vmem>> -> memref<128xi32, #tpu.memory_space<vmem>>
    %dma_start3A_90 = arith.constant 0 : i32
    %dma_start3A_91 = tpu.memref_slice %arg2[%shift_right_arithmetic3A_72, %and3A_76, %and3A_74, %dma_start3A_90] : memref<25x32x8x128xi32, #tpu.memory_space<hbm>> -> memref<1x1x1x128xi32, #tpu.memory_space<hbm>>
    %dma_start3A_92 = tpu.memref_squeeze %dma_start3A_91 : memref<1x1x1x128xi32, #tpu.memory_space<hbm>> -> memref<128xi32, #tpu.memory_space<hbm>>
    tpu.enqueue_dma source(%dma_start3A_92 : memref<128xi32, #tpu.memory_space<hbm>>) target(%dma_start3A_89 : memref<128xi32, #tpu.memory_space<vmem>>) target_semaphore(%dma_start3A_86 : memref<!tpu.dma_semaphore, #tpu.memory_space<semaphore_mem>>)
    %add3A_93 = arith.constant 3 : i32
    %add3A_94 = arith.addi %mul3A_2, %add3A_93 : i32
    %shift_right_arithmetic3A_95 = arith.constant 5 : i32
    %shift_right_arithmetic3A_96 = arith.shrsi %add3A_94, %shift_right_arithmetic3A_95 : i32
    %shift_right_arithmetic3A_97 = arith.constant 3 : i32
    %shift_right_arithmetic3A_98 = arith.shrsi %shift_right_arithmetic3A_96, %shift_right_arithmetic3A_97 : i32
    %and3A_99 = arith.constant 7 : i32
    %and3A_100 = arith.andi %shift_right_arithmetic3A_96, %and3A_99 : i32
    %and3A_101 = arith.constant 31 : i32
    %and3A_102 = arith.andi %add3A_94, %and3A_101 : i32
    %dma_start3A_103 = arith.constant 3 : i32
    %dma_start3A_104 = arith.constant 3 : i32
    %dma_start3A_105 = arith.constant 0 : i32
    %dma_start3A_106 = tpu.memref_slice %arg5[%dma_start3A_103, %dma_start3A_105] : memref<4x128xi32, #tpu.memory_space<vmem>> -> memref<1x128xi32, #tpu.memory_space<vmem>>
    %dma_start3A_107 = tpu.memref_squeeze %dma_start3A_106 : memref<1x128xi32, #tpu.memory_space<vmem>> -> memref<128xi32, #tpu.memory_space<vmem>>
    %dma_start3A_108 = arith.constant 0 : i32
    %dma_start3A_109 = tpu.memref_slice %arg2[%shift_right_arithmetic3A_98, %and3A_102, %and3A_100, %dma_start3A_108] : memref<25x32x8x128xi32, #tpu.memory_space<hbm>> -> memref<1x1x1x128xi32, #tpu.memory_space<hbm>>
    %dma_start3A_110 = tpu.memref_squeeze %dma_start3A_109 : memref<1x1x1x128xi32, #tpu.memory_space<hbm>> -> memref<128xi32, #tpu.memory_space<hbm>>
    %dma_start3A_111 = tpu.memref_slice %arg8[%dma_start3A_104] : memref<4x!tpu.dma_semaphore, #tpu.memory_space<semaphore_mem>> -> memref<1x!tpu.dma_semaphore, #tpu.memory_space<semaphore_mem>>
    %dma_start3A_112 = tpu.memref_squeeze %dma_start3A_111 : memref<1x!tpu.dma_semaphore, #tpu.memory_space<semaphore_mem>> -> memref<!tpu.dma_semaphore, #tpu.memory_space<semaphore_mem>>
    %dma_start3A_113 = arith.constant 0 : i32
    %dma_start3A_114 = tpu.memref_slice %arg5[%dma_start3A_103, %dma_start3A_113] : memref<4x128xi32, #tpu.memory_space<vmem>> -> memref<1x128xi32, #tpu.memory_space<vmem>>
    %dma_start3A_115 = tpu.memref_squeeze %dma_start3A_114 : memref<1x128xi32, #tpu.memory_space<vmem>> -> memref<128xi32, #tpu.memory_space<vmem>>
    %dma_start3A_116 = arith.constant 0 : i32
    %dma_start3A_117 = tpu.memref_slice %arg2[%shift_right_arithmetic3A_98, %and3A_102, %and3A_100, %dma_start3A_116] : memref<25x32x8x128xi32, #tpu.memory_space<hbm>> -> memref<1x1x1x128xi32, #tpu.memory_space<hbm>>
    %dma_start3A_118 = tpu.memref_squeeze %dma_start3A_117 : memref<1x1x1x128xi32, #tpu.memory_space<hbm>> -> memref<128xi32, #tpu.memory_space<hbm>>
    tpu.enqueue_dma source(%dma_start3A_118 : memref<128xi32, #tpu.memory_space<hbm>>) target(%dma_start3A_115 : memref<128xi32, #tpu.memory_space<vmem>>) target_semaphore(%dma_start3A_112 : memref<!tpu.dma_semaphore, #tpu.memory_space<semaphore_mem>>)
    %add3A_119 = arith.constant 0 : i32
    %add3A_120 = arith.addi %mul3A_2, %add3A_119 : i32
    %shift_right_arithmetic3A_121 = arith.constant 5 : i32
    %shift_right_arithmetic3A_122 = arith.shrsi %add3A_120, %shift_right_arithmetic3A_121 : i32
    %shift_right_arithmetic3A_123 = arith.constant 3 : i32
    %shift_right_arithmetic3A_124 = arith.shrsi %shift_right_arithmetic3A_122, %shift_right_arithmetic3A_123 : i32
    %and3A_125 = arith.constant 7 : i32
    %and3A_126 = arith.andi %shift_right_arithmetic3A_122, %and3A_125 : i32
    %and3A_127 = arith.constant 31 : i32
    %and3A_128 = arith.andi %add3A_120, %and3A_127 : i32
    %dma_wait3A = arith.constant 0 : i32
    %dma_wait3A_129 = arith.constant 0 : i32
    %dma_wait3A_130 = arith.constant 0 : i32
    %dma_wait3A_131 = tpu.memref_slice %arg5[%dma_wait3A, %dma_wait3A_130] : memref<4x128xi32, #tpu.memory_space<vmem>> -> memref<1x128xi32, #tpu.memory_space<vmem>>
    %dma_wait3A_132 = tpu.memref_squeeze %dma_wait3A_131 : memref<1x128xi32, #tpu.memory_space<vmem>> -> memref<128xi32, #tpu.memory_space<vmem>>
    %dma_wait3A_133 = arith.constant 0 : i32
    %dma_wait3A_134 = tpu.memref_slice %arg2[%shift_right_arithmetic3A_124, %and3A_128, %and3A_126, %dma_wait3A_133] : memref<25x32x8x128xi32, #tpu.memory_space<hbm>> -> memref<1x1x1x128xi32, #tpu.memory_space<hbm>>
    %dma_wait3A_135 = tpu.memref_squeeze %dma_wait3A_134 : memref<1x1x1x128xi32, #tpu.memory_space<hbm>> -> memref<128xi32, #tpu.memory_space<hbm>>
    %dma_wait3A_136 = tpu.memref_slice %arg8[%dma_wait3A_129] : memref<4x!tpu.dma_semaphore, #tpu.memory_space<semaphore_mem>> -> memref<1x!tpu.dma_semaphore, #tpu.memory_space<semaphore_mem>>
    %dma_wait3A_137 = tpu.memref_squeeze %dma_wait3A_136 : memref<1x!tpu.dma_semaphore, #tpu.memory_space<semaphore_mem>> -> memref<!tpu.dma_semaphore, #tpu.memory_space<semaphore_mem>>
    %dma_wait3A_138 = arith.constant 0 : i32
    %dma_wait3A_139 = tpu.memref_slice %arg5[%dma_wait3A, %dma_wait3A_138] : memref<4x128xi32, #tpu.memory_space<vmem>> -> memref<1x128xi32, #tpu.memory_space<vmem>>
    %dma_wait3A_140 = tpu.memref_squeeze %dma_wait3A_139 : memref<1x128xi32, #tpu.memory_space<vmem>> -> memref<128xi32, #tpu.memory_space<vmem>>
    %dma_wait3A_141 = arith.constant 0 : i32
    %dma_wait3A_142 = tpu.memref_slice %arg2[%shift_right_arithmetic3A_124, %and3A_128, %and3A_126, %dma_wait3A_141] : memref<25x32x8x128xi32, #tpu.memory_space<hbm>> -> memref<1x1x1x128xi32, #tpu.memory_space<hbm>>
    %dma_wait3A_143 = tpu.memref_squeeze %dma_wait3A_142 : memref<1x1x1x128xi32, #tpu.memory_space<hbm>> -> memref<128xi32, #tpu.memory_space<hbm>>
    tpu.wait_dma2 semaphore(%dma_wait3A_137 : memref<!tpu.dma_semaphore, #tpu.memory_space<semaphore_mem>>) src(%dma_wait3A_143 : memref<128xi32, #tpu.memory_space<hbm>>) dst(%dma_wait3A_140 : memref<128xi32, #tpu.memory_space<vmem>>)
    %dma_start3A_144 = arith.constant 0 : i32
    %dma_start3A_145 = arith.constant 0 : i32
    %dma_start3A_146 = arith.constant 0 : i32
    %dma_start3A_147 = arith.constant 0 : i32
    %dma_start3A_148 = arith.constant 0 : i32
    %dma_start3A_149 = tpu.memref_slice %arg6[%dma_start3A_145, %dma_start3A_147, %dma_start3A_148] : memref<4x128x32xf32, #tpu.memory_space<vmem>> -> memref<1x128x32xf32, #tpu.memory_space<vmem>>
    %dma_start3A_150 = tpu.memref_squeeze %dma_start3A_149 : memref<1x128x32xf32, #tpu.memory_space<vmem>> -> memref<128x32xf32, #tpu.memory_space<vmem>>
    %dma_start3A_151 = arith.constant 0 : i32
    %dma_start3A_152 = tpu.memref_slice %arg5[%dma_start3A_144, %dma_start3A_151] : memref<4x128xi32, #tpu.memory_space<vmem>> -> memref<1x128xi32, #tpu.memory_space<vmem>>
    %dma_start3A_153 = tpu.memref_squeeze %dma_start3A_152 : memref<1x128xi32, #tpu.memory_space<vmem>> -> memref<128xi32, #tpu.memory_space<vmem>>
    %dma_start3A_154 = arith.constant 0 : i32
    %dma_start3A_155 = arith.constant 0 : i32
    %dma_start3A_156 = tpu.memref_slice %arg3[%dma_start3A_154, %dma_start3A_155] : memref<1000000x32xf32, #tpu.memory_space<hbm>> -> memref<1000000x32xf32, #tpu.memory_space<hbm>>
    %dma_start3A_157 = tpu.memref_slice %arg9[%dma_start3A_146] : memref<4x!tpu.dma_semaphore, #tpu.memory_space<semaphore_mem>> -> memref<1x!tpu.dma_semaphore, #tpu.memory_space<semaphore_mem>>
    %dma_start3A_158 = tpu.memref_squeeze %dma_start3A_157 : memref<1x!tpu.dma_semaphore, #tpu.memory_space<semaphore_mem>> -> memref<!tpu.dma_semaphore, #tpu.memory_space<semaphore_mem>>
    tpu.enqueue_indirect_dma source(%dma_start3A_156 : memref<1000000x32xf32, #tpu.memory_space<hbm>>) target(%dma_start3A_150 : memref<128x32xf32, #tpu.memory_space<vmem>>) offsets(%dma_start3A_153 : memref<128xi32, #tpu.memory_space<vmem>>) semaphore(%dma_start3A_158 : memref<!tpu.dma_semaphore, #tpu.memory_space<semaphore_mem>>)
    %add3A_159 = arith.constant 1 : i32
    %add3A_160 = arith.addi %mul3A_2, %add3A_159 : i32
    %shift_right_arithmetic3A_161 = arith.constant 5 : i32
    %shift_right_arithmetic3A_162 = arith.shrsi %add3A_160, %shift_right_arithmetic3A_161 : i32
    %shift_right_arithmetic3A_163 = arith.constant 3 : i32
    %shift_right_arithmetic3A_164 = arith.shrsi %shift_right_arithmetic3A_162, %shift_right_arithmetic3A_163 : i32
    %and3A_165 = arith.constant 7 : i32
    %and3A_166 = arith.andi %shift_right_arithmetic3A_162, %and3A_165 : i32
    %and3A_167 = arith.constant 31 : i32
    %and3A_168 = arith.andi %add3A_160, %and3A_167 : i32
    %dma_wait3A_169 = arith.constant 1 : i32
    %dma_wait3A_170 = arith.constant 1 : i32
    %dma_wait3A_171 = arith.constant 0 : i32
    %dma_wait3A_172 = tpu.memref_slice %arg5[%dma_wait3A_169, %dma_wait3A_171] : memref<4x128xi32, #tpu.memory_space<vmem>> -> memref<1x128xi32, #tpu.memory_space<vmem>>
    %dma_wait3A_173 = tpu.memref_squeeze %dma_wait3A_172 : memref<1x128xi32, #tpu.memory_space<vmem>> -> memref<128xi32, #tpu.memory_space<vmem>>
    %dma_wait3A_174 = arith.constant 0 : i32
    %dma_wait3A_175 = tpu.memref_slice %arg2[%shift_right_arithmetic3A_164, %and3A_168, %and3A_166, %dma_wait3A_174] : memref<25x32x8x128xi32, #tpu.memory_space<hbm>> -> memref<1x1x1x128xi32, #tpu.memory_space<hbm>>
    %dma_wait3A_176 = tpu.memref_squeeze %dma_wait3A_175 : memref<1x1x1x128xi32, #tpu.memory_space<hbm>> -> memref<128xi32, #tpu.memory_space<hbm>>
    %dma_wait3A_177 = tpu.memref_slice %arg8[%dma_wait3A_170] : memref<4x!tpu.dma_semaphore, #tpu.memory_space<semaphore_mem>> -> memref<1x!tpu.dma_semaphore, #tpu.memory_space<semaphore_mem>>
    %dma_wait3A_178 = tpu.memref_squeeze %dma_wait3A_177 : memref<1x!tpu.dma_semaphore, #tpu.memory_space<semaphore_mem>> -> memref<!tpu.dma_semaphore, #tpu.memory_space<semaphore_mem>>
    %dma_wait3A_179 = arith.constant 0 : i32
    %dma_wait3A_180 = tpu.memref_slice %arg5[%dma_wait3A_169, %dma_wait3A_179] : memref<4x128xi32, #tpu.memory_space<vmem>> -> memref<1x128xi32, #tpu.memory_space<vmem>>
    %dma_wait3A_181 = tpu.memref_squeeze %dma_wait3A_180 : memref<1x128xi32, #tpu.memory_space<vmem>> -> memref<128xi32, #tpu.memory_space<vmem>>
    %dma_wait3A_182 = arith.constant 0 : i32
    %dma_wait3A_183 = tpu.memref_slice %arg2[%shift_right_arithmetic3A_164, %and3A_168, %and3A_166, %dma_wait3A_182] : memref<25x32x8x128xi32, #tpu.memory_space<hbm>> -> memref<1x1x1x128xi32, #tpu.memory_space<hbm>>
    %dma_wait3A_184 = tpu.memref_squeeze %dma_wait3A_183 : memref<1x1x1x128xi32, #tpu.memory_space<hbm>> -> memref<128xi32, #tpu.memory_space<hbm>>
    tpu.wait_dma2 semaphore(%dma_wait3A_178 : memref<!tpu.dma_semaphore, #tpu.memory_space<semaphore_mem>>) src(%dma_wait3A_184 : memref<128xi32, #tpu.memory_space<hbm>>) dst(%dma_wait3A_181 : memref<128xi32, #tpu.memory_space<vmem>>)
    %dma_start3A_185 = arith.constant 1 : i32
    %dma_start3A_186 = arith.constant 1 : i32
    %dma_start3A_187 = arith.constant 1 : i32
    %dma_start3A_188 = arith.constant 0 : i32
    %dma_start3A_189 = arith.constant 0 : i32
    %dma_start3A_190 = tpu.memref_slice %arg6[%dma_start3A_186, %dma_start3A_188, %dma_start3A_189] : memref<4x128x32xf32, #tpu.memory_space<vmem>> -> memref<1x128x32xf32, #tpu.memory_space<vmem>>
    %dma_start3A_191 = tpu.memref_squeeze %dma_start3A_190 : memref<1x128x32xf32, #tpu.memory_space<vmem>> -> memref<128x32xf32, #tpu.memory_space<vmem>>
    %dma_start3A_192 = arith.constant 0 : i32
    %dma_start3A_193 = tpu.memref_slice %arg5[%dma_start3A_185, %dma_start3A_192] : memref<4x128xi32, #tpu.memory_space<vmem>> -> memref<1x128xi32, #tpu.memory_space<vmem>>
    %dma_start3A_194 = tpu.memref_squeeze %dma_start3A_193 : memref<1x128xi32, #tpu.memory_space<vmem>> -> memref<128xi32, #tpu.memory_space<vmem>>
    %dma_start3A_195 = arith.constant 0 : i32
    %dma_start3A_196 = arith.constant 0 : i32
    %dma_start3A_197 = tpu.memref_slice %arg3[%dma_start3A_195, %dma_start3A_196] : memref<1000000x32xf32, #tpu.memory_space<hbm>> -> memref<1000000x32xf32, #tpu.memory_space<hbm>>
    %dma_start3A_198 = tpu.memref_slice %arg9[%dma_start3A_187] : memref<4x!tpu.dma_semaphore, #tpu.memory_space<semaphore_mem>> -> memref<1x!tpu.dma_semaphore, #tpu.memory_space<semaphore_mem>>
    %dma_start3A_199 = tpu.memref_squeeze %dma_start3A_198 : memref<1x!tpu.dma_semaphore, #tpu.memory_space<semaphore_mem>> -> memref<!tpu.dma_semaphore, #tpu.memory_space<semaphore_mem>>
    tpu.enqueue_indirect_dma source(%dma_start3A_197 : memref<1000000x32xf32, #tpu.memory_space<hbm>>) target(%dma_start3A_191 : memref<128x32xf32, #tpu.memory_space<vmem>>) offsets(%dma_start3A_194 : memref<128xi32, #tpu.memory_space<vmem>>) semaphore(%dma_start3A_199 : memref<!tpu.dma_semaphore, #tpu.memory_space<semaphore_mem>>)
    %scan3A = arith.constant 0 : i32
    %scan3A_200 = arith.constant 50 : i32
    %scan3A_201 = arith.addi %scan3A, %scan3A_200 : i32
    %scan3A_202 = arith.constant 1 : i32
    scf.for %scan3A_399 = %scan3A to %scan3A_201 step %scan3A_202  : i32 {
      %mul3A_400 = arith.constant 1 : i32
      %mul3A_401 = arith.muli %scan3A_399, %mul3A_400 : i32
      %add3A_402 = arith.constant 0 : i32
      %add3A_403 = arith.addi %add3A_402, %mul3A_401 : i32
      %mul3A_404 = arith.constant 4 : i32
      %mul3A_405 = arith.muli %add3A_403, %mul3A_404 : i32
      %add3A_406 = arith.addi %mul3A_2, %mul3A_405 : i32
      %add3A_407 = arith.constant 0 : i32
      %add3A_408 = arith.addi %add3A_406, %add3A_407 : i32
      %mul3A_409 = arith.constant 4 : i32
      %mul3A_410 = arith.muli %add3A_403, %mul3A_409 : i32
      %add3A_411 = arith.constant 0 : i32
      %add3A_412 = arith.addi %mul3A_410, %add3A_411 : i32
      %add3A_413 = arith.constant 2 : i32
      %add3A_414 = arith.addi %add3A_412, %add3A_413 : i32
      %lt3A = arith.constant 200 : i32
      %lt3A_415 = arith.cmpi slt, %add3A_414, %lt3A : i32
      %convert_element_type3A = arith.extui %lt3A_415 : i1 to i32
      %cond3A = arith.constant 0 : i32
      %cond3A_416 = arith.cmpi ne, %convert_element_type3A, %cond3A : i32
      scf.if %cond3A_416 {
        %add3A_999 = arith.constant 2 : i32
        %add3A_1000 = arith.addi %add3A_408, %add3A_999 : i32
        %shift_right_arithmetic3A_1001 = arith.constant 5 : i32
        %shift_right_arithmetic3A_1002 = arith.shrsi %add3A_1000, %shift_right_arithmetic3A_1001 : i32
        %shift_right_arithmetic3A_1003 = arith.constant 3 : i32
        %shift_right_arithmetic3A_1004 = arith.shrsi %shift_right_arithmetic3A_1002, %shift_right_arithmetic3A_1003 : i32
        %and3A_1005 = arith.constant 7 : i32
        %and3A_1006 = arith.andi %shift_right_arithmetic3A_1002, %and3A_1005 : i32
        %and3A_1007 = arith.constant 31 : i32
        %and3A_1008 = arith.andi %add3A_1000, %and3A_1007 : i32
        %dma_wait3A_1009 = arith.constant 2 : i32
        %dma_wait3A_1010 = arith.constant 2 : i32
        %dma_wait3A_1011 = arith.constant 0 : i32
        %dma_wait3A_1012 = tpu.memref_slice %arg5[%dma_wait3A_1009, %dma_wait3A_1011] : memref<4x128xi32, #tpu.memory_space<vmem>> -> memref<1x128xi32, #tpu.memory_space<vmem>>
        %dma_wait3A_1013 = tpu.memref_squeeze %dma_wait3A_1012 : memref<1x128xi32, #tpu.memory_space<vmem>> -> memref<128xi32, #tpu.memory_space<vmem>>
        %dma_wait3A_1014 = arith.constant 0 : i32
        %dma_wait3A_1015 = tpu.memref_slice %arg2[%shift_right_arithmetic3A_1004, %and3A_1008, %and3A_1006, %dma_wait3A_1014] : memref<25x32x8x128xi32, #tpu.memory_space<hbm>> -> memref<1x1x1x128xi32, #tpu.memory_space<hbm>>
        %dma_wait3A_1016 = tpu.memref_squeeze %dma_wait3A_1015 : memref<1x1x1x128xi32, #tpu.memory_space<hbm>> -> memref<128xi32, #tpu.memory_space<hbm>>
        %dma_wait3A_1017 = tpu.memref_slice %arg8[%dma_wait3A_1010] : memref<4x!tpu.dma_semaphore, #tpu.memory_space<semaphore_mem>> -> memref<1x!tpu.dma_semaphore, #tpu.memory_space<semaphore_mem>>
        %dma_wait3A_1018 = tpu.memref_squeeze %dma_wait3A_1017 : memref<1x!tpu.dma_semaphore, #tpu.memory_space<semaphore_mem>> -> memref<!tpu.dma_semaphore, #tpu.memory_space<semaphore_mem>>
        %dma_wait3A_1019 = arith.constant 0 : i32
        %dma_wait3A_1020 = tpu.memref_slice %arg5[%dma_wait3A_1009, %dma_wait3A_1019] : memref<4x128xi32, #tpu.memory_space<vmem>> -> memref<1x128xi32, #tpu.memory_space<vmem>>
        %dma_wait3A_1021 = tpu.memref_squeeze %dma_wait3A_1020 : memref<1x128xi32, #tpu.memory_space<vmem>> -> memref<128xi32, #tpu.memory_space<vmem>>
        %dma_wait3A_1022 = arith.constant 0 : i32
        %dma_wait3A_1023 = tpu.memref_slice %arg2[%shift_right_arithmetic3A_1004, %and3A_1008, %and3A_1006, %dma_wait3A_1022] : memref<25x32x8x128xi32, #tpu.memory_space<hbm>> -> memref<1x1x1x128xi32, #tpu.memory_space<hbm>>
        %dma_wait3A_1024 = tpu.memref_squeeze %dma_wait3A_1023 : memref<1x1x1x128xi32, #tpu.memory_space<hbm>> -> memref<128xi32, #tpu.memory_space<hbm>>
        tpu.wait_dma2 semaphore(%dma_wait3A_1018 : memref<!tpu.dma_semaphore, #tpu.memory_space<semaphore_mem>>) src(%dma_wait3A_1024 : memref<128xi32, #tpu.memory_space<hbm>>) dst(%dma_wait3A_1021 : memref<128xi32, #tpu.memory_space<vmem>>)
        %dma_start3A_1025 = arith.constant 2 : i32
        %dma_start3A_1026 = arith.constant 2 : i32
        %dma_start3A_1027 = arith.constant 2 : i32
        %dma_start3A_1028 = arith.constant 0 : i32
        %dma_start3A_1029 = arith.constant 0 : i32
        %dma_start3A_1030 = tpu.memref_slice %arg6[%dma_start3A_1026, %dma_start3A_1028, %dma_start3A_1029] : memref<4x128x32xf32, #tpu.memory_space<vmem>> -> memref<1x128x32xf32, #tpu.memory_space<vmem>>
        %dma_start3A_1031 = tpu.memref_squeeze %dma_start3A_1030 : memref<1x128x32xf32, #tpu.memory_space<vmem>> -> memref<128x32xf32, #tpu.memory_space<vmem>>
        %dma_start3A_1032 = arith.constant 0 : i32
        %dma_start3A_1033 = tpu.memref_slice %arg5[%dma_start3A_1025, %dma_start3A_1032] : memref<4x128xi32, #tpu.memory_space<vmem>> -> memref<1x128xi32, #tpu.memory_space<vmem>>
        %dma_start3A_1034 = tpu.memref_squeeze %dma_start3A_1033 : memref<1x128xi32, #tpu.memory_space<vmem>> -> memref<128xi32, #tpu.memory_space<vmem>>
        %dma_start3A_1035 = arith.constant 0 : i32
        %dma_start3A_1036 = arith.constant 0 : i32
        %dma_start3A_1037 = tpu.memref_slice %arg3[%dma_start3A_1035, %dma_start3A_1036] : memref<1000000x32xf32, #tpu.memory_space<hbm>> -> memref<1000000x32xf32, #tpu.memory_space<hbm>>
        %dma_start3A_1038 = tpu.memref_slice %arg9[%dma_start3A_1027] : memref<4x!tpu.dma_semaphore, #tpu.memory_space<semaphore_mem>> -> memref<1x!tpu.dma_semaphore, #tpu.memory_space<semaphore_mem>>
        %dma_start3A_1039 = tpu.memref_squeeze %dma_start3A_1038 : memref<1x!tpu.dma_semaphore, #tpu.memory_space<semaphore_mem>> -> memref<!tpu.dma_semaphore, #tpu.memory_space<semaphore_mem>>
        tpu.enqueue_indirect_dma source(%dma_start3A_1037 : memref<1000000x32xf32, #tpu.memory_space<hbm>>) target(%dma_start3A_1031 : memref<128x32xf32, #tpu.memory_space<vmem>>) offsets(%dma_start3A_1034 : memref<128xi32, #tpu.memory_space<vmem>>) semaphore(%dma_start3A_1039 : memref<!tpu.dma_semaphore, #tpu.memory_space<semaphore_mem>>)
      } else {
      }
      %dma_wait3A_417 = arith.constant 0 : i32
      %dma_wait3A_418 = arith.constant 0 : i32
      %dma_wait3A_419 = arith.constant 0 : i32
      %dma_wait3A_420 = arith.constant 0 : i32
      %dma_wait3A_421 = arith.constant 0 : i32
      %dma_wait3A_422 = tpu.memref_slice %arg6[%dma_wait3A_418, %dma_wait3A_420, %dma_wait3A_421] : memref<4x128x32xf32, #tpu.memory_space<vmem>> -> memref<1x128x32xf32, #tpu.memory_space<vmem>>
      %dma_wait3A_423 = tpu.memref_squeeze %dma_wait3A_422 : memref<1x128x32xf32, #tpu.memory_space<vmem>> -> memref<128x32xf32, #tpu.memory_space<vmem>>
      %dma_wait3A_424 = arith.constant 0 : i32
      %dma_wait3A_425 = tpu.memref_slice %arg5[%dma_wait3A_417, %dma_wait3A_424] : memref<4x128xi32, #tpu.memory_space<vmem>> -> memref<1x128xi32, #tpu.memory_space<vmem>>
      %dma_wait3A_426 = tpu.memref_squeeze %dma_wait3A_425 : memref<1x128xi32, #tpu.memory_space<vmem>> -> memref<128xi32, #tpu.memory_space<vmem>>
      %dma_wait3A_427 = arith.constant 0 : i32
      %dma_wait3A_428 = arith.constant 0 : i32
      %dma_wait3A_429 = tpu.memref_slice %arg3[%dma_wait3A_427, %dma_wait3A_428] : memref<1000000x32xf32, #tpu.memory_space<hbm>> -> memref<1000000x32xf32, #tpu.memory_space<hbm>>
      %dma_wait3A_430 = tpu.memref_slice %arg9[%dma_wait3A_419] : memref<4x!tpu.dma_semaphore, #tpu.memory_space<semaphore_mem>> -> memref<1x!tpu.dma_semaphore, #tpu.memory_space<semaphore_mem>>
      %dma_wait3A_431 = tpu.memref_squeeze %dma_wait3A_430 : memref<1x!tpu.dma_semaphore, #tpu.memory_space<semaphore_mem>> -> memref<!tpu.dma_semaphore, #tpu.memory_space<semaphore_mem>>
      tpu.wait_indirect_dma semaphore(%dma_wait3A_431 : memref<!tpu.dma_semaphore, #tpu.memory_space<semaphore_mem>>) src(%dma_wait3A_429 : memref<1000000x32xf32, #tpu.memory_space<hbm>>) dst(%dma_wait3A_423 : memref<128x32xf32, #tpu.memory_space<vmem>>)
      %mul3A_432 = arith.constant 4 : i32
      %mul3A_433 = arith.muli %add3A_403, %mul3A_432 : i32
      %add3A_434 = arith.constant 0 : i32
      %add3A_435 = arith.addi %mul3A_433, %add3A_434 : i32
      %add3A_436 = arith.constant 4 : i32
      %add3A_437 = arith.addi %add3A_435, %add3A_436 : i32
      %lt3A_438 = arith.constant 200 : i32
      %lt3A_439 = arith.cmpi slt, %add3A_437, %lt3A_438 : i32
      %convert_element_type3A_440 = arith.extui %lt3A_439 : i1 to i32
      %cond3A_441 = arith.constant 0 : i32
      %cond3A_442 = arith.cmpi ne, %convert_element_type3A_440, %cond3A_441 : i32
      scf.if %cond3A_442 {
        %add3A_999 = arith.constant 4 : i32
        %add3A_1000 = arith.addi %add3A_408, %add3A_999 : i32
        %shift_right_arithmetic3A_1001 = arith.constant 5 : i32
        %shift_right_arithmetic3A_1002 = arith.shrsi %add3A_1000, %shift_right_arithmetic3A_1001 : i32
        %shift_right_arithmetic3A_1003 = arith.constant 3 : i32
        %shift_right_arithmetic3A_1004 = arith.shrsi %shift_right_arithmetic3A_1002, %shift_right_arithmetic3A_1003 : i32
        %and3A_1005 = arith.constant 7 : i32
        %and3A_1006 = arith.andi %shift_right_arithmetic3A_1002, %and3A_1005 : i32
        %and3A_1007 = arith.constant 31 : i32
        %and3A_1008 = arith.andi %add3A_1000, %and3A_1007 : i32
        %dma_start3A_1009 = arith.constant 0 : i32
        %dma_start3A_1010 = arith.constant 0 : i32
        %dma_start3A_1011 = arith.constant 0 : i32
        %dma_start3A_1012 = tpu.memref_slice %arg5[%dma_start3A_1009, %dma_start3A_1011] : memref<4x128xi32, #tpu.memory_space<vmem>> -> memref<1x128xi32, #tpu.memory_space<vmem>>
        %dma_start3A_1013 = tpu.memref_squeeze %dma_start3A_1012 : memref<1x128xi32, #tpu.memory_space<vmem>> -> memref<128xi32, #tpu.memory_space<vmem>>
        %dma_start3A_1014 = arith.constant 0 : i32
        %dma_start3A_1015 = tpu.memref_slice %arg2[%shift_right_arithmetic3A_1004, %and3A_1008, %and3A_1006, %dma_start3A_1014] : memref<25x32x8x128xi32, #tpu.memory_space<hbm>> -> memref<1x1x1x128xi32, #tpu.memory_space<hbm>>
        %dma_start3A_1016 = tpu.memref_squeeze %dma_start3A_1015 : memref<1x1x1x128xi32, #tpu.memory_space<hbm>> -> memref<128xi32, #tpu.memory_space<hbm>>
        %dma_start3A_1017 = tpu.memref_slice %arg8[%dma_start3A_1010] : memref<4x!tpu.dma_semaphore, #tpu.memory_space<semaphore_mem>> -> memref<1x!tpu.dma_semaphore, #tpu.memory_space<semaphore_mem>>
        %dma_start3A_1018 = tpu.memref_squeeze %dma_start3A_1017 : memref<1x!tpu.dma_semaphore, #tpu.memory_space<semaphore_mem>> -> memref<!tpu.dma_semaphore, #tpu.memory_space<semaphore_mem>>
        %dma_start3A_1019 = arith.constant 0 : i32
        %dma_start3A_1020 = tpu.memref_slice %arg5[%dma_start3A_1009, %dma_start3A_1019] : memref<4x128xi32, #tpu.memory_space<vmem>> -> memref<1x128xi32, #tpu.memory_space<vmem>>
        %dma_start3A_1021 = tpu.memref_squeeze %dma_start3A_1020 : memref<1x128xi32, #tpu.memory_space<vmem>> -> memref<128xi32, #tpu.memory_space<vmem>>
        %dma_start3A_1022 = arith.constant 0 : i32
        %dma_start3A_1023 = tpu.memref_slice %arg2[%shift_right_arithmetic3A_1004, %and3A_1008, %and3A_1006, %dma_start3A_1022] : memref<25x32x8x128xi32, #tpu.memory_space<hbm>> -> memref<1x1x1x128xi32, #tpu.memory_space<hbm>>
        %dma_start3A_1024 = tpu.memref_squeeze %dma_start3A_1023 : memref<1x1x1x128xi32, #tpu.memory_space<hbm>> -> memref<128xi32, #tpu.memory_space<hbm>>
        tpu.enqueue_dma source(%dma_start3A_1024 : memref<128xi32, #tpu.memory_space<hbm>>) target(%dma_start3A_1021 : memref<128xi32, #tpu.memory_space<vmem>>) target_semaphore(%dma_start3A_1018 : memref<!tpu.dma_semaphore, #tpu.memory_space<semaphore_mem>>)
      } else {
      }
      %mul3A_443 = arith.constant 4 : i32
      %mul3A_444 = arith.muli %add3A_403, %mul3A_443 : i32
      %add3A_445 = arith.constant 0 : i32
      %add3A_446 = arith.addi %mul3A_444, %add3A_445 : i32
      %ge3A = arith.constant 2 : i32
      %ge3A_447 = arith.cmpi sge, %add3A_446, %ge3A : i32
      %convert_element_type3A_448 = arith.extui %ge3A_447 : i1 to i32
      %cond3A_449 = arith.constant 0 : i32
      %cond3A_450 = arith.cmpi ne, %convert_element_type3A_448, %cond3A_449 : i32
      scf.if %cond3A_450 {
        %sub3A_999 = arith.constant 2 : i32
        %sub3A_1000 = arith.subi %add3A_408, %sub3A_999 : i32
        %shift_right_arithmetic3A_1001 = arith.constant 5 : i32
        %shift_right_arithmetic3A_1002 = arith.shrsi %sub3A_1000, %shift_right_arithmetic3A_1001 : i32
        %and3A_1003 = arith.constant 31 : i32
        %and3A_1004 = arith.andi %sub3A_1000, %and3A_1003 : i32
        %dma_wait3A_1005 = arith.constant 0 : i32
        %dma_wait3A_1006 = arith.constant 0 : i32
        %dma_wait3A_1007 = arith.constant 0 : i32
        %dma_wait3A_1008 = arith.constant 0 : i32
        %dma_wait3A_1009 = arith.constant 0 : i32
        %dma_wait3A_1010 = arith.constant 0 : i32
        %dma_wait3A_1011 = tpu.memref_slice %arg7[%dma_wait3A_1005, %dma_wait3A_1006, %dma_wait3A_1009, %dma_wait3A_1010] : memref<2x4x8x129xf32, #tpu.memory_space<vmem>> -> memref<1x1x8x128xf32, #tpu.memory_space<vmem>>
        %dma_wait3A_1012 = tpu.memref_squeeze %dma_wait3A_1011 : memref<1x1x8x128xf32, #tpu.memory_space<vmem>> -> memref<8x128xf32, #tpu.memory_space<vmem>>
        %dma_wait3A_1013 = arith.constant 0 : i32
        %dma_wait3A_1014 = arith.constant 0 : i32
        %dma_wait3A_1015 = tpu.memref_slice %arg4[%shift_right_arithmetic3A_1002, %dma_wait3A_1007, %and3A_1004, %dma_wait3A_1013, %dma_wait3A_1014] : memref<200x4x32x8x128xf32, #tpu.memory_space<hbm>> -> memref<1x1x1x8x128xf32, #tpu.memory_space<hbm>>
        %dma_wait3A_1016 = tpu.memref_squeeze %dma_wait3A_1015 : memref<1x1x1x8x128xf32, #tpu.memory_space<hbm>> -> memref<8x128xf32, #tpu.memory_space<hbm>>
        %dma_wait3A_1017 = tpu.memref_slice %arg10[%dma_wait3A_1008] : memref<2x!tpu.dma_semaphore, #tpu.memory_space<semaphore_mem>> -> memref<1x!tpu.dma_semaphore, #tpu.memory_space<semaphore_mem>>
        %dma_wait3A_1018 = tpu.memref_squeeze %dma_wait3A_1017 : memref<1x!tpu.dma_semaphore, #tpu.memory_space<semaphore_mem>> -> memref<!tpu.dma_semaphore, #tpu.memory_space<semaphore_mem>>
        %dma_wait3A_1019 = arith.constant 0 : i32
        %dma_wait3A_1020 = arith.constant 0 : i32
        %dma_wait3A_1021 = tpu.memref_slice %arg4[%shift_right_arithmetic3A_1002, %dma_wait3A_1007, %and3A_1004, %dma_wait3A_1019, %dma_wait3A_1020] : memref<200x4x32x8x128xf32, #tpu.memory_space<hbm>> -> memref<1x1x1x8x128xf32, #tpu.memory_space<hbm>>
        %dma_wait3A_1022 = tpu.memref_squeeze %dma_wait3A_1021 : memref<1x1x1x8x128xf32, #tpu.memory_space<hbm>> -> memref<8x128xf32, #tpu.memory_space<hbm>>
        %dma_wait3A_1023 = arith.constant 0 : i32
        %dma_wait3A_1024 = arith.constant 0 : i32
        %dma_wait3A_1025 = tpu.memref_slice %arg7[%dma_wait3A_1005, %dma_wait3A_1006, %dma_wait3A_1023, %dma_wait3A_1024] : memref<2x4x8x129xf32, #tpu.memory_space<vmem>> -> memref<1x1x8x128xf32, #tpu.memory_space<vmem>>
        %dma_wait3A_1026 = tpu.memref_squeeze %dma_wait3A_1025 : memref<1x1x8x128xf32, #tpu.memory_space<vmem>> -> memref<8x128xf32, #tpu.memory_space<vmem>>
        tpu.wait_dma2 semaphore(%dma_wait3A_1018 : memref<!tpu.dma_semaphore, #tpu.memory_space<semaphore_mem>>) src(%dma_wait3A_1026 : memref<8x128xf32, #tpu.memory_space<vmem>>) dst(%dma_wait3A_1022 : memref<8x128xf32, #tpu.memory_space<hbm>>)
        %dma_wait3A_1027 = arith.constant 0 : i32
        %dma_wait3A_1028 = arith.constant 1 : i32
        %dma_wait3A_1029 = arith.constant 1 : i32
        %dma_wait3A_1030 = arith.constant 0 : i32
        %dma_wait3A_1031 = arith.constant 0 : i32
        %dma_wait3A_1032 = arith.constant 0 : i32
        %dma_wait3A_1033 = tpu.memref_slice %arg7[%dma_wait3A_1027, %dma_wait3A_1028, %dma_wait3A_1031, %dma_wait3A_1032] : memref<2x4x8x129xf32, #tpu.memory_space<vmem>> -> memref<1x1x8x128xf32, #tpu.memory_space<vmem>>
        %dma_wait3A_1034 = tpu.memref_squeeze %dma_wait3A_1033 : memref<1x1x8x128xf32, #tpu.memory_space<vmem>> -> memref<8x128xf32, #tpu.memory_space<vmem>>
        %dma_wait3A_1035 = arith.constant 0 : i32
        %dma_wait3A_1036 = arith.constant 0 : i32
        %dma_wait3A_1037 = tpu.memref_slice %arg4[%shift_right_arithmetic3A_1002, %dma_wait3A_1029, %and3A_1004, %dma_wait3A_1035, %dma_wait3A_1036] : memref<200x4x32x8x128xf32, #tpu.memory_space<hbm>> -> memref<1x1x1x8x128xf32, #tpu.memory_space<hbm>>
        %dma_wait3A_1038 = tpu.memref_squeeze %dma_wait3A_1037 : memref<1x1x1x8x128xf32, #tpu.memory_space<hbm>> -> memref<8x128xf32, #tpu.memory_space<hbm>>
        %dma_wait3A_1039 = tpu.memref_slice %arg10[%dma_wait3A_1030] : memref<2x!tpu.dma_semaphore, #tpu.memory_space<semaphore_mem>> -> memref<1x!tpu.dma_semaphore, #tpu.memory_space<semaphore_mem>>
        %dma_wait3A_1040 = tpu.memref_squeeze %dma_wait3A_1039 : memref<1x!tpu.dma_semaphore, #tpu.memory_space<semaphore_mem>> -> memref<!tpu.dma_semaphore, #tpu.memory_space<semaphore_mem>>
        %dma_wait3A_1041 = arith.constant 0 : i32
        %dma_wait3A_1042 = arith.constant 0 : i32
        %dma_wait3A_1043 = tpu.memref_slice %arg4[%shift_right_arithmetic3A_1002, %dma_wait3A_1029, %and3A_1004, %dma_wait3A_1041, %dma_wait3A_1042] : memref<200x4x32x8x128xf32, #tpu.memory_space<hbm>> -> memref<1x1x1x8x128xf32, #tpu.memory_space<hbm>>
        %dma_wait3A_1044 = tpu.memref_squeeze %dma_wait3A_1043 : memref<1x1x1x8x128xf32, #tpu.memory_space<hbm>> -> memref<8x128xf32, #tpu.memory_space<hbm>>
        %dma_wait3A_1045 = arith.constant 0 : i32
        %dma_wait3A_1046 = arith.constant 0 : i32
        %dma_wait3A_1047 = tpu.memref_slice %arg7[%dma_wait3A_1027, %dma_wait3A_1028, %dma_wait3A_1045, %dma_wait3A_1046] : memref<2x4x8x129xf32, #tpu.memory_space<vmem>> -> memref<1x1x8x128xf32, #tpu.memory_space<vmem>>
        %dma_wait3A_1048 = tpu.memref_squeeze %dma_wait3A_1047 : memref<1x1x8x128xf32, #tpu.memory_space<vmem>> -> memref<8x128xf32, #tpu.memory_space<vmem>>
        tpu.wait_dma2 semaphore(%dma_wait3A_1040 : memref<!tpu.dma_semaphore, #tpu.memory_space<semaphore_mem>>) src(%dma_wait3A_1048 : memref<8x128xf32, #tpu.memory_space<vmem>>) dst(%dma_wait3A_1044 : memref<8x128xf32, #tpu.memory_space<hbm>>)
        %dma_wait3A_1049 = arith.constant 0 : i32
        %dma_wait3A_1050 = arith.constant 2 : i32
        %dma_wait3A_1051 = arith.constant 2 : i32
        %dma_wait3A_1052 = arith.constant 0 : i32
        %dma_wait3A_1053 = arith.constant 0 : i32
        %dma_wait3A_1054 = arith.constant 0 : i32
        %dma_wait3A_1055 = tpu.memref_slice %arg7[%dma_wait3A_1049, %dma_wait3A_1050, %dma_wait3A_1053, %dma_wait3A_1054] : memref<2x4x8x129xf32, #tpu.memory_space<vmem>> -> memref<1x1x8x128xf32, #tpu.memory_space<vmem>>
        %dma_wait3A_1056 = tpu.memref_squeeze %dma_wait3A_1055 : memref<1x1x8x128xf32, #tpu.memory_space<vmem>> -> memref<8x128xf32, #tpu.memory_space<vmem>>
        %dma_wait3A_1057 = arith.constant 0 : i32
        %dma_wait3A_1058 = arith.constant 0 : i32
        %dma_wait3A_1059 = tpu.memref_slice %arg4[%shift_right_arithmetic3A_1002, %dma_wait3A_1051, %and3A_1004, %dma_wait3A_1057, %dma_wait3A_1058] : memref<200x4x32x8x128xf32, #tpu.memory_space<hbm>> -> memref<1x1x1x8x128xf32, #tpu.memory_space<hbm>>
        %dma_wait3A_1060 = tpu.memref_squeeze %dma_wait3A_1059 : memref<1x1x1x8x128xf32, #tpu.memory_space<hbm>> -> memref<8x128xf32, #tpu.memory_space<hbm>>
        %dma_wait3A_1061 = tpu.memref_slice %arg10[%dma_wait3A_1052] : memref<2x!tpu.dma_semaphore, #tpu.memory_space<semaphore_mem>> -> memref<1x!tpu.dma_semaphore, #tpu.memory_space<semaphore_mem>>
        %dma_wait3A_1062 = tpu.memref_squeeze %dma_wait3A_1061 : memref<1x!tpu.dma_semaphore, #tpu.memory_space<semaphore_mem>> -> memref<!tpu.dma_semaphore, #tpu.memory_space<semaphore_mem>>
        %dma_wait3A_1063 = arith.constant 0 : i32
        %dma_wait3A_1064 = arith.constant 0 : i32
        %dma_wait3A_1065 = tpu.memref_slice %arg4[%shift_right_arithmetic3A_1002, %dma_wait3A_1051, %and3A_1004, %dma_wait3A_1063, %dma_wait3A_1064] : memref<200x4x32x8x128xf32, #tpu.memory_space<hbm>> -> memref<1x1x1x8x128xf32, #tpu.memory_space<hbm>>
        %dma_wait3A_1066 = tpu.memref_squeeze %dma_wait3A_1065 : memref<1x1x1x8x128xf32, #tpu.memory_space<hbm>> -> memref<8x128xf32, #tpu.memory_space<hbm>>
        %dma_wait3A_1067 = arith.constant 0 : i32
        %dma_wait3A_1068 = arith.constant 0 : i32
        %dma_wait3A_1069 = tpu.memref_slice %arg7[%dma_wait3A_1049, %dma_wait3A_1050, %dma_wait3A_1067, %dma_wait3A_1068] : memref<2x4x8x129xf32, #tpu.memory_space<vmem>> -> memref<1x1x8x128xf32, #tpu.memory_space<vmem>>
        %dma_wait3A_1070 = tpu.memref_squeeze %dma_wait3A_1069 : memref<1x1x8x128xf32, #tpu.memory_space<vmem>> -> memref<8x128xf32, #tpu.memory_space<vmem>>
        tpu.wait_dma2 semaphore(%dma_wait3A_1062 : memref<!tpu.dma_semaphore, #tpu.memory_space<semaphore_mem>>) src(%dma_wait3A_1070 : memref<8x128xf32, #tpu.memory_space<vmem>>) dst(%dma_wait3A_1066 : memref<8x128xf32, #tpu.memory_space<hbm>>)
        %dma_wait3A_1071 = arith.constant 0 : i32
        %dma_wait3A_1072 = arith.constant 3 : i32
        %dma_wait3A_1073 = arith.constant 3 : i32
        %dma_wait3A_1074 = arith.constant 0 : i32
        %dma_wait3A_1075 = arith.constant 0 : i32
        %dma_wait3A_1076 = arith.constant 0 : i32
        %dma_wait3A_1077 = tpu.memref_slice %arg7[%dma_wait3A_1071, %dma_wait3A_1072, %dma_wait3A_1075, %dma_wait3A_1076] : memref<2x4x8x129xf32, #tpu.memory_space<vmem>> -> memref<1x1x8x128xf32, #tpu.memory_space<vmem>>
        %dma_wait3A_1078 = tpu.memref_squeeze %dma_wait3A_1077 : memref<1x1x8x128xf32, #tpu.memory_space<vmem>> -> memref<8x128xf32, #tpu.memory_space<vmem>>
        %dma_wait3A_1079 = arith.constant 0 : i32
        %dma_wait3A_1080 = arith.constant 0 : i32
        %dma_wait3A_1081 = tpu.memref_slice %arg4[%shift_right_arithmetic3A_1002, %dma_wait3A_1073, %and3A_1004, %dma_wait3A_1079, %dma_wait3A_1080] : memref<200x4x32x8x128xf32, #tpu.memory_space<hbm>> -> memref<1x1x1x8x128xf32, #tpu.memory_space<hbm>>
        %dma_wait3A_1082 = tpu.memref_squeeze %dma_wait3A_1081 : memref<1x1x1x8x128xf32, #tpu.memory_space<hbm>> -> memref<8x128xf32, #tpu.memory_space<hbm>>
        %dma_wait3A_1083 = tpu.memref_slice %arg10[%dma_wait3A_1074] : memref<2x!tpu.dma_semaphore, #tpu.memory_space<semaphore_mem>> -> memref<1x!tpu.dma_semaphore, #tpu.memory_space<semaphore_mem>>
        %dma_wait3A_1084 = tpu.memref_squeeze %dma_wait3A_1083 : memref<1x!tpu.dma_semaphore, #tpu.memory_space<semaphore_mem>> -> memref<!tpu.dma_semaphore, #tpu.memory_space<semaphore_mem>>
        %dma_wait3A_1085 = arith.constant 0 : i32
        %dma_wait3A_1086 = arith.constant 0 : i32
        %dma_wait3A_1087 = tpu.memref_slice %arg4[%shift_right_arithmetic3A_1002, %dma_wait3A_1073, %and3A_1004, %dma_wait3A_1085, %dma_wait3A_1086] : memref<200x4x32x8x128xf32, #tpu.memory_space<hbm>> -> memref<1x1x1x8x128xf32, #tpu.memory_space<hbm>>
        %dma_wait3A_1088 = tpu.memref_squeeze %dma_wait3A_1087 : memref<1x1x1x8x128xf32, #tpu.memory_space<hbm>> -> memref<8x128xf32, #tpu.memory_space<hbm>>
        %dma_wait3A_1089 = arith.constant 0 : i32
        %dma_wait3A_1090 = arith.constant 0 : i32
        %dma_wait3A_1091 = tpu.memref_slice %arg7[%dma_wait3A_1071, %dma_wait3A_1072, %dma_wait3A_1089, %dma_wait3A_1090] : memref<2x4x8x129xf32, #tpu.memory_space<vmem>> -> memref<1x1x8x128xf32, #tpu.memory_space<vmem>>
        %dma_wait3A_1092 = tpu.memref_squeeze %dma_wait3A_1091 : memref<1x1x8x128xf32, #tpu.memory_space<vmem>> -> memref<8x128xf32, #tpu.memory_space<vmem>>
        tpu.wait_dma2 semaphore(%dma_wait3A_1084 : memref<!tpu.dma_semaphore, #tpu.memory_space<semaphore_mem>>) src(%dma_wait3A_1092 : memref<8x128xf32, #tpu.memory_space<vmem>>) dst(%dma_wait3A_1088 : memref<8x128xf32, #tpu.memory_space<hbm>>)
      } else {
      }
      %mul3A_451 = arith.constant 0 : i32
      %mul3A_452 = vector.broadcast %mul3A_451 : i32 to vector<16xi32>
      %mul3A_453 = arith.muli %iota3A, %mul3A_452 : vector<16xi32>
      %parallel_loop3A = arith.constant 0 : i32
      %parallel_loop3A_454 = arith.constant 128 : i32
      %parallel_loop3A_455 = arith.constant 1 : i32
      %parallel_loop3A_456 = scf.for %parallel_loop3A_999 = %parallel_loop3A to %parallel_loop3A_454 step %parallel_loop3A_455 iter_args(%parallel_loop3A_1000 = %mul3A_453) -> (vector<16xi32>)  : i32 {
        %parallel_loop3A_1001 = arith.constant 0 : i32
        %parallel_loop3A_1002 = arith.index_cast %parallel_loop3A_1001 : i32 to index
        %parallel_loop3A_1003 = arith.index_cast %parallel_loop3A_999 : i32 to index
        %parallel_loop3A_1004 = arith.constant 0 : index
        %parallel_loop3A_1005 = tpu.vector_load %arg6[%parallel_loop3A_1002, %parallel_loop3A_1003, %parallel_loop3A_1004] {strides = array<i32>} : memref<4x128x32xf32, #tpu.memory_space<vmem>>, vector<16xf32>,
        %parallel_loop3A_1006 = arith.constant 0 : i32
        %parallel_loop3A_1007 = arith.constant 0 : i32
        %parallel_loop3A_1008 = arith.constant 0 : i32
        %parallel_loop3A_1009 = arith.constant 0 : i32
        %parallel_loop3A_1010 = tpu.memref_slice %arg7[%parallel_loop3A_1006, %parallel_loop3A_1007, %parallel_loop3A_1008, %parallel_loop3A_1009] : memref<2x4x8x129xf32, #tpu.memory_space<vmem>> -> memref<1x4x8x129xf32, #tpu.memory_space<vmem>>
        %parallel_loop3A_1011 = tpu.memref_squeeze %parallel_loop3A_1010 : memref<1x4x8x129xf32, #tpu.memory_space<vmem>> -> memref<4x8x129xf32, #tpu.memory_space<vmem>>
        tpu.vector_store_idx %parallel_loop3A_1011[%add3A_7, %and3A_15, %parallel_loop3A_1000], %parallel_loop3A_1005 : memref<4x8x129xf32, #tpu.memory_space<vmem>>[vector<16xi32>, vector<16xi32>, vector<16xi32>], vector<16xf32>,
        %parallel_loop3A_1012 = arith.constant 0 : i32
        %parallel_loop3A_1013 = arith.index_cast %parallel_loop3A_1012 : i32 to index
        %parallel_loop3A_1014 = arith.index_cast %parallel_loop3A_999 : i32 to index
        %parallel_loop3A_1015 = arith.constant 16 : index
        %parallel_loop3A_1016 = tpu.vector_load %arg6[%parallel_loop3A_1013, %parallel_loop3A_1014, %parallel_loop3A_1015] {strides = array<i32>} : memref<4x128x32xf32, #tpu.memory_space<vmem>>, vector<16xf32>,
        %parallel_loop3A_1017 = arith.constant 0 : i32
        %parallel_loop3A_1018 = arith.constant 0 : i32
        %parallel_loop3A_1019 = arith.constant 0 : i32
        %parallel_loop3A_1020 = arith.constant 0 : i32
        %parallel_loop3A_1021 = tpu.memref_slice %arg7[%parallel_loop3A_1017, %parallel_loop3A_1018, %parallel_loop3A_1019, %parallel_loop3A_1020] : memref<2x4x8x129xf32, #tpu.memory_space<vmem>> -> memref<1x4x8x129xf32, #tpu.memory_space<vmem>>
        %parallel_loop3A_1022 = tpu.memref_squeeze %parallel_loop3A_1021 : memref<1x4x8x129xf32, #tpu.memory_space<vmem>> -> memref<4x8x129xf32, #tpu.memory_space<vmem>>
        tpu.vector_store_idx %parallel_loop3A_1022[%add3A_13, %and3A_15, %parallel_loop3A_1000], %parallel_loop3A_1016 : memref<4x8x129xf32, #tpu.memory_space<vmem>>[vector<16xi32>, vector<16xi32>, vector<16xi32>], vector<16xf32>,
        %parallel_loop3A_1023 = arith.constant 1 : i32
        %parallel_loop3A_1024 = vector.broadcast %parallel_loop3A_1023 : i32 to vector<16xi32>
        %parallel_loop3A_1025 = arith.addi %parallel_loop3A_1000, %parallel_loop3A_1024 : vector<16xi32>
        scf.yield %parallel_loop3A_1025 : vector<16xi32>
      } {sc.loop_unroll_factor = 16 : i64, sc.parallel_access}
      %shift_right_arithmetic3A_457 = arith.constant 5 : i32
      %shift_right_arithmetic3A_458 = arith.shrsi %add3A_408, %shift_right_arithmetic3A_457 : i32
      %and3A_459 = arith.constant 31 : i32
      %and3A_460 = arith.andi %add3A_408, %and3A_459 : i32
      %dma_start3A_461 = arith.constant 0 : i32
      %dma_start3A_462 = arith.constant 0 : i32
      %dma_start3A_463 = arith.constant 0 : i32
      %dma_start3A_464 = arith.constant 0 : i32
      %dma_start3A_465 = arith.constant 0 : i32
      %dma_start3A_466 = arith.constant 0 : i32
      %dma_start3A_467 = tpu.memref_slice %arg7[%dma_start3A_461, %dma_start3A_462, %dma_start3A_465, %dma_start3A_466] : memref<2x4x8x129xf32, #tpu.memory_space<vmem>> -> memref<1x1x8x128xf32, #tpu.memory_space<vmem>>
      %dma_start3A_468 = tpu.memref_squeeze %dma_start3A_467 : memref<1x1x8x128xf32, #tpu.memory_space<vmem>> -> memref<8x128xf32, #tpu.memory_space<vmem>>
      %dma_start3A_469 = arith.constant 0 : i32
      %dma_start3A_470 = arith.constant 0 : i32
      %dma_start3A_471 = tpu.memref_slice %arg4[%shift_right_arithmetic3A_458, %dma_start3A_463, %and3A_460, %dma_start3A_469, %dma_start3A_470] : memref<200x4x32x8x128xf32, #tpu.memory_space<hbm>> -> memref<1x1x1x8x128xf32, #tpu.memory_space<hbm>>
      %dma_start3A_472 = tpu.memref_squeeze %dma_start3A_471 : memref<1x1x1x8x128xf32, #tpu.memory_space<hbm>> -> memref<8x128xf32, #tpu.memory_space<hbm>>
      %dma_start3A_473 = tpu.memref_slice %arg10[%dma_start3A_464] : memref<2x!tpu.dma_semaphore, #tpu.memory_space<semaphore_mem>> -> memref<1x!tpu.dma_semaphore, #tpu.memory_space<semaphore_mem>>
      %dma_start3A_474 = tpu.memref_squeeze %dma_start3A_473 : memref<1x!tpu.dma_semaphore, #tpu.memory_space<semaphore_mem>> -> memref<!tpu.dma_semaphore, #tpu.memory_space<semaphore_mem>>
      %dma_start3A_475 = arith.constant 0 : i32
      %dma_start3A_476 = arith.constant 0 : i32
      %dma_start3A_477 = tpu.memref_slice %arg4[%shift_right_arithmetic3A_458, %dma_start3A_463, %and3A_460, %dma_start3A_475, %dma_start3A_476] : memref<200x4x32x8x128xf32, #tpu.memory_space<hbm>> -> memref<1x1x1x8x128xf32, #tpu.memory_space<hbm>>
      %dma_start3A_478 = tpu.memref_squeeze %dma_start3A_477 : memref<1x1x1x8x128xf32, #tpu.memory_space<hbm>> -> memref<8x128xf32, #tpu.memory_space<hbm>>
      %dma_start3A_479 = arith.constant 0 : i32
      %dma_start3A_480 = arith.constant 0 : i32
      %dma_start3A_481 = tpu.memref_slice %arg7[%dma_start3A_461, %dma_start3A_462, %dma_start3A_479, %dma_start3A_480] : memref<2x4x8x129xf32, #tpu.memory_space<vmem>> -> memref<1x1x8x128xf32, #tpu.memory_space<vmem>>
      %dma_start3A_482 = tpu.memref_squeeze %dma_start3A_481 : memref<1x1x8x128xf32, #tpu.memory_space<vmem>> -> memref<8x128xf32, #tpu.memory_space<vmem>>
      tpu.enqueue_dma source(%dma_start3A_482 : memref<8x128xf32, #tpu.memory_space<vmem>>) target(%dma_start3A_478 : memref<8x128xf32, #tpu.memory_space<hbm>>) target_semaphore(%dma_start3A_474 : memref<!tpu.dma_semaphore, #tpu.memory_space<semaphore_mem>>)
      %dma_start3A_483 = arith.constant 0 : i32
      %dma_start3A_484 = arith.constant 1 : i32
      %dma_start3A_485 = arith.constant 1 : i32
      %dma_start3A_486 = arith.constant 0 : i32
      %dma_start3A_487 = arith.constant 0 : i32
      %dma_start3A_488 = arith.constant 0 : i32
      %dma_start3A_489 = tpu.memref_slice %arg7[%dma_start3A_483, %dma_start3A_484, %dma_start3A_487, %dma_start3A_488] : memref<2x4x8x129xf32, #tpu.memory_space<vmem>> -> memref<1x1x8x128xf32, #tpu.memory_space<vmem>>
      %dma_start3A_490 = tpu.memref_squeeze %dma_start3A_489 : memref<1x1x8x128xf32, #tpu.memory_space<vmem>> -> memref<8x128xf32, #tpu.memory_space<vmem>>
      %dma_start3A_491 = arith.constant 0 : i32
      %dma_start3A_492 = arith.constant 0 : i32
      %dma_start3A_493 = tpu.memref_slice %arg4[%shift_right_arithmetic3A_458, %dma_start3A_485, %and3A_460, %dma_start3A_491, %dma_start3A_492] : memref<200x4x32x8x128xf32, #tpu.memory_space<hbm>> -> memref<1x1x1x8x128xf32, #tpu.memory_space<hbm>>
      %dma_start3A_494 = tpu.memref_squeeze %dma_start3A_493 : memref<1x1x1x8x128xf32, #tpu.memory_space<hbm>> -> memref<8x128xf32, #tpu.memory_space<hbm>>
      %dma_start3A_495 = tpu.memref_slice %arg10[%dma_start3A_486] : memref<2x!tpu.dma_semaphore, #tpu.memory_space<semaphore_mem>> -> memref<1x!tpu.dma_semaphore, #tpu.memory_space<semaphore_mem>>
      %dma_start3A_496 = tpu.memref_squeeze %dma_start3A_495 : memref<1x!tpu.dma_semaphore, #tpu.memory_space<semaphore_mem>> -> memref<!tpu.dma_semaphore, #tpu.memory_space<semaphore_mem>>
      %dma_start3A_497 = arith.constant 0 : i32
      %dma_start3A_498 = arith.constant 0 : i32
      %dma_start3A_499 = tpu.memref_slice %arg4[%shift_right_arithmetic3A_458, %dma_start3A_485, %and3A_460, %dma_start3A_497, %dma_start3A_498] : memref<200x4x32x8x128xf32, #tpu.memory_space<hbm>> -> memref<1x1x1x8x128xf32, #tpu.memory_space<hbm>>
      %dma_start3A_500 = tpu.memref_squeeze %dma_start3A_499 : memref<1x1x1x8x128xf32, #tpu.memory_space<hbm>> -> memref<8x128xf32, #tpu.memory_space<hbm>>
      %dma_start3A_501 = arith.constant 0 : i32
      %dma_start3A_502 = arith.constant 0 : i32
      %dma_start3A_503 = tpu.memref_slice %arg7[%dma_start3A_483, %dma_start3A_484, %dma_start3A_501, %dma_start3A_502] : memref<2x4x8x129xf32, #tpu.memory_space<vmem>> -> memref<1x1x8x128xf32, #tpu.memory_space<vmem>>
      %dma_start3A_504 = tpu.memref_squeeze %dma_start3A_503 : memref<1x1x8x128xf32, #tpu.memory_space<vmem>> -> memref<8x128xf32, #tpu.memory_space<vmem>>
      tpu.enqueue_dma source(%dma_start3A_504 : memref<8x128xf32, #tpu.memory_space<vmem>>) target(%dma_start3A_500 : memref<8x128xf32, #tpu.memory_space<hbm>>) target_semaphore(%dma_start3A_496 : memref<!tpu.dma_semaphore, #tpu.memory_space<semaphore_mem>>)
      %dma_start3A_505 = arith.constant 0 : i32
      %dma_start3A_506 = arith.constant 2 : i32
      %dma_start3A_507 = arith.constant 2 : i32
      %dma_start3A_508 = arith.constant 0 : i32
      %dma_start3A_509 = arith.constant 0 : i32
      %dma_start3A_510 = arith.constant 0 : i32
      %dma_start3A_511 = tpu.memref_slice %arg7[%dma_start3A_505, %dma_start3A_506, %dma_start3A_509, %dma_start3A_510] : memref<2x4x8x129xf32, #tpu.memory_space<vmem>> -> memref<1x1x8x128xf32, #tpu.memory_space<vmem>>
      %dma_start3A_512 = tpu.memref_squeeze %dma_start3A_511 : memref<1x1x8x128xf32, #tpu.memory_space<vmem>> -> memref<8x128xf32, #tpu.memory_space<vmem>>
      %dma_start3A_513 = arith.constant 0 : i32
      %dma_start3A_514 = arith.constant 0 : i32
      %dma_start3A_515 = tpu.memref_slice %arg4[%shift_right_arithmetic3A_458, %dma_start3A_507, %and3A_460, %dma_start3A_513, %dma_start3A_514] : memref<200x4x32x8x128xf32, #tpu.memory_space<hbm>> -> memref<1x1x1x8x128xf32, #tpu.memory_space<hbm>>
      %dma_start3A_516 = tpu.memref_squeeze %dma_start3A_515 : memref<1x1x1x8x128xf32, #tpu.memory_space<hbm>> -> memref<8x128xf32, #tpu.memory_space<hbm>>
      %dma_start3A_517 = tpu.memref_slice %arg10[%dma_start3A_508] : memref<2x!tpu.dma_semaphore, #tpu.memory_space<semaphore_mem>> -> memref<1x!tpu.dma_semaphore, #tpu.memory_space<semaphore_mem>>
      %dma_start3A_518 = tpu.memref_squeeze %dma_start3A_517 : memref<1x!tpu.dma_semaphore, #tpu.memory_space<semaphore_mem>> -> memref<!tpu.dma_semaphore, #tpu.memory_space<semaphore_mem>>
      %dma_start3A_519 = arith.constant 0 : i32
      %dma_start3A_520 = arith.constant 0 : i32
      %dma_start3A_521 = tpu.memref_slice %arg4[%shift_right_arithmetic3A_458, %dma_start3A_507, %and3A_460, %dma_start3A_519, %dma_start3A_520] : memref<200x4x32x8x128xf32, #tpu.memory_space<hbm>> -> memref<1x1x1x8x128xf32, #tpu.memory_space<hbm>>
      %dma_start3A_522 = tpu.memref_squeeze %dma_start3A_521 : memref<1x1x1x8x128xf32, #tpu.memory_space<hbm>> -> memref<8x128xf32, #tpu.memory_space<hbm>>
      %dma_start3A_523 = arith.constant 0 : i32
      %dma_start3A_524 = arith.constant 0 : i32
      %dma_start3A_525 = tpu.memref_slice %arg7[%dma_start3A_505, %dma_start3A_506, %dma_start3A_523, %dma_start3A_524] : memref<2x4x8x129xf32, #tpu.memory_space<vmem>> -> memref<1x1x8x128xf32, #tpu.memory_space<vmem>>
      %dma_start3A_526 = tpu.memref_squeeze %dma_start3A_525 : memref<1x1x8x128xf32, #tpu.memory_space<vmem>> -> memref<8x128xf32, #tpu.memory_space<vmem>>
      tpu.enqueue_dma source(%dma_start3A_526 : memref<8x128xf32, #tpu.memory_space<vmem>>) target(%dma_start3A_522 : memref<8x128xf32, #tpu.memory_space<hbm>>) target_semaphore(%dma_start3A_518 : memref<!tpu.dma_semaphore, #tpu.memory_space<semaphore_mem>>)
      %dma_start3A_527 = arith.constant 0 : i32
      %dma_start3A_528 = arith.constant 3 : i32
      %dma_start3A_529 = arith.constant 3 : i32
      %dma_start3A_530 = arith.constant 0 : i32
      %dma_start3A_531 = arith.constant 0 : i32
      %dma_start3A_532 = arith.constant 0 : i32
      %dma_start3A_533 = tpu.memref_slice %arg7[%dma_start3A_527, %dma_start3A_528, %dma_start3A_531, %dma_start3A_532] : memref<2x4x8x129xf32, #tpu.memory_space<vmem>> -> memref<1x1x8x128xf32, #tpu.memory_space<vmem>>
      %dma_start3A_534 = tpu.memref_squeeze %dma_start3A_533 : memref<1x1x8x128xf32, #tpu.memory_space<vmem>> -> memref<8x128xf32, #tpu.memory_space<vmem>>
      %dma_start3A_535 = arith.constant 0 : i32
      %dma_start3A_536 = arith.constant 0 : i32
      %dma_start3A_537 = tpu.memref_slice %arg4[%shift_right_arithmetic3A_458, %dma_start3A_529, %and3A_460, %dma_start3A_535, %dma_start3A_536] : memref<200x4x32x8x128xf32, #tpu.memory_space<hbm>> -> memref<1x1x1x8x128xf32, #tpu.memory_space<hbm>>
      %dma_start3A_538 = tpu.memref_squeeze %dma_start3A_537 : memref<1x1x1x8x128xf32, #tpu.memory_space<hbm>> -> memref<8x128xf32, #tpu.memory_space<hbm>>
      %dma_start3A_539 = tpu.memref_slice %arg10[%dma_start3A_530] : memref<2x!tpu.dma_semaphore, #tpu.memory_space<semaphore_mem>> -> memref<1x!tpu.dma_semaphore, #tpu.memory_space<semaphore_mem>>
      %dma_start3A_540 = tpu.memref_squeeze %dma_start3A_539 : memref<1x!tpu.dma_semaphore, #tpu.memory_space<semaphore_mem>> -> memref<!tpu.dma_semaphore, #tpu.memory_space<semaphore_mem>>
      %dma_start3A_541 = arith.constant 0 : i32
      %dma_start3A_542 = arith.constant 0 : i32
      %dma_start3A_543 = tpu.memref_slice %arg4[%shift_right_arithmetic3A_458, %dma_start3A_529, %and3A_460, %dma_start3A_541, %dma_start3A_542] : memref<200x4x32x8x128xf32, #tpu.memory_space<hbm>> -> memref<1x1x1x8x128xf32, #tpu.memory_space<hbm>>
      %dma_start3A_544 = tpu.memref_squeeze %dma_start3A_543 : memref<1x1x1x8x128xf32, #tpu.memory_space<hbm>> -> memref<8x128xf32, #tpu.memory_space<hbm>>
      %dma_start3A_545 = arith.constant 0 : i32
      %dma_start3A_546 = arith.constant 0 : i32
      %dma_start3A_547 = tpu.memref_slice %arg7[%dma_start3A_527, %dma_start3A_528, %dma_start3A_545, %dma_start3A_546] : memref<2x4x8x129xf32, #tpu.memory_space<vmem>> -> memref<1x1x8x128xf32, #tpu.memory_space<vmem>>
      %dma_start3A_548 = tpu.memref_squeeze %dma_start3A_547 : memref<1x1x8x128xf32, #tpu.memory_space<vmem>> -> memref<8x128xf32, #tpu.memory_space<vmem>>
      tpu.enqueue_dma source(%dma_start3A_548 : memref<8x128xf32, #tpu.memory_space<vmem>>) target(%dma_start3A_544 : memref<8x128xf32, #tpu.memory_space<hbm>>) target_semaphore(%dma_start3A_540 : memref<!tpu.dma_semaphore, #tpu.memory_space<semaphore_mem>>)
      %mul3A_549 = arith.constant 4 : i32
      %mul3A_550 = arith.muli %add3A_403, %mul3A_549 : i32
      %add3A_551 = arith.addi %mul3A_2, %mul3A_550 : i32
      %add3A_552 = arith.constant 1 : i32
      %add3A_553 = arith.addi %add3A_551, %add3A_552 : i32
      %mul3A_554 = arith.constant 4 : i32
      %mul3A_555 = arith.muli %add3A_403, %mul3A_554 : i32
      %add3A_556 = arith.constant 1 : i32
      %add3A_557 = arith.addi %mul3A_555, %add3A_556 : i32
      %add3A_558 = arith.constant 2 : i32
      %add3A_559 = arith.addi %add3A_557, %add3A_558 : i32
      %lt3A_560 = arith.constant 200 : i32
      %lt3A_561 = arith.cmpi slt, %add3A_559, %lt3A_560 : i32
      %convert_element_type3A_562 = arith.extui %lt3A_561 : i1 to i32
      %cond3A_563 = arith.constant 0 : i32
      %cond3A_564 = arith.cmpi ne, %convert_element_type3A_562, %cond3A_563 : i32
      scf.if %cond3A_564 {
        %add3A_999 = arith.constant 2 : i32
        %add3A_1000 = arith.addi %add3A_553, %add3A_999 : i32
        %shift_right_arithmetic3A_1001 = arith.constant 5 : i32
        %shift_right_arithmetic3A_1002 = arith.shrsi %add3A_1000, %shift_right_arithmetic3A_1001 : i32
        %shift_right_arithmetic3A_1003 = arith.constant 3 : i32
        %shift_right_arithmetic3A_1004 = arith.shrsi %shift_right_arithmetic3A_1002, %shift_right_arithmetic3A_1003 : i32
        %and3A_1005 = arith.constant 7 : i32
        %and3A_1006 = arith.andi %shift_right_arithmetic3A_1002, %and3A_1005 : i32
        %and3A_1007 = arith.constant 31 : i32
        %and3A_1008 = arith.andi %add3A_1000, %and3A_1007 : i32
        %dma_wait3A_1009 = arith.constant 3 : i32
        %dma_wait3A_1010 = arith.constant 3 : i32
        %dma_wait3A_1011 = arith.constant 0 : i32
        %dma_wait3A_1012 = tpu.memref_slice %arg5[%dma_wait3A_1009, %dma_wait3A_1011] : memref<4x128xi32, #tpu.memory_space<vmem>> -> memref<1x128xi32, #tpu.memory_space<vmem>>
        %dma_wait3A_1013 = tpu.memref_squeeze %dma_wait3A_1012 : memref<1x128xi32, #tpu.memory_space<vmem>> -> memref<128xi32, #tpu.memory_space<vmem>>
        %dma_wait3A_1014 = arith.constant 0 : i32
        %dma_wait3A_1015 = tpu.memref_slice %arg2[%shift_right_arithmetic3A_1004, %and3A_1008, %and3A_1006, %dma_wait3A_1014] : memref<25x32x8x128xi32, #tpu.memory_space<hbm>> -> memref<1x1x1x128xi32, #tpu.memory_space<hbm>>
        %dma_wait3A_1016 = tpu.memref_squeeze %dma_wait3A_1015 : memref<1x1x1x128xi32, #tpu.memory_space<hbm>> -> memref<128xi32, #tpu.memory_space<hbm>>
        %dma_wait3A_1017 = tpu.memref_slice %arg8[%dma_wait3A_1010] : memref<4x!tpu.dma_semaphore, #tpu.memory_space<semaphore_mem>> -> memref<1x!tpu.dma_semaphore, #tpu.memory_space<semaphore_mem>>
        %dma_wait3A_1018 = tpu.memref_squeeze %dma_wait3A_1017 : memref<1x!tpu.dma_semaphore, #tpu.memory_space<semaphore_mem>> -> memref<!tpu.dma_semaphore, #tpu.memory_space<semaphore_mem>>
        %dma_wait3A_1019 = arith.constant 0 : i32
        %dma_wait3A_1020 = tpu.memref_slice %arg5[%dma_wait3A_1009, %dma_wait3A_1019] : memref<4x128xi32, #tpu.memory_space<vmem>> -> memref<1x128xi32, #tpu.memory_space<vmem>>
        %dma_wait3A_1021 = tpu.memref_squeeze %dma_wait3A_1020 : memref<1x128xi32, #tpu.memory_space<vmem>> -> memref<128xi32, #tpu.memory_space<vmem>>
        %dma_wait3A_1022 = arith.constant 0 : i32
        %dma_wait3A_1023 = tpu.memref_slice %arg2[%shift_right_arithmetic3A_1004, %and3A_1008, %and3A_1006, %dma_wait3A_1022] : memref<25x32x8x128xi32, #tpu.memory_space<hbm>> -> memref<1x1x1x128xi32, #tpu.memory_space<hbm>>
        %dma_wait3A_1024 = tpu.memref_squeeze %dma_wait3A_1023 : memref<1x1x1x128xi32, #tpu.memory_space<hbm>> -> memref<128xi32, #tpu.memory_space<hbm>>
        tpu.wait_dma2 semaphore(%dma_wait3A_1018 : memref<!tpu.dma_semaphore, #tpu.memory_space<semaphore_mem>>) src(%dma_wait3A_1024 : memref<128xi32, #tpu.memory_space<hbm>>) dst(%dma_wait3A_1021 : memref<128xi32, #tpu.memory_space<vmem>>)
        %dma_start3A_1025 = arith.constant 3 : i32
        %dma_start3A_1026 = arith.constant 3 : i32
        %dma_start3A_1027 = arith.constant 3 : i32
        %dma_start3A_1028 = arith.constant 0 : i32
        %dma_start3A_1029 = arith.constant 0 : i32
        %dma_start3A_1030 = tpu.memref_slice %arg6[%dma_start3A_1026, %dma_start3A_1028, %dma_start3A_1029] : memref<4x128x32xf32, #tpu.memory_space<vmem>> -> memref<1x128x32xf32, #tpu.memory_space<vmem>>
        %dma_start3A_1031 = tpu.memref_squeeze %dma_start3A_1030 : memref<1x128x32xf32, #tpu.memory_space<vmem>> -> memref<128x32xf32, #tpu.memory_space<vmem>>
        %dma_start3A_1032 = arith.constant 0 : i32
        %dma_start3A_1033 = tpu.memref_slice %arg5[%dma_start3A_1025, %dma_start3A_1032] : memref<4x128xi32, #tpu.memory_space<vmem>> -> memref<1x128xi32, #tpu.memory_space<vmem>>
        %dma_start3A_1034 = tpu.memref_squeeze %dma_start3A_1033 : memref<1x128xi32, #tpu.memory_space<vmem>> -> memref<128xi32, #tpu.memory_space<vmem>>
        %dma_start3A_1035 = arith.constant 0 : i32
        %dma_start3A_1036 = arith.constant 0 : i32
        %dma_start3A_1037 = tpu.memref_slice %arg3[%dma_start3A_1035, %dma_start3A_1036] : memref<1000000x32xf32, #tpu.memory_space<hbm>> -> memref<1000000x32xf32, #tpu.memory_space<hbm>>
        %dma_start3A_1038 = tpu.memref_slice %arg9[%dma_start3A_1027] : memref<4x!tpu.dma_semaphore, #tpu.memory_space<semaphore_mem>> -> memref<1x!tpu.dma_semaphore, #tpu.memory_space<semaphore_mem>>
        %dma_start3A_1039 = tpu.memref_squeeze %dma_start3A_1038 : memref<1x!tpu.dma_semaphore, #tpu.memory_space<semaphore_mem>> -> memref<!tpu.dma_semaphore, #tpu.memory_space<semaphore_mem>>
        tpu.enqueue_indirect_dma source(%dma_start3A_1037 : memref<1000000x32xf32, #tpu.memory_space<hbm>>) target(%dma_start3A_1031 : memref<128x32xf32, #tpu.memory_space<vmem>>) offsets(%dma_start3A_1034 : memref<128xi32, #tpu.memory_space<vmem>>) semaphore(%dma_start3A_1039 : memref<!tpu.dma_semaphore, #tpu.memory_space<semaphore_mem>>)
      } else {
      }
      %dma_wait3A_565 = arith.constant 1 : i32
      %dma_wait3A_566 = arith.constant 1 : i32
      %dma_wait3A_567 = arith.constant 1 : i32
      %dma_wait3A_568 = arith.constant 0 : i32
      %dma_wait3A_569 = arith.constant 0 : i32
      %dma_wait3A_570 = tpu.memref_slice %arg6[%dma_wait3A_566, %dma_wait3A_568, %dma_wait3A_569] : memref<4x128x32xf32, #tpu.memory_space<vmem>> -> memref<1x128x32xf32, #tpu.memory_space<vmem>>
      %dma_wait3A_571 = tpu.memref_squeeze %dma_wait3A_570 : memref<1x128x32xf32, #tpu.memory_space<vmem>> -> memref<128x32xf32, #tpu.memory_space<vmem>>
      %dma_wait3A_572 = arith.constant 0 : i32
      %dma_wait3A_573 = tpu.memref_slice %arg5[%dma_wait3A_565, %dma_wait3A_572] : memref<4x128xi32, #tpu.memory_space<vmem>> -> memref<1x128xi32, #tpu.memory_space<vmem>>
      %dma_wait3A_574 = tpu.memref_squeeze %dma_wait3A_573 : memref<1x128xi32, #tpu.memory_space<vmem>> -> memref<128xi32, #tpu.memory_space<vmem>>
      %dma_wait3A_575 = arith.constant 0 : i32
      %dma_wait3A_576 = arith.constant 0 : i32
      %dma_wait3A_577 = tpu.memref_slice %arg3[%dma_wait3A_575, %dma_wait3A_576] : memref<1000000x32xf32, #tpu.memory_space<hbm>> -> memref<1000000x32xf32, #tpu.memory_space<hbm>>
      %dma_wait3A_578 = tpu.memref_slice %arg9[%dma_wait3A_567] : memref<4x!tpu.dma_semaphore, #tpu.memory_space<semaphore_mem>> -> memref<1x!tpu.dma_semaphore, #tpu.memory_space<semaphore_mem>>
      %dma_wait3A_579 = tpu.memref_squeeze %dma_wait3A_578 : memref<1x!tpu.dma_semaphore, #tpu.memory_space<semaphore_mem>> -> memref<!tpu.dma_semaphore, #tpu.memory_space<semaphore_mem>>
      tpu.wait_indirect_dma semaphore(%dma_wait3A_579 : memref<!tpu.dma_semaphore, #tpu.memory_space<semaphore_mem>>) src(%dma_wait3A_577 : memref<1000000x32xf32, #tpu.memory_space<hbm>>) dst(%dma_wait3A_571 : memref<128x32xf32, #tpu.memory_space<vmem>>)
      %mul3A_580 = arith.constant 4 : i32
      %mul3A_581 = arith.muli %add3A_403, %mul3A_580 : i32
      %add3A_582 = arith.constant 1 : i32
      %add3A_583 = arith.addi %mul3A_581, %add3A_582 : i32
      %add3A_584 = arith.constant 4 : i32
      %add3A_585 = arith.addi %add3A_583, %add3A_584 : i32
      %lt3A_586 = arith.constant 200 : i32
      %lt3A_587 = arith.cmpi slt, %add3A_585, %lt3A_586 : i32
      %convert_element_type3A_588 = arith.extui %lt3A_587 : i1 to i32
      %cond3A_589 = arith.constant 0 : i32
      %cond3A_590 = arith.cmpi ne, %convert_element_type3A_588, %cond3A_589 : i32
      scf.if %cond3A_590 {
        %add3A_999 = arith.constant 4 : i32
        %add3A_1000 = arith.addi %add3A_553, %add3A_999 : i32
        %shift_right_arithmetic3A_1001 = arith.constant 5 : i32
        %shift_right_arithmetic3A_1002 = arith.shrsi %add3A_1000, %shift_right_arithmetic3A_1001 : i32
        %shift_right_arithmetic3A_1003 = arith.constant 3 : i32
        %shift_right_arithmetic3A_1004 = arith.shrsi %shift_right_arithmetic3A_1002, %shift_right_arithmetic3A_1003 : i32
        %and3A_1005 = arith.constant 7 : i32
        %and3A_1006 = arith.andi %shift_right_arithmetic3A_1002, %and3A_1005 : i32
        %and3A_1007 = arith.constant 31 : i32
        %and3A_1008 = arith.andi %add3A_1000, %and3A_1007 : i32
        %dma_start3A_1009 = arith.constant 1 : i32
        %dma_start3A_1010 = arith.constant 1 : i32
        %dma_start3A_1011 = arith.constant 0 : i32
        %dma_start3A_1012 = tpu.memref_slice %arg5[%dma_start3A_1009, %dma_start3A_1011] : memref<4x128xi32, #tpu.memory_space<vmem>> -> memref<1x128xi32, #tpu.memory_space<vmem>>
        %dma_start3A_1013 = tpu.memref_squeeze %dma_start3A_1012 : memref<1x128xi32, #tpu.memory_space<vmem>> -> memref<128xi32, #tpu.memory_space<vmem>>
        %dma_start3A_1014 = arith.constant 0 : i32
        %dma_start3A_1015 = tpu.memref_slice %arg2[%shift_right_arithmetic3A_1004, %and3A_1008, %and3A_1006, %dma_start3A_1014] : memref<25x32x8x128xi32, #tpu.memory_space<hbm>> -> memref<1x1x1x128xi32, #tpu.memory_space<hbm>>
        %dma_start3A_1016 = tpu.memref_squeeze %dma_start3A_1015 : memref<1x1x1x128xi32, #tpu.memory_space<hbm>> -> memref<128xi32, #tpu.memory_space<hbm>>
        %dma_start3A_1017 = tpu.memref_slice %arg8[%dma_start3A_1010] : memref<4x!tpu.dma_semaphore, #tpu.memory_space<semaphore_mem>> -> memref<1x!tpu.dma_semaphore, #tpu.memory_space<semaphore_mem>>
        %dma_start3A_1018 = tpu.memref_squeeze %dma_start3A_1017 : memref<1x!tpu.dma_semaphore, #tpu.memory_space<semaphore_mem>> -> memref<!tpu.dma_semaphore, #tpu.memory_space<semaphore_mem>>
        %dma_start3A_1019 = arith.constant 0 : i32
        %dma_start3A_1020 = tpu.memref_slice %arg5[%dma_start3A_1009, %dma_start3A_1019] : memref<4x128xi32, #tpu.memory_space<vmem>> -> memref<1x128xi32, #tpu.memory_space<vmem>>
        %dma_start3A_1021 = tpu.memref_squeeze %dma_start3A_1020 : memref<1x128xi32, #tpu.memory_space<vmem>> -> memref<128xi32, #tpu.memory_space<vmem>>
        %dma_start3A_1022 = arith.constant 0 : i32
        %dma_start3A_1023 = tpu.memref_slice %arg2[%shift_right_arithmetic3A_1004, %and3A_1008, %and3A_1006, %dma_start3A_1022] : memref<25x32x8x128xi32, #tpu.memory_space<hbm>> -> memref<1x1x1x128xi32, #tpu.memory_space<hbm>>
        %dma_start3A_1024 = tpu.memref_squeeze %dma_start3A_1023 : memref<1x1x1x128xi32, #tpu.memory_space<hbm>> -> memref<128xi32, #tpu.memory_space<hbm>>
        tpu.enqueue_dma source(%dma_start3A_1024 : memref<128xi32, #tpu.memory_space<hbm>>) target(%dma_start3A_1021 : memref<128xi32, #tpu.memory_space<vmem>>) target_semaphore(%dma_start3A_1018 : memref<!tpu.dma_semaphore, #tpu.memory_space<semaphore_mem>>)
      } else {
      }
      %mul3A_591 = arith.constant 4 : i32
      %mul3A_592 = arith.muli %add3A_403, %mul3A_591 : i32
      %add3A_593 = arith.constant 1 : i32
      %add3A_594 = arith.addi %mul3A_592, %add3A_593 : i32
      %ge3A_595 = arith.constant 2 : i32
      %ge3A_596 = arith.cmpi sge, %add3A_594, %ge3A_595 : i32
      %convert_element_type3A_597 = arith.extui %ge3A_596 : i1 to i32
      %cond3A_598 = arith.constant 0 : i32
      %cond3A_599 = arith.cmpi ne, %convert_element_type3A_597, %cond3A_598 : i32
      scf.if %cond3A_599 {
        %sub3A_999 = arith.constant 2 : i32
        %sub3A_1000 = arith.subi %add3A_553, %sub3A_999 : i32
        %shift_right_arithmetic3A_1001 = arith.constant 5 : i32
        %shift_right_arithmetic3A_1002 = arith.shrsi %sub3A_1000, %shift_right_arithmetic3A_1001 : i32
        %and3A_1003 = arith.constant 31 : i32
        %and3A_1004 = arith.andi %sub3A_1000, %and3A_1003 : i32
        %dma_wait3A_1005 = arith.constant 1 : i32
        %dma_wait3A_1006 = arith.constant 0 : i32
        %dma_wait3A_1007 = arith.constant 0 : i32
        %dma_wait3A_1008 = arith.constant 1 : i32
        %dma_wait3A_1009 = arith.constant 0 : i32
        %dma_wait3A_1010 = arith.constant 0 : i32
        %dma_wait3A_1011 = tpu.memref_slice %arg7[%dma_wait3A_1005, %dma_wait3A_1006, %dma_wait3A_1009, %dma_wait3A_1010] : memref<2x4x8x129xf32, #tpu.memory_space<vmem>> -> memref<1x1x8x128xf32, #tpu.memory_space<vmem>>
        %dma_wait3A_1012 = tpu.memref_squeeze %dma_wait3A_1011 : memref<1x1x8x128xf32, #tpu.memory_space<vmem>> -> memref<8x128xf32, #tpu.memory_space<vmem>>
        %dma_wait3A_1013 = arith.constant 0 : i32
        %dma_wait3A_1014 = arith.constant 0 : i32
        %dma_wait3A_1015 = tpu.memref_slice %arg4[%shift_right_arithmetic3A_1002, %dma_wait3A_1007, %and3A_1004, %dma_wait3A_1013, %dma_wait3A_1014] : memref<200x4x32x8x128xf32, #tpu.memory_space<hbm>> -> memref<1x1x1x8x128xf32, #tpu.memory_space<hbm>>
        %dma_wait3A_1016 = tpu.memref_squeeze %dma_wait3A_1015 : memref<1x1x1x8x128xf32, #tpu.memory_space<hbm>> -> memref<8x128xf32, #tpu.memory_space<hbm>>
        %dma_wait3A_1017 = tpu.memref_slice %arg10[%dma_wait3A_1008] : memref<2x!tpu.dma_semaphore, #tpu.memory_space<semaphore_mem>> -> memref<1x!tpu.dma_semaphore, #tpu.memory_space<semaphore_mem>>
        %dma_wait3A_1018 = tpu.memref_squeeze %dma_wait3A_1017 : memref<1x!tpu.dma_semaphore, #tpu.memory_space<semaphore_mem>> -> memref<!tpu.dma_semaphore, #tpu.memory_space<semaphore_mem>>
        %dma_wait3A_1019 = arith.constant 0 : i32
        %dma_wait3A_1020 = arith.constant 0 : i32
        %dma_wait3A_1021 = tpu.memref_slice %arg4[%shift_right_arithmetic3A_1002, %dma_wait3A_1007, %and3A_1004, %dma_wait3A_1019, %dma_wait3A_1020] : memref<200x4x32x8x128xf32, #tpu.memory_space<hbm>> -> memref<1x1x1x8x128xf32, #tpu.memory_space<hbm>>
        %dma_wait3A_1022 = tpu.memref_squeeze %dma_wait3A_1021 : memref<1x1x1x8x128xf32, #tpu.memory_space<hbm>> -> memref<8x128xf32, #tpu.memory_space<hbm>>
        %dma_wait3A_1023 = arith.constant 0 : i32
        %dma_wait3A_1024 = arith.constant 0 : i32
        %dma_wait3A_1025 = tpu.memref_slice %arg7[%dma_wait3A_1005, %dma_wait3A_1006, %dma_wait3A_1023, %dma_wait3A_1024] : memref<2x4x8x129xf32, #tpu.memory_space<vmem>> -> memref<1x1x8x128xf32, #tpu.memory_space<vmem>>
        %dma_wait3A_1026 = tpu.memref_squeeze %dma_wait3A_1025 : memref<1x1x8x128xf32, #tpu.memory_space<vmem>> -> memref<8x128xf32, #tpu.memory_space<vmem>>
        tpu.wait_dma2 semaphore(%dma_wait3A_1018 : memref<!tpu.dma_semaphore, #tpu.memory_space<semaphore_mem>>) src(%dma_wait3A_1026 : memref<8x128xf32, #tpu.memory_space<vmem>>) dst(%dma_wait3A_1022 : memref<8x128xf32, #tpu.memory_space<hbm>>)
        %dma_wait3A_1027 = arith.constant 1 : i32
        %dma_wait3A_1028 = arith.constant 1 : i32
        %dma_wait3A_1029 = arith.constant 1 : i32
        %dma_wait3A_1030 = arith.constant 1 : i32
        %dma_wait3A_1031 = arith.constant 0 : i32
        %dma_wait3A_1032 = arith.constant 0 : i32
        %dma_wait3A_1033 = tpu.memref_slice %arg7[%dma_wait3A_1027, %dma_wait3A_1028, %dma_wait3A_1031, %dma_wait3A_1032] : memref<2x4x8x129xf32, #tpu.memory_space<vmem>> -> memref<1x1x8x128xf32, #tpu.memory_space<vmem>>
        %dma_wait3A_1034 = tpu.memref_squeeze %dma_wait3A_1033 : memref<1x1x8x128xf32, #tpu.memory_space<vmem>> -> memref<8x128xf32, #tpu.memory_space<vmem>>
        %dma_wait3A_1035 = arith.constant 0 : i32
        %dma_wait3A_1036 = arith.constant 0 : i32
        %dma_wait3A_1037 = tpu.memref_slice %arg4[%shift_right_arithmetic3A_1002, %dma_wait3A_1029, %and3A_1004, %dma_wait3A_1035, %dma_wait3A_1036] : memref<200x4x32x8x128xf32, #tpu.memory_space<hbm>> -> memref<1x1x1x8x128xf32, #tpu.memory_space<hbm>>
        %dma_wait3A_1038 = tpu.memref_squeeze %dma_wait3A_1037 : memref<1x1x1x8x128xf32, #tpu.memory_space<hbm>> -> memref<8x128xf32, #tpu.memory_space<hbm>>
        %dma_wait3A_1039 = tpu.memref_slice %arg10[%dma_wait3A_1030] : memref<2x!tpu.dma_semaphore, #tpu.memory_space<semaphore_mem>> -> memref<1x!tpu.dma_semaphore, #tpu.memory_space<semaphore_mem>>
        %dma_wait3A_1040 = tpu.memref_squeeze %dma_wait3A_1039 : memref<1x!tpu.dma_semaphore, #tpu.memory_space<semaphore_mem>> -> memref<!tpu.dma_semaphore, #tpu.memory_space<semaphore_mem>>
        %dma_wait3A_1041 = arith.constant 0 : i32
        %dma_wait3A_1042 = arith.constant 0 : i32
        %dma_wait3A_1043 = tpu.memref_slice %arg4[%shift_right_arithmetic3A_1002, %dma_wait3A_1029, %and3A_1004, %dma_wait3A_1041, %dma_wait3A_1042] : memref<200x4x32x8x128xf32, #tpu.memory_space<hbm>> -> memref<1x1x1x8x128xf32, #tpu.memory_space<hbm>>
        %dma_wait3A_1044 = tpu.memref_squeeze %dma_wait3A_1043 : memref<1x1x1x8x128xf32, #tpu.memory_space<hbm>> -> memref<8x128xf32, #tpu.memory_space<hbm>>
        %dma_wait3A_1045 = arith.constant 0 : i32
        %dma_wait3A_1046 = arith.constant 0 : i32
        %dma_wait3A_1047 = tpu.memref_slice %arg7[%dma_wait3A_1027, %dma_wait3A_1028, %dma_wait3A_1045, %dma_wait3A_1046] : memref<2x4x8x129xf32, #tpu.memory_space<vmem>> -> memref<1x1x8x128xf32, #tpu.memory_space<vmem>>
        %dma_wait3A_1048 = tpu.memref_squeeze %dma_wait3A_1047 : memref<1x1x8x128xf32, #tpu.memory_space<vmem>> -> memref<8x128xf32, #tpu.memory_space<vmem>>
        tpu.wait_dma2 semaphore(%dma_wait3A_1040 : memref<!tpu.dma_semaphore, #tpu.memory_space<semaphore_mem>>) src(%dma_wait3A_1048 : memref<8x128xf32, #tpu.memory_space<vmem>>) dst(%dma_wait3A_1044 : memref<8x128xf32, #tpu.memory_space<hbm>>)
        %dma_wait3A_1049 = arith.constant 1 : i32
        %dma_wait3A_1050 = arith.constant 2 : i32
        %dma_wait3A_1051 = arith.constant 2 : i32
        %dma_wait3A_1052 = arith.constant 1 : i32
        %dma_wait3A_1053 = arith.constant 0 : i32
        %dma_wait3A_1054 = arith.constant 0 : i32
        %dma_wait3A_1055 = tpu.memref_slice %arg7[%dma_wait3A_1049, %dma_wait3A_1050, %dma_wait3A_1053, %dma_wait3A_1054] : memref<2x4x8x129xf32, #tpu.memory_space<vmem>> -> memref<1x1x8x128xf32, #tpu.memory_space<vmem>>
        %dma_wait3A_1056 = tpu.memref_squeeze %dma_wait3A_1055 : memref<1x1x8x128xf32, #tpu.memory_space<vmem>> -> memref<8x128xf32, #tpu.memory_space<vmem>>
        %dma_wait3A_1057 = arith.constant 0 : i32
        %dma_wait3A_1058 = arith.constant 0 : i32
        %dma_wait3A_1059 = tpu.memref_slice %arg4[%shift_right_arithmetic3A_1002, %dma_wait3A_1051, %and3A_1004, %dma_wait3A_1057, %dma_wait3A_1058] : memref<200x4x32x8x128xf32, #tpu.memory_space<hbm>> -> memref<1x1x1x8x128xf32, #tpu.memory_space<hbm>>
        %dma_wait3A_1060 = tpu.memref_squeeze %dma_wait3A_1059 : memref<1x1x1x8x128xf32, #tpu.memory_space<hbm>> -> memref<8x128xf32, #tpu.memory_space<hbm>>
        %dma_wait3A_1061 = tpu.memref_slice %arg10[%dma_wait3A_1052] : memref<2x!tpu.dma_semaphore, #tpu.memory_space<semaphore_mem>> -> memref<1x!tpu.dma_semaphore, #tpu.memory_space<semaphore_mem>>
        %dma_wait3A_1062 = tpu.memref_squeeze %dma_wait3A_1061 : memref<1x!tpu.dma_semaphore, #tpu.memory_space<semaphore_mem>> -> memref<!tpu.dma_semaphore, #tpu.memory_space<semaphore_mem>>
        %dma_wait3A_1063 = arith.constant 0 : i32
        %dma_wait3A_1064 = arith.constant 0 : i32
        %dma_wait3A_1065 = tpu.memref_slice %arg4[%shift_right_arithmetic3A_1002, %dma_wait3A_1051, %and3A_1004, %dma_wait3A_1063, %dma_wait3A_1064] : memref<200x4x32x8x128xf32, #tpu.memory_space<hbm>> -> memref<1x1x1x8x128xf32, #tpu.memory_space<hbm>>
        %dma_wait3A_1066 = tpu.memref_squeeze %dma_wait3A_1065 : memref<1x1x1x8x128xf32, #tpu.memory_space<hbm>> -> memref<8x128xf32, #tpu.memory_space<hbm>>
        %dma_wait3A_1067 = arith.constant 0 : i32
        %dma_wait3A_1068 = arith.constant 0 : i32
        %dma_wait3A_1069 = tpu.memref_slice %arg7[%dma_wait3A_1049, %dma_wait3A_1050, %dma_wait3A_1067, %dma_wait3A_1068] : memref<2x4x8x129xf32, #tpu.memory_space<vmem>> -> memref<1x1x8x128xf32, #tpu.memory_space<vmem>>
        %dma_wait3A_1070 = tpu.memref_squeeze %dma_wait3A_1069 : memref<1x1x8x128xf32, #tpu.memory_space<vmem>> -> memref<8x128xf32, #tpu.memory_space<vmem>>
        tpu.wait_dma2 semaphore(%dma_wait3A_1062 : memref<!tpu.dma_semaphore, #tpu.memory_space<semaphore_mem>>) src(%dma_wait3A_1070 : memref<8x128xf32, #tpu.memory_space<vmem>>) dst(%dma_wait3A_1066 : memref<8x128xf32, #tpu.memory_space<hbm>>)
        %dma_wait3A_1071 = arith.constant 1 : i32
        %dma_wait3A_1072 = arith.constant 3 : i32
        %dma_wait3A_1073 = arith.constant 3 : i32
        %dma_wait3A_1074 = arith.constant 1 : i32
        %dma_wait3A_1075 = arith.constant 0 : i32
        %dma_wait3A_1076 = arith.constant 0 : i32
        %dma_wait3A_1077 = tpu.memref_slice %arg7[%dma_wait3A_1071, %dma_wait3A_1072, %dma_wait3A_1075, %dma_wait3A_1076] : memref<2x4x8x129xf32, #tpu.memory_space<vmem>> -> memref<1x1x8x128xf32, #tpu.memory_space<vmem>>
        %dma_wait3A_1078 = tpu.memref_squeeze %dma_wait3A_1077 : memref<1x1x8x128xf32, #tpu.memory_space<vmem>> -> memref<8x128xf32, #tpu.memory_space<vmem>>
        %dma_wait3A_1079 = arith.constant 0 : i32
        %dma_wait3A_1080 = arith.constant 0 : i32
        %dma_wait3A_1081 = tpu.memref_slice %arg4[%shift_right_arithmetic3A_1002, %dma_wait3A_1073, %and3A_1004, %dma_wait3A_1079, %dma_wait3A_1080] : memref<200x4x32x8x128xf32, #tpu.memory_space<hbm>> -> memref<1x1x1x8x128xf32, #tpu.memory_space<hbm>>
        %dma_wait3A_1082 = tpu.memref_squeeze %dma_wait3A_1081 : memref<1x1x1x8x128xf32, #tpu.memory_space<hbm>> -> memref<8x128xf32, #tpu.memory_space<hbm>>
        %dma_wait3A_1083 = tpu.memref_slice %arg10[%dma_wait3A_1074] : memref<2x!tpu.dma_semaphore, #tpu.memory_space<semaphore_mem>> -> memref<1x!tpu.dma_semaphore, #tpu.memory_space<semaphore_mem>>
        %dma_wait3A_1084 = tpu.memref_squeeze %dma_wait3A_1083 : memref<1x!tpu.dma_semaphore, #tpu.memory_space<semaphore_mem>> -> memref<!tpu.dma_semaphore, #tpu.memory_space<semaphore_mem>>
        %dma_wait3A_1085 = arith.constant 0 : i32
        %dma_wait3A_1086 = arith.constant 0 : i32
        %dma_wait3A_1087 = tpu.memref_slice %arg4[%shift_right_arithmetic3A_1002, %dma_wait3A_1073, %and3A_1004, %dma_wait3A_1085, %dma_wait3A_1086] : memref<200x4x32x8x128xf32, #tpu.memory_space<hbm>> -> memref<1x1x1x8x128xf32, #tpu.memory_space<hbm>>
        %dma_wait3A_1088 = tpu.memref_squeeze %dma_wait3A_1087 : memref<1x1x1x8x128xf32, #tpu.memory_space<hbm>> -> memref<8x128xf32, #tpu.memory_space<hbm>>
        %dma_wait3A_1089 = arith.constant 0 : i32
        %dma_wait3A_1090 = arith.constant 0 : i32
        %dma_wait3A_1091 = tpu.memref_slice %arg7[%dma_wait3A_1071, %dma_wait3A_1072, %dma_wait3A_1089, %dma_wait3A_1090] : memref<2x4x8x129xf32, #tpu.memory_space<vmem>> -> memref<1x1x8x128xf32, #tpu.memory_space<vmem>>
        %dma_wait3A_1092 = tpu.memref_squeeze %dma_wait3A_1091 : memref<1x1x8x128xf32, #tpu.memory_space<vmem>> -> memref<8x128xf32, #tpu.memory_space<vmem>>
        tpu.wait_dma2 semaphore(%dma_wait3A_1084 : memref<!tpu.dma_semaphore, #tpu.memory_space<semaphore_mem>>) src(%dma_wait3A_1092 : memref<8x128xf32, #tpu.memory_space<vmem>>) dst(%dma_wait3A_1088 : memref<8x128xf32, #tpu.memory_space<hbm>>)
      } else {
      }
      %mul3A_600 = arith.constant 0 : i32
      %mul3A_601 = vector.broadcast %mul3A_600 : i32 to vector<16xi32>
      %mul3A_602 = arith.muli %iota3A, %mul3A_601 : vector<16xi32>
      %parallel_loop3A_603 = arith.constant 0 : i32
      %parallel_loop3A_604 = arith.constant 128 : i32
      %parallel_loop3A_605 = arith.constant 1 : i32
      %parallel_loop3A_606 = scf.for %parallel_loop3A_999 = %parallel_loop3A_603 to %parallel_loop3A_604 step %parallel_loop3A_605 iter_args(%parallel_loop3A_1000 = %mul3A_602) -> (vector<16xi32>)  : i32 {
        %parallel_loop3A_1001 = arith.constant 1 : i32
        %parallel_loop3A_1002 = arith.index_cast %parallel_loop3A_1001 : i32 to index
        %parallel_loop3A_1003 = arith.index_cast %parallel_loop3A_999 : i32 to index
        %parallel_loop3A_1004 = arith.constant 0 : index
        %parallel_loop3A_1005 = tpu.vector_load %arg6[%parallel_loop3A_1002, %parallel_loop3A_1003, %parallel_loop3A_1004] {strides = array<i32>} : memref<4x128x32xf32, #tpu.memory_space<vmem>>, vector<16xf32>,
        %parallel_loop3A_1006 = arith.constant 1 : i32
        %parallel_loop3A_1007 = arith.constant 0 : i32
        %parallel_loop3A_1008 = arith.constant 0 : i32
        %parallel_loop3A_1009 = arith.constant 0 : i32
        %parallel_loop3A_1010 = tpu.memref_slice %arg7[%parallel_loop3A_1006, %parallel_loop3A_1007, %parallel_loop3A_1008, %parallel_loop3A_1009] : memref<2x4x8x129xf32, #tpu.memory_space<vmem>> -> memref<1x4x8x129xf32, #tpu.memory_space<vmem>>
        %parallel_loop3A_1011 = tpu.memref_squeeze %parallel_loop3A_1010 : memref<1x4x8x129xf32, #tpu.memory_space<vmem>> -> memref<4x8x129xf32, #tpu.memory_space<vmem>>
        tpu.vector_store_idx %parallel_loop3A_1011[%add3A_7, %and3A_15, %parallel_loop3A_1000], %parallel_loop3A_1005 : memref<4x8x129xf32, #tpu.memory_space<vmem>>[vector<16xi32>, vector<16xi32>, vector<16xi32>], vector<16xf32>,
        %parallel_loop3A_1012 = arith.constant 1 : i32
        %parallel_loop3A_1013 = arith.index_cast %parallel_loop3A_1012 : i32 to index
        %parallel_loop3A_1014 = arith.index_cast %parallel_loop3A_999 : i32 to index
        %parallel_loop3A_1015 = arith.constant 16 : index
        %parallel_loop3A_1016 = tpu.vector_load %arg6[%parallel_loop3A_1013, %parallel_loop3A_1014, %parallel_loop3A_1015] {strides = array<i32>} : memref<4x128x32xf32, #tpu.memory_space<vmem>>, vector<16xf32>,
        %parallel_loop3A_1017 = arith.constant 1 : i32
        %parallel_loop3A_1018 = arith.constant 0 : i32
        %parallel_loop3A_1019 = arith.constant 0 : i32
        %parallel_loop3A_1020 = arith.constant 0 : i32
        %parallel_loop3A_1021 = tpu.memref_slice %arg7[%parallel_loop3A_1017, %parallel_loop3A_1018, %parallel_loop3A_1019, %parallel_loop3A_1020] : memref<2x4x8x129xf32, #tpu.memory_space<vmem>> -> memref<1x4x8x129xf32, #tpu.memory_space<vmem>>
        %parallel_loop3A_1022 = tpu.memref_squeeze %parallel_loop3A_1021 : memref<1x4x8x129xf32, #tpu.memory_space<vmem>> -> memref<4x8x129xf32, #tpu.memory_space<vmem>>
        tpu.vector_store_idx %parallel_loop3A_1022[%add3A_13, %and3A_15, %parallel_loop3A_1000], %parallel_loop3A_1016 : memref<4x8x129xf32, #tpu.memory_space<vmem>>[vector<16xi32>, vector<16xi32>, vector<16xi32>], vector<16xf32>,
        %parallel_loop3A_1023 = arith.constant 1 : i32
        %parallel_loop3A_1024 = vector.broadcast %parallel_loop3A_1023 : i32 to vector<16xi32>
        %parallel_loop3A_1025 = arith.addi %parallel_loop3A_1000, %parallel_loop3A_1024 : vector<16xi32>
        scf.yield %parallel_loop3A_1025 : vector<16xi32>
      } {sc.loop_unroll_factor = 16 : i64, sc.parallel_access}
      %shift_right_arithmetic3A_607 = arith.constant 5 : i32
      %shift_right_arithmetic3A_608 = arith.shrsi %add3A_553, %shift_right_arithmetic3A_607 : i32
      %and3A_609 = arith.constant 31 : i32
      %and3A_610 = arith.andi %add3A_553, %and3A_609 : i32
      %dma_start3A_611 = arith.constant 1 : i32
      %dma_start3A_612 = arith.constant 0 : i32
      %dma_start3A_613 = arith.constant 0 : i32
      %dma_start3A_614 = arith.constant 1 : i32
      %dma_start3A_615 = arith.constant 0 : i32
      %dma_start3A_616 = arith.constant 0 : i32
      %dma_start3A_617 = tpu.memref_slice %arg7[%dma_start3A_611, %dma_start3A_612, %dma_start3A_615, %dma_start3A_616] : memref<2x4x8x129xf32, #tpu.memory_space<vmem>> -> memref<1x1x8x128xf32, #tpu.memory_space<vmem>>
      %dma_start3A_618 = tpu.memref_squeeze %dma_start3A_617 : memref<1x1x8x128xf32, #tpu.memory_space<vmem>> -> memref<8x128xf32, #tpu.memory_space<vmem>>
      %dma_start3A_619 = arith.constant 0 : i32
      %dma_start3A_620 = arith.constant 0 : i32
      %dma_start3A_621 = tpu.memref_slice %arg4[%shift_right_arithmetic3A_608, %dma_start3A_613, %and3A_610, %dma_start3A_619, %dma_start3A_620] : memref<200x4x32x8x128xf32, #tpu.memory_space<hbm>> -> memref<1x1x1x8x128xf32, #tpu.memory_space<hbm>>
      %dma_start3A_622 = tpu.memref_squeeze %dma_start3A_621 : memref<1x1x1x8x128xf32, #tpu.memory_space<hbm>> -> memref<8x128xf32, #tpu.memory_space<hbm>>
      %dma_start3A_623 = tpu.memref_slice %arg10[%dma_start3A_614] : memref<2x!tpu.dma_semaphore, #tpu.memory_space<semaphore_mem>> -> memref<1x!tpu.dma_semaphore, #tpu.memory_space<semaphore_mem>>
      %dma_start3A_624 = tpu.memref_squeeze %dma_start3A_623 : memref<1x!tpu.dma_semaphore, #tpu.memory_space<semaphore_mem>> -> memref<!tpu.dma_semaphore, #tpu.memory_space<semaphore_mem>>
      %dma_start3A_625 = arith.constant 0 : i32
      %dma_start3A_626 = arith.constant 0 : i32
      %dma_start3A_627 = tpu.memref_slice %arg4[%shift_right_arithmetic3A_608, %dma_start3A_613, %and3A_610, %dma_start3A_625, %dma_start3A_626] : memref<200x4x32x8x128xf32, #tpu.memory_space<hbm>> -> memref<1x1x1x8x128xf32, #tpu.memory_space<hbm>>
      %dma_start3A_628 = tpu.memref_squeeze %dma_start3A_627 : memref<1x1x1x8x128xf32, #tpu.memory_space<hbm>> -> memref<8x128xf32, #tpu.memory_space<hbm>>
      %dma_start3A_629 = arith.constant 0 : i32
      %dma_start3A_630 = arith.constant 0 : i32
      %dma_start3A_631 = tpu.memref_slice %arg7[%dma_start3A_611, %dma_start3A_612, %dma_start3A_629, %dma_start3A_630] : memref<2x4x8x129xf32, #tpu.memory_space<vmem>> -> memref<1x1x8x128xf32, #tpu.memory_space<vmem>>
      %dma_start3A_632 = tpu.memref_squeeze %dma_start3A_631 : memref<1x1x8x128xf32, #tpu.memory_space<vmem>> -> memref<8x128xf32, #tpu.memory_space<vmem>>
      tpu.enqueue_dma source(%dma_start3A_632 : memref<8x128xf32, #tpu.memory_space<vmem>>) target(%dma_start3A_628 : memref<8x128xf32, #tpu.memory_space<hbm>>) target_semaphore(%dma_start3A_624 : memref<!tpu.dma_semaphore, #tpu.memory_space<semaphore_mem>>)
      %dma_start3A_633 = arith.constant 1 : i32
      %dma_start3A_634 = arith.constant 1 : i32
      %dma_start3A_635 = arith.constant 1 : i32
      %dma_start3A_636 = arith.constant 1 : i32
      %dma_start3A_637 = arith.constant 0 : i32
      %dma_start3A_638 = arith.constant 0 : i32
      %dma_start3A_639 = tpu.memref_slice %arg7[%dma_start3A_633, %dma_start3A_634, %dma_start3A_637, %dma_start3A_638] : memref<2x4x8x129xf32, #tpu.memory_space<vmem>> -> memref<1x1x8x128xf32, #tpu.memory_space<vmem>>
      %dma_start3A_640 = tpu.memref_squeeze %dma_start3A_639 : memref<1x1x8x128xf32, #tpu.memory_space<vmem>> -> memref<8x128xf32, #tpu.memory_space<vmem>>
      %dma_start3A_641 = arith.constant 0 : i32
      %dma_start3A_642 = arith.constant 0 : i32
      %dma_start3A_643 = tpu.memref_slice %arg4[%shift_right_arithmetic3A_608, %dma_start3A_635, %and3A_610, %dma_start3A_641, %dma_start3A_642] : memref<200x4x32x8x128xf32, #tpu.memory_space<hbm>> -> memref<1x1x1x8x128xf32, #tpu.memory_space<hbm>>
      %dma_start3A_644 = tpu.memref_squeeze %dma_start3A_643 : memref<1x1x1x8x128xf32, #tpu.memory_space<hbm>> -> memref<8x128xf32, #tpu.memory_space<hbm>>
      %dma_start3A_645 = tpu.memref_slice %arg10[%dma_start3A_636] : memref<2x!tpu.dma_semaphore, #tpu.memory_space<semaphore_mem>> -> memref<1x!tpu.dma_semaphore, #tpu.memory_space<semaphore_mem>>
      %dma_start3A_646 = tpu.memref_squeeze %dma_start3A_645 : memref<1x!tpu.dma_semaphore, #tpu.memory_space<semaphore_mem>> -> memref<!tpu.dma_semaphore, #tpu.memory_space<semaphore_mem>>
      %dma_start3A_647 = arith.constant 0 : i32
      %dma_start3A_648 = arith.constant 0 : i32
      %dma_start3A_649 = tpu.memref_slice %arg4[%shift_right_arithmetic3A_608, %dma_start3A_635, %and3A_610, %dma_start3A_647, %dma_start3A_648] : memref<200x4x32x8x128xf32, #tpu.memory_space<hbm>> -> memref<1x1x1x8x128xf32, #tpu.memory_space<hbm>>
      %dma_start3A_650 = tpu.memref_squeeze %dma_start3A_649 : memref<1x1x1x8x128xf32, #tpu.memory_space<hbm>> -> memref<8x128xf32, #tpu.memory_space<hbm>>
      %dma_start3A_651 = arith.constant 0 : i32
      %dma_start3A_652 = arith.constant 0 : i32
      %dma_start3A_653 = tpu.memref_slice %arg7[%dma_start3A_633, %dma_start3A_634, %dma_start3A_651, %dma_start3A_652] : memref<2x4x8x129xf32, #tpu.memory_space<vmem>> -> memref<1x1x8x128xf32, #tpu.memory_space<vmem>>
      %dma_start3A_654 = tpu.memref_squeeze %dma_start3A_653 : memref<1x1x8x128xf32, #tpu.memory_space<vmem>> -> memref<8x128xf32, #tpu.memory_space<vmem>>
      tpu.enqueue_dma source(%dma_start3A_654 : memref<8x128xf32, #tpu.memory_space<vmem>>) target(%dma_start3A_650 : memref<8x128xf32, #tpu.memory_space<hbm>>) target_semaphore(%dma_start3A_646 : memref<!tpu.dma_semaphore, #tpu.memory_space<semaphore_mem>>)
      %dma_start3A_655 = arith.constant 1 : i32
      %dma_start3A_656 = arith.constant 2 : i32
      %dma_start3A_657 = arith.constant 2 : i32
      %dma_start3A_658 = arith.constant 1 : i32
      %dma_start3A_659 = arith.constant 0 : i32
      %dma_start3A_660 = arith.constant 0 : i32
      %dma_start3A_661 = tpu.memref_slice %arg7[%dma_start3A_655, %dma_start3A_656, %dma_start3A_659, %dma_start3A_660] : memref<2x4x8x129xf32, #tpu.memory_space<vmem>> -> memref<1x1x8x128xf32, #tpu.memory_space<vmem>>
      %dma_start3A_662 = tpu.memref_squeeze %dma_start3A_661 : memref<1x1x8x128xf32, #tpu.memory_space<vmem>> -> memref<8x128xf32, #tpu.memory_space<vmem>>
      %dma_start3A_663 = arith.constant 0 : i32
      %dma_start3A_664 = arith.constant 0 : i32
      %dma_start3A_665 = tpu.memref_slice %arg4[%shift_right_arithmetic3A_608, %dma_start3A_657, %and3A_610, %dma_start3A_663, %dma_start3A_664] : memref<200x4x32x8x128xf32, #tpu.memory_space<hbm>> -> memref<1x1x1x8x128xf32, #tpu.memory_space<hbm>>
      %dma_start3A_666 = tpu.memref_squeeze %dma_start3A_665 : memref<1x1x1x8x128xf32, #tpu.memory_space<hbm>> -> memref<8x128xf32, #tpu.memory_space<hbm>>
      %dma_start3A_667 = tpu.memref_slice %arg10[%dma_start3A_658] : memref<2x!tpu.dma_semaphore, #tpu.memory_space<semaphore_mem>> -> memref<1x!tpu.dma_semaphore, #tpu.memory_space<semaphore_mem>>
      %dma_start3A_668 = tpu.memref_squeeze %dma_start3A_667 : memref<1x!tpu.dma_semaphore, #tpu.memory_space<semaphore_mem>> -> memref<!tpu.dma_semaphore, #tpu.memory_space<semaphore_mem>>
      %dma_start3A_669 = arith.constant 0 : i32
      %dma_start3A_670 = arith.constant 0 : i32
      %dma_start3A_671 = tpu.memref_slice %arg4[%shift_right_arithmetic3A_608, %dma_start3A_657, %and3A_610, %dma_start3A_669, %dma_start3A_670] : memref<200x4x32x8x128xf32, #tpu.memory_space<hbm>> -> memref<1x1x1x8x128xf32, #tpu.memory_space<hbm>>
      %dma_start3A_672 = tpu.memref_squeeze %dma_start3A_671 : memref<1x1x1x8x128xf32, #tpu.memory_space<hbm>> -> memref<8x128xf32, #tpu.memory_space<hbm>>
      %dma_start3A_673 = arith.constant 0 : i32
      %dma_start3A_674 = arith.constant 0 : i32
      %dma_start3A_675 = tpu.memref_slice %arg7[%dma_start3A_655, %dma_start3A_656, %dma_start3A_673, %dma_start3A_674] : memref<2x4x8x129xf32, #tpu.memory_space<vmem>> -> memref<1x1x8x128xf32, #tpu.memory_space<vmem>>
      %dma_start3A_676 = tpu.memref_squeeze %dma_start3A_675 : memref<1x1x8x128xf32, #tpu.memory_space<vmem>> -> memref<8x128xf32, #tpu.memory_space<vmem>>
      tpu.enqueue_dma source(%dma_start3A_676 : memref<8x128xf32, #tpu.memory_space<vmem>>) target(%dma_start3A_672 : memref<8x128xf32, #tpu.memory_space<hbm>>) target_semaphore(%dma_start3A_668 : memref<!tpu.dma_semaphore, #tpu.memory_space<semaphore_mem>>)
      %dma_start3A_677 = arith.constant 1 : i32
      %dma_start3A_678 = arith.constant 3 : i32
      %dma_start3A_679 = arith.constant 3 : i32
      %dma_start3A_680 = arith.constant 1 : i32
      %dma_start3A_681 = arith.constant 0 : i32
      %dma_start3A_682 = arith.constant 0 : i32
      %dma_start3A_683 = tpu.memref_slice %arg7[%dma_start3A_677, %dma_start3A_678, %dma_start3A_681, %dma_start3A_682] : memref<2x4x8x129xf32, #tpu.memory_space<vmem>> -> memref<1x1x8x128xf32, #tpu.memory_space<vmem>>
      %dma_start3A_684 = tpu.memref_squeeze %dma_start3A_683 : memref<1x1x8x128xf32, #tpu.memory_space<vmem>> -> memref<8x128xf32, #tpu.memory_space<vmem>>
      %dma_start3A_685 = arith.constant 0 : i32
      %dma_start3A_686 = arith.constant 0 : i32
      %dma_start3A_687 = tpu.memref_slice %arg4[%shift_right_arithmetic3A_608, %dma_start3A_679, %and3A_610, %dma_start3A_685, %dma_start3A_686] : memref<200x4x32x8x128xf32, #tpu.memory_space<hbm>> -> memref<1x1x1x8x128xf32, #tpu.memory_space<hbm>>
      %dma_start3A_688 = tpu.memref_squeeze %dma_start3A_687 : memref<1x1x1x8x128xf32, #tpu.memory_space<hbm>> -> memref<8x128xf32, #tpu.memory_space<hbm>>
      %dma_start3A_689 = tpu.memref_slice %arg10[%dma_start3A_680] : memref<2x!tpu.dma_semaphore, #tpu.memory_space<semaphore_mem>> -> memref<1x!tpu.dma_semaphore, #tpu.memory_space<semaphore_mem>>
      %dma_start3A_690 = tpu.memref_squeeze %dma_start3A_689 : memref<1x!tpu.dma_semaphore, #tpu.memory_space<semaphore_mem>> -> memref<!tpu.dma_semaphore, #tpu.memory_space<semaphore_mem>>
      %dma_start3A_691 = arith.constant 0 : i32
      %dma_start3A_692 = arith.constant 0 : i32
      %dma_start3A_693 = tpu.memref_slice %arg4[%shift_right_arithmetic3A_608, %dma_start3A_679, %and3A_610, %dma_start3A_691, %dma_start3A_692] : memref<200x4x32x8x128xf32, #tpu.memory_space<hbm>> -> memref<1x1x1x8x128xf32, #tpu.memory_space<hbm>>
      %dma_start3A_694 = tpu.memref_squeeze %dma_start3A_693 : memref<1x1x1x8x128xf32, #tpu.memory_space<hbm>> -> memref<8x128xf32, #tpu.memory_space<hbm>>
      %dma_start3A_695 = arith.constant 0 : i32
      %dma_start3A_696 = arith.constant 0 : i32
      %dma_start3A_697 = tpu.memref_slice %arg7[%dma_start3A_677, %dma_start3A_678, %dma_start3A_695, %dma_start3A_696] : memref<2x4x8x129xf32, #tpu.memory_space<vmem>> -> memref<1x1x8x128xf32, #tpu.memory_space<vmem>>
      %dma_start3A_698 = tpu.memref_squeeze %dma_start3A_697 : memref<1x1x8x128xf32, #tpu.memory_space<vmem>> -> memref<8x128xf32, #tpu.memory_space<vmem>>
      tpu.enqueue_dma source(%dma_start3A_698 : memref<8x128xf32, #tpu.memory_space<vmem>>) target(%dma_start3A_694 : memref<8x128xf32, #tpu.memory_space<hbm>>) target_semaphore(%dma_start3A_690 : memref<!tpu.dma_semaphore, #tpu.memory_space<semaphore_mem>>)
      %mul3A_699 = arith.constant 4 : i32
      %mul3A_700 = arith.muli %add3A_403, %mul3A_699 : i32
      %add3A_701 = arith.addi %mul3A_2, %mul3A_700 : i32
      %add3A_702 = arith.constant 2 : i32
      %add3A_703 = arith.addi %add3A_701, %add3A_702 : i32
      %mul3A_704 = arith.constant 4 : i32
      %mul3A_705 = arith.muli %add3A_403, %mul3A_704 : i32
      %add3A_706 = arith.constant 2 : i32
      %add3A_707 = arith.addi %mul3A_705, %add3A_706 : i32
      %add3A_708 = arith.constant 2 : i32
      %add3A_709 = arith.addi %add3A_707, %add3A_708 : i32
      %lt3A_710 = arith.constant 200 : i32
      %lt3A_711 = arith.cmpi slt, %add3A_709, %lt3A_710 : i32
      %convert_element_type3A_712 = arith.extui %lt3A_711 : i1 to i32
      %cond3A_713 = arith.constant 0 : i32
      %cond3A_714 = arith.cmpi ne, %convert_element_type3A_712, %cond3A_713 : i32
      scf.if %cond3A_714 {
        %add3A_999 = arith.constant 2 : i32
        %add3A_1000 = arith.addi %add3A_703, %add3A_999 : i32
        %shift_right_arithmetic3A_1001 = arith.constant 5 : i32
        %shift_right_arithmetic3A_1002 = arith.shrsi %add3A_1000, %shift_right_arithmetic3A_1001 : i32
        %shift_right_arithmetic3A_1003 = arith.constant 3 : i32
        %shift_right_arithmetic3A_1004 = arith.shrsi %shift_right_arithmetic3A_1002, %shift_right_arithmetic3A_1003 : i32
        %and3A_1005 = arith.constant 7 : i32
        %and3A_1006 = arith.andi %shift_right_arithmetic3A_1002, %and3A_1005 : i32
        %and3A_1007 = arith.constant 31 : i32
        %and3A_1008 = arith.andi %add3A_1000, %and3A_1007 : i32
        %dma_wait3A_1009 = arith.constant 0 : i32
        %dma_wait3A_1010 = arith.constant 0 : i32
        %dma_wait3A_1011 = arith.constant 0 : i32
        %dma_wait3A_1012 = tpu.memref_slice %arg5[%dma_wait3A_1009, %dma_wait3A_1011] : memref<4x128xi32, #tpu.memory_space<vmem>> -> memref<1x128xi32, #tpu.memory_space<vmem>>
        %dma_wait3A_1013 = tpu.memref_squeeze %dma_wait3A_1012 : memref<1x128xi32, #tpu.memory_space<vmem>> -> memref<128xi32, #tpu.memory_space<vmem>>
        %dma_wait3A_1014 = arith.constant 0 : i32
        %dma_wait3A_1015 = tpu.memref_slice %arg2[%shift_right_arithmetic3A_1004, %and3A_1008, %and3A_1006, %dma_wait3A_1014] : memref<25x32x8x128xi32, #tpu.memory_space<hbm>> -> memref<1x1x1x128xi32, #tpu.memory_space<hbm>>
        %dma_wait3A_1016 = tpu.memref_squeeze %dma_wait3A_1015 : memref<1x1x1x128xi32, #tpu.memory_space<hbm>> -> memref<128xi32, #tpu.memory_space<hbm>>
        %dma_wait3A_1017 = tpu.memref_slice %arg8[%dma_wait3A_1010] : memref<4x!tpu.dma_semaphore, #tpu.memory_space<semaphore_mem>> -> memref<1x!tpu.dma_semaphore, #tpu.memory_space<semaphore_mem>>
        %dma_wait3A_1018 = tpu.memref_squeeze %dma_wait3A_1017 : memref<1x!tpu.dma_semaphore, #tpu.memory_space<semaphore_mem>> -> memref<!tpu.dma_semaphore, #tpu.memory_space<semaphore_mem>>
        %dma_wait3A_1019 = arith.constant 0 : i32
        %dma_wait3A_1020 = tpu.memref_slice %arg5[%dma_wait3A_1009, %dma_wait3A_1019] : memref<4x128xi32, #tpu.memory_space<vmem>> -> memref<1x128xi32, #tpu.memory_space<vmem>>
        %dma_wait3A_1021 = tpu.memref_squeeze %dma_wait3A_1020 : memref<1x128xi32, #tpu.memory_space<vmem>> -> memref<128xi32, #tpu.memory_space<vmem>>
        %dma_wait3A_1022 = arith.constant 0 : i32
        %dma_wait3A_1023 = tpu.memref_slice %arg2[%shift_right_arithmetic3A_1004, %and3A_1008, %and3A_1006, %dma_wait3A_1022] : memref<25x32x8x128xi32, #tpu.memory_space<hbm>> -> memref<1x1x1x128xi32, #tpu.memory_space<hbm>>
        %dma_wait3A_1024 = tpu.memref_squeeze %dma_wait3A_1023 : memref<1x1x1x128xi32, #tpu.memory_space<hbm>> -> memref<128xi32, #tpu.memory_space<hbm>>
        tpu.wait_dma2 semaphore(%dma_wait3A_1018 : memref<!tpu.dma_semaphore, #tpu.memory_space<semaphore_mem>>) src(%dma_wait3A_1024 : memref<128xi32, #tpu.memory_space<hbm>>) dst(%dma_wait3A_1021 : memref<128xi32, #tpu.memory_space<vmem>>)
        %dma_start3A_1025 = arith.constant 0 : i32
        %dma_start3A_1026 = arith.constant 0 : i32
        %dma_start3A_1027 = arith.constant 0 : i32
        %dma_start3A_1028 = arith.constant 0 : i32
        %dma_start3A_1029 = arith.constant 0 : i32
        %dma_start3A_1030 = tpu.memref_slice %arg6[%dma_start3A_1026, %dma_start3A_1028, %dma_start3A_1029] : memref<4x128x32xf32, #tpu.memory_space<vmem>> -> memref<1x128x32xf32, #tpu.memory_space<vmem>>
        %dma_start3A_1031 = tpu.memref_squeeze %dma_start3A_1030 : memref<1x128x32xf32, #tpu.memory_space<vmem>> -> memref<128x32xf32, #tpu.memory_space<vmem>>
        %dma_start3A_1032 = arith.constant 0 : i32
        %dma_start3A_1033 = tpu.memref_slice %arg5[%dma_start3A_1025, %dma_start3A_1032] : memref<4x128xi32, #tpu.memory_space<vmem>> -> memref<1x128xi32, #tpu.memory_space<vmem>>
        %dma_start3A_1034 = tpu.memref_squeeze %dma_start3A_1033 : memref<1x128xi32, #tpu.memory_space<vmem>> -> memref<128xi32, #tpu.memory_space<vmem>>
        %dma_start3A_1035 = arith.constant 0 : i32
        %dma_start3A_1036 = arith.constant 0 : i32
        %dma_start3A_1037 = tpu.memref_slice %arg3[%dma_start3A_1035, %dma_start3A_1036] : memref<1000000x32xf32, #tpu.memory_space<hbm>> -> memref<1000000x32xf32, #tpu.memory_space<hbm>>
        %dma_start3A_1038 = tpu.memref_slice %arg9[%dma_start3A_1027] : memref<4x!tpu.dma_semaphore, #tpu.memory_space<semaphore_mem>> -> memref<1x!tpu.dma_semaphore, #tpu.memory_space<semaphore_mem>>
        %dma_start3A_1039 = tpu.memref_squeeze %dma_start3A_1038 : memref<1x!tpu.dma_semaphore, #tpu.memory_space<semaphore_mem>> -> memref<!tpu.dma_semaphore, #tpu.memory_space<semaphore_mem>>
        tpu.enqueue_indirect_dma source(%dma_start3A_1037 : memref<1000000x32xf32, #tpu.memory_space<hbm>>) target(%dma_start3A_1031 : memref<128x32xf32, #tpu.memory_space<vmem>>) offsets(%dma_start3A_1034 : memref<128xi32, #tpu.memory_space<vmem>>) semaphore(%dma_start3A_1039 : memref<!tpu.dma_semaphore, #tpu.memory_space<semaphore_mem>>)
      } else {
      }
      %dma_wait3A_715 = arith.constant 2 : i32
      %dma_wait3A_716 = arith.constant 2 : i32
      %dma_wait3A_717 = arith.constant 2 : i32
      %dma_wait3A_718 = arith.constant 0 : i32
      %dma_wait3A_719 = arith.constant 0 : i32
      %dma_wait3A_720 = tpu.memref_slice %arg6[%dma_wait3A_716, %dma_wait3A_718, %dma_wait3A_719] : memref<4x128x32xf32, #tpu.memory_space<vmem>> -> memref<1x128x32xf32, #tpu.memory_space<vmem>>
      %dma_wait3A_721 = tpu.memref_squeeze %dma_wait3A_720 : memref<1x128x32xf32, #tpu.memory_space<vmem>> -> memref<128x32xf32, #tpu.memory_space<vmem>>
      %dma_wait3A_722 = arith.constant 0 : i32
      %dma_wait3A_723 = tpu.memref_slice %arg5[%dma_wait3A_715, %dma_wait3A_722] : memref<4x128xi32, #tpu.memory_space<vmem>> -> memref<1x128xi32, #tpu.memory_space<vmem>>
      %dma_wait3A_724 = tpu.memref_squeeze %dma_wait3A_723 : memref<1x128xi32, #tpu.memory_space<vmem>> -> memref<128xi32, #tpu.memory_space<vmem>>
      %dma_wait3A_725 = arith.constant 0 : i32
      %dma_wait3A_726 = arith.constant 0 : i32
      %dma_wait3A_727 = tpu.memref_slice %arg3[%dma_wait3A_725, %dma_wait3A_726] : memref<1000000x32xf32, #tpu.memory_space<hbm>> -> memref<1000000x32xf32, #tpu.memory_space<hbm>>
      %dma_wait3A_728 = tpu.memref_slice %arg9[%dma_wait3A_717] : memref<4x!tpu.dma_semaphore, #tpu.memory_space<semaphore_mem>> -> memref<1x!tpu.dma_semaphore, #tpu.memory_space<semaphore_mem>>
      %dma_wait3A_729 = tpu.memref_squeeze %dma_wait3A_728 : memref<1x!tpu.dma_semaphore, #tpu.memory_space<semaphore_mem>> -> memref<!tpu.dma_semaphore, #tpu.memory_space<semaphore_mem>>
      tpu.wait_indirect_dma semaphore(%dma_wait3A_729 : memref<!tpu.dma_semaphore, #tpu.memory_space<semaphore_mem>>) src(%dma_wait3A_727 : memref<1000000x32xf32, #tpu.memory_space<hbm>>) dst(%dma_wait3A_721 : memref<128x32xf32, #tpu.memory_space<vmem>>)
      %mul3A_730 = arith.constant 4 : i32
      %mul3A_731 = arith.muli %add3A_403, %mul3A_730 : i32
      %add3A_732 = arith.constant 2 : i32
      %add3A_733 = arith.addi %mul3A_731, %add3A_732 : i32
      %add3A_734 = arith.constant 4 : i32
      %add3A_735 = arith.addi %add3A_733, %add3A_734 : i32
      %lt3A_736 = arith.constant 200 : i32
      %lt3A_737 = arith.cmpi slt, %add3A_735, %lt3A_736 : i32
      %convert_element_type3A_738 = arith.extui %lt3A_737 : i1 to i32
      %cond3A_739 = arith.constant 0 : i32
      %cond3A_740 = arith.cmpi ne, %convert_element_type3A_738, %cond3A_739 : i32
      scf.if %cond3A_740 {
        %add3A_999 = arith.constant 4 : i32
        %add3A_1000 = arith.addi %add3A_703, %add3A_999 : i32
        %shift_right_arithmetic3A_1001 = arith.constant 5 : i32
        %shift_right_arithmetic3A_1002 = arith.shrsi %add3A_1000, %shift_right_arithmetic3A_1001 : i32
        %shift_right_arithmetic3A_1003 = arith.constant 3 : i32
        %shift_right_arithmetic3A_1004 = arith.shrsi %shift_right_arithmetic3A_1002, %shift_right_arithmetic3A_1003 : i32
        %and3A_1005 = arith.constant 7 : i32
        %and3A_1006 = arith.andi %shift_right_arithmetic3A_1002, %and3A_1005 : i32
        %and3A_1007 = arith.constant 31 : i32
        %and3A_1008 = arith.andi %add3A_1000, %and3A_1007 : i32
        %dma_start3A_1009 = arith.constant 2 : i32
        %dma_start3A_1010 = arith.constant 2 : i32
        %dma_start3A_1011 = arith.constant 0 : i32
        %dma_start3A_1012 = tpu.memref_slice %arg5[%dma_start3A_1009, %dma_start3A_1011] : memref<4x128xi32, #tpu.memory_space<vmem>> -> memref<1x128xi32, #tpu.memory_space<vmem>>
        %dma_start3A_1013 = tpu.memref_squeeze %dma_start3A_1012 : memref<1x128xi32, #tpu.memory_space<vmem>> -> memref<128xi32, #tpu.memory_space<vmem>>
        %dma_start3A_1014 = arith.constant 0 : i32
        %dma_start3A_1015 = tpu.memref_slice %arg2[%shift_right_arithmetic3A_1004, %and3A_1008, %and3A_1006, %dma_start3A_1014] : memref<25x32x8x128xi32, #tpu.memory_space<hbm>> -> memref<1x1x1x128xi32, #tpu.memory_space<hbm>>
        %dma_start3A_1016 = tpu.memref_squeeze %dma_start3A_1015 : memref<1x1x1x128xi32, #tpu.memory_space<hbm>> -> memref<128xi32, #tpu.memory_space<hbm>>
        %dma_start3A_1017 = tpu.memref_slice %arg8[%dma_start3A_1010] : memref<4x!tpu.dma_semaphore, #tpu.memory_space<semaphore_mem>> -> memref<1x!tpu.dma_semaphore, #tpu.memory_space<semaphore_mem>>
        %dma_start3A_1018 = tpu.memref_squeeze %dma_start3A_1017 : memref<1x!tpu.dma_semaphore, #tpu.memory_space<semaphore_mem>> -> memref<!tpu.dma_semaphore, #tpu.memory_space<semaphore_mem>>
        %dma_start3A_1019 = arith.constant 0 : i32
        %dma_start3A_1020 = tpu.memref_slice %arg5[%dma_start3A_1009, %dma_start3A_1019] : memref<4x128xi32, #tpu.memory_space<vmem>> -> memref<1x128xi32, #tpu.memory_space<vmem>>
        %dma_start3A_1021 = tpu.memref_squeeze %dma_start3A_1020 : memref<1x128xi32, #tpu.memory_space<vmem>> -> memref<128xi32, #tpu.memory_space<vmem>>
        %dma_start3A_1022 = arith.constant 0 : i32
        %dma_start3A_1023 = tpu.memref_slice %arg2[%shift_right_arithmetic3A_1004, %and3A_1008, %and3A_1006, %dma_start3A_1022] : memref<25x32x8x128xi32, #tpu.memory_space<hbm>> -> memref<1x1x1x128xi32, #tpu.memory_space<hbm>>
        %dma_start3A_1024 = tpu.memref_squeeze %dma_start3A_1023 : memref<1x1x1x128xi32, #tpu.memory_space<hbm>> -> memref<128xi32, #tpu.memory_space<hbm>>
        tpu.enqueue_dma source(%dma_start3A_1024 : memref<128xi32, #tpu.memory_space<hbm>>) target(%dma_start3A_1021 : memref<128xi32, #tpu.memory_space<vmem>>) target_semaphore(%dma_start3A_1018 : memref<!tpu.dma_semaphore, #tpu.memory_space<semaphore_mem>>)
      } else {
      }
      %mul3A_741 = arith.constant 4 : i32
      %mul3A_742 = arith.muli %add3A_403, %mul3A_741 : i32
      %add3A_743 = arith.constant 2 : i32
      %add3A_744 = arith.addi %mul3A_742, %add3A_743 : i32
      %ge3A_745 = arith.constant 2 : i32
      %ge3A_746 = arith.cmpi sge, %add3A_744, %ge3A_745 : i32
      %convert_element_type3A_747 = arith.extui %ge3A_746 : i1 to i32
      %cond3A_748 = arith.constant 0 : i32
      %cond3A_749 = arith.cmpi ne, %convert_element_type3A_747, %cond3A_748 : i32
      scf.if %cond3A_749 {
        %sub3A_999 = arith.constant 2 : i32
        %sub3A_1000 = arith.subi %add3A_703, %sub3A_999 : i32
        %shift_right_arithmetic3A_1001 = arith.constant 5 : i32
        %shift_right_arithmetic3A_1002 = arith.shrsi %sub3A_1000, %shift_right_arithmetic3A_1001 : i32
        %and3A_1003 = arith.constant 31 : i32
        %and3A_1004 = arith.andi %sub3A_1000, %and3A_1003 : i32
        %dma_wait3A_1005 = arith.constant 0 : i32
        %dma_wait3A_1006 = arith.constant 0 : i32
        %dma_wait3A_1007 = arith.constant 0 : i32
        %dma_wait3A_1008 = arith.constant 0 : i32
        %dma_wait3A_1009 = arith.constant 0 : i32
        %dma_wait3A_1010 = arith.constant 0 : i32
        %dma_wait3A_1011 = tpu.memref_slice %arg7[%dma_wait3A_1005, %dma_wait3A_1006, %dma_wait3A_1009, %dma_wait3A_1010] : memref<2x4x8x129xf32, #tpu.memory_space<vmem>> -> memref<1x1x8x128xf32, #tpu.memory_space<vmem>>
        %dma_wait3A_1012 = tpu.memref_squeeze %dma_wait3A_1011 : memref<1x1x8x128xf32, #tpu.memory_space<vmem>> -> memref<8x128xf32, #tpu.memory_space<vmem>>
        %dma_wait3A_1013 = arith.constant 0 : i32
        %dma_wait3A_1014 = arith.constant 0 : i32
        %dma_wait3A_1015 = tpu.memref_slice %arg4[%shift_right_arithmetic3A_1002, %dma_wait3A_1007, %and3A_1004, %dma_wait3A_1013, %dma_wait3A_1014] : memref<200x4x32x8x128xf32, #tpu.memory_space<hbm>> -> memref<1x1x1x8x128xf32, #tpu.memory_space<hbm>>
        %dma_wait3A_1016 = tpu.memref_squeeze %dma_wait3A_1015 : memref<1x1x1x8x128xf32, #tpu.memory_space<hbm>> -> memref<8x128xf32, #tpu.memory_space<hbm>>
        %dma_wait3A_1017 = tpu.memref_slice %arg10[%dma_wait3A_1008] : memref<2x!tpu.dma_semaphore, #tpu.memory_space<semaphore_mem>> -> memref<1x!tpu.dma_semaphore, #tpu.memory_space<semaphore_mem>>
        %dma_wait3A_1018 = tpu.memref_squeeze %dma_wait3A_1017 : memref<1x!tpu.dma_semaphore, #tpu.memory_space<semaphore_mem>> -> memref<!tpu.dma_semaphore, #tpu.memory_space<semaphore_mem>>
        %dma_wait3A_1019 = arith.constant 0 : i32
        %dma_wait3A_1020 = arith.constant 0 : i32
        %dma_wait3A_1021 = tpu.memref_slice %arg4[%shift_right_arithmetic3A_1002, %dma_wait3A_1007, %and3A_1004, %dma_wait3A_1019, %dma_wait3A_1020] : memref<200x4x32x8x128xf32, #tpu.memory_space<hbm>> -> memref<1x1x1x8x128xf32, #tpu.memory_space<hbm>>
        %dma_wait3A_1022 = tpu.memref_squeeze %dma_wait3A_1021 : memref<1x1x1x8x128xf32, #tpu.memory_space<hbm>> -> memref<8x128xf32, #tpu.memory_space<hbm>>
        %dma_wait3A_1023 = arith.constant 0 : i32
        %dma_wait3A_1024 = arith.constant 0 : i32
        %dma_wait3A_1025 = tpu.memref_slice %arg7[%dma_wait3A_1005, %dma_wait3A_1006, %dma_wait3A_1023, %dma_wait3A_1024] : memref<2x4x8x129xf32, #tpu.memory_space<vmem>> -> memref<1x1x8x128xf32, #tpu.memory_space<vmem>>
        %dma_wait3A_1026 = tpu.memref_squeeze %dma_wait3A_1025 : memref<1x1x8x128xf32, #tpu.memory_space<vmem>> -> memref<8x128xf32, #tpu.memory_space<vmem>>
        tpu.wait_dma2 semaphore(%dma_wait3A_1018 : memref<!tpu.dma_semaphore, #tpu.memory_space<semaphore_mem>>) src(%dma_wait3A_1026 : memref<8x128xf32, #tpu.memory_space<vmem>>) dst(%dma_wait3A_1022 : memref<8x128xf32, #tpu.memory_space<hbm>>)
        %dma_wait3A_1027 = arith.constant 0 : i32
        %dma_wait3A_1028 = arith.constant 1 : i32
        %dma_wait3A_1029 = arith.constant 1 : i32
        %dma_wait3A_1030 = arith.constant 0 : i32
        %dma_wait3A_1031 = arith.constant 0 : i32
        %dma_wait3A_1032 = arith.constant 0 : i32
        %dma_wait3A_1033 = tpu.memref_slice %arg7[%dma_wait3A_1027, %dma_wait3A_1028, %dma_wait3A_1031, %dma_wait3A_1032] : memref<2x4x8x129xf32, #tpu.memory_space<vmem>> -> memref<1x1x8x128xf32, #tpu.memory_space<vmem>>
        %dma_wait3A_1034 = tpu.memref_squeeze %dma_wait3A_1033 : memref<1x1x8x128xf32, #tpu.memory_space<vmem>> -> memref<8x128xf32, #tpu.memory_space<vmem>>
        %dma_wait3A_1035 = arith.constant 0 : i32
        %dma_wait3A_1036 = arith.constant 0 : i32
        %dma_wait3A_1037 = tpu.memref_slice %arg4[%shift_right_arithmetic3A_1002, %dma_wait3A_1029, %and3A_1004, %dma_wait3A_1035, %dma_wait3A_1036] : memref<200x4x32x8x128xf32, #tpu.memory_space<hbm>> -> memref<1x1x1x8x128xf32, #tpu.memory_space<hbm>>
        %dma_wait3A_1038 = tpu.memref_squeeze %dma_wait3A_1037 : memref<1x1x1x8x128xf32, #tpu.memory_space<hbm>> -> memref<8x128xf32, #tpu.memory_space<hbm>>
        %dma_wait3A_1039 = tpu.memref_slice %arg10[%dma_wait3A_1030] : memref<2x!tpu.dma_semaphore, #tpu.memory_space<semaphore_mem>> -> memref<1x!tpu.dma_semaphore, #tpu.memory_space<semaphore_mem>>
        %dma_wait3A_1040 = tpu.memref_squeeze %dma_wait3A_1039 : memref<1x!tpu.dma_semaphore, #tpu.memory_space<semaphore_mem>> -> memref<!tpu.dma_semaphore, #tpu.memory_space<semaphore_mem>>
        %dma_wait3A_1041 = arith.constant 0 : i32
        %dma_wait3A_1042 = arith.constant 0 : i32
        %dma_wait3A_1043 = tpu.memref_slice %arg4[%shift_right_arithmetic3A_1002, %dma_wait3A_1029, %and3A_1004, %dma_wait3A_1041, %dma_wait3A_1042] : memref<200x4x32x8x128xf32, #tpu.memory_space<hbm>> -> memref<1x1x1x8x128xf32, #tpu.memory_space<hbm>>
        %dma_wait3A_1044 = tpu.memref_squeeze %dma_wait3A_1043 : memref<1x1x1x8x128xf32, #tpu.memory_space<hbm>> -> memref<8x128xf32, #tpu.memory_space<hbm>>
        %dma_wait3A_1045 = arith.constant 0 : i32
        %dma_wait3A_1046 = arith.constant 0 : i32
        %dma_wait3A_1047 = tpu.memref_slice %arg7[%dma_wait3A_1027, %dma_wait3A_1028, %dma_wait3A_1045, %dma_wait3A_1046] : memref<2x4x8x129xf32, #tpu.memory_space<vmem>> -> memref<1x1x8x128xf32, #tpu.memory_space<vmem>>
        %dma_wait3A_1048 = tpu.memref_squeeze %dma_wait3A_1047 : memref<1x1x8x128xf32, #tpu.memory_space<vmem>> -> memref<8x128xf32, #tpu.memory_space<vmem>>
        tpu.wait_dma2 semaphore(%dma_wait3A_1040 : memref<!tpu.dma_semaphore, #tpu.memory_space<semaphore_mem>>) src(%dma_wait3A_1048 : memref<8x128xf32, #tpu.memory_space<vmem>>) dst(%dma_wait3A_1044 : memref<8x128xf32, #tpu.memory_space<hbm>>)
        %dma_wait3A_1049 = arith.constant 0 : i32
        %dma_wait3A_1050 = arith.constant 2 : i32
        %dma_wait3A_1051 = arith.constant 2 : i32
        %dma_wait3A_1052 = arith.constant 0 : i32
        %dma_wait3A_1053 = arith.constant 0 : i32
        %dma_wait3A_1054 = arith.constant 0 : i32
        %dma_wait3A_1055 = tpu.memref_slice %arg7[%dma_wait3A_1049, %dma_wait3A_1050, %dma_wait3A_1053, %dma_wait3A_1054] : memref<2x4x8x129xf32, #tpu.memory_space<vmem>> -> memref<1x1x8x128xf32, #tpu.memory_space<vmem>>
        %dma_wait3A_1056 = tpu.memref_squeeze %dma_wait3A_1055 : memref<1x1x8x128xf32, #tpu.memory_space<vmem>> -> memref<8x128xf32, #tpu.memory_space<vmem>>
        %dma_wait3A_1057 = arith.constant 0 : i32
        %dma_wait3A_1058 = arith.constant 0 : i32
        %dma_wait3A_1059 = tpu.memref_slice %arg4[%shift_right_arithmetic3A_1002, %dma_wait3A_1051, %and3A_1004, %dma_wait3A_1057, %dma_wait3A_1058] : memref<200x4x32x8x128xf32, #tpu.memory_space<hbm>> -> memref<1x1x1x8x128xf32, #tpu.memory_space<hbm>>
        %dma_wait3A_1060 = tpu.memref_squeeze %dma_wait3A_1059 : memref<1x1x1x8x128xf32, #tpu.memory_space<hbm>> -> memref<8x128xf32, #tpu.memory_space<hbm>>
        %dma_wait3A_1061 = tpu.memref_slice %arg10[%dma_wait3A_1052] : memref<2x!tpu.dma_semaphore, #tpu.memory_space<semaphore_mem>> -> memref<1x!tpu.dma_semaphore, #tpu.memory_space<semaphore_mem>>
        %dma_wait3A_1062 = tpu.memref_squeeze %dma_wait3A_1061 : memref<1x!tpu.dma_semaphore, #tpu.memory_space<semaphore_mem>> -> memref<!tpu.dma_semaphore, #tpu.memory_space<semaphore_mem>>
        %dma_wait3A_1063 = arith.constant 0 : i32
        %dma_wait3A_1064 = arith.constant 0 : i32
        %dma_wait3A_1065 = tpu.memref_slice %arg4[%shift_right_arithmetic3A_1002, %dma_wait3A_1051, %and3A_1004, %dma_wait3A_1063, %dma_wait3A_1064] : memref<200x4x32x8x128xf32, #tpu.memory_space<hbm>> -> memref<1x1x1x8x128xf32, #tpu.memory_space<hbm>>
        %dma_wait3A_1066 = tpu.memref_squeeze %dma_wait3A_1065 : memref<1x1x1x8x128xf32, #tpu.memory_space<hbm>> -> memref<8x128xf32, #tpu.memory_space<hbm>>
        %dma_wait3A_1067 = arith.constant 0 : i32
        %dma_wait3A_1068 = arith.constant 0 : i32
        %dma_wait3A_1069 = tpu.memref_slice %arg7[%dma_wait3A_1049, %dma_wait3A_1050, %dma_wait3A_1067, %dma_wait3A_1068] : memref<2x4x8x129xf32, #tpu.memory_space<vmem>> -> memref<1x1x8x128xf32, #tpu.memory_space<vmem>>
        %dma_wait3A_1070 = tpu.memref_squeeze %dma_wait3A_1069 : memref<1x1x8x128xf32, #tpu.memory_space<vmem>> -> memref<8x128xf32, #tpu.memory_space<vmem>>
        tpu.wait_dma2 semaphore(%dma_wait3A_1062 : memref<!tpu.dma_semaphore, #tpu.memory_space<semaphore_mem>>) src(%dma_wait3A_1070 : memref<8x128xf32, #tpu.memory_space<vmem>>) dst(%dma_wait3A_1066 : memref<8x128xf32, #tpu.memory_space<hbm>>)
        %dma_wait3A_1071 = arith.constant 0 : i32
        %dma_wait3A_1072 = arith.constant 3 : i32
        %dma_wait3A_1073 = arith.constant 3 : i32
        %dma_wait3A_1074 = arith.constant 0 : i32
        %dma_wait3A_1075 = arith.constant 0 : i32
        %dma_wait3A_1076 = arith.constant 0 : i32
        %dma_wait3A_1077 = tpu.memref_slice %arg7[%dma_wait3A_1071, %dma_wait3A_1072, %dma_wait3A_1075, %dma_wait3A_1076] : memref<2x4x8x129xf32, #tpu.memory_space<vmem>> -> memref<1x1x8x128xf32, #tpu.memory_space<vmem>>
        %dma_wait3A_1078 = tpu.memref_squeeze %dma_wait3A_1077 : memref<1x1x8x128xf32, #tpu.memory_space<vmem>> -> memref<8x128xf32, #tpu.memory_space<vmem>>
        %dma_wait3A_1079 = arith.constant 0 : i32
        %dma_wait3A_1080 = arith.constant 0 : i32
        %dma_wait3A_1081 = tpu.memref_slice %arg4[%shift_right_arithmetic3A_1002, %dma_wait3A_1073, %and3A_1004, %dma_wait3A_1079, %dma_wait3A_1080] : memref<200x4x32x8x128xf32, #tpu.memory_space<hbm>> -> memref<1x1x1x8x128xf32, #tpu.memory_space<hbm>>
        %dma_wait3A_1082 = tpu.memref_squeeze %dma_wait3A_1081 : memref<1x1x1x8x128xf32, #tpu.memory_space<hbm>> -> memref<8x128xf32, #tpu.memory_space<hbm>>
        %dma_wait3A_1083 = tpu.memref_slice %arg10[%dma_wait3A_1074] : memref<2x!tpu.dma_semaphore, #tpu.memory_space<semaphore_mem>> -> memref<1x!tpu.dma_semaphore, #tpu.memory_space<semaphore_mem>>
        %dma_wait3A_1084 = tpu.memref_squeeze %dma_wait3A_1083 : memref<1x!tpu.dma_semaphore, #tpu.memory_space<semaphore_mem>> -> memref<!tpu.dma_semaphore, #tpu.memory_space<semaphore_mem>>
        %dma_wait3A_1085 = arith.constant 0 : i32
        %dma_wait3A_1086 = arith.constant 0 : i32
        %dma_wait3A_1087 = tpu.memref_slice %arg4[%shift_right_arithmetic3A_1002, %dma_wait3A_1073, %and3A_1004, %dma_wait3A_1085, %dma_wait3A_1086] : memref<200x4x32x8x128xf32, #tpu.memory_space<hbm>> -> memref<1x1x1x8x128xf32, #tpu.memory_space<hbm>>
        %dma_wait3A_1088 = tpu.memref_squeeze %dma_wait3A_1087 : memref<1x1x1x8x128xf32, #tpu.memory_space<hbm>> -> memref<8x128xf32, #tpu.memory_space<hbm>>
        %dma_wait3A_1089 = arith.constant 0 : i32
        %dma_wait3A_1090 = arith.constant 0 : i32
        %dma_wait3A_1091 = tpu.memref_slice %arg7[%dma_wait3A_1071, %dma_wait3A_1072, %dma_wait3A_1089, %dma_wait3A_1090] : memref<2x4x8x129xf32, #tpu.memory_space<vmem>> -> memref<1x1x8x128xf32, #tpu.memory_space<vmem>>
        %dma_wait3A_1092 = tpu.memref_squeeze %dma_wait3A_1091 : memref<1x1x8x128xf32, #tpu.memory_space<vmem>> -> memref<8x128xf32, #tpu.memory_space<vmem>>
        tpu.wait_dma2 semaphore(%dma_wait3A_1084 : memref<!tpu.dma_semaphore, #tpu.memory_space<semaphore_mem>>) src(%dma_wait3A_1092 : memref<8x128xf32, #tpu.memory_space<vmem>>) dst(%dma_wait3A_1088 : memref<8x128xf32, #tpu.memory_space<hbm>>)
      } else {
      }
      %mul3A_750 = arith.constant 0 : i32
      %mul3A_751 = vector.broadcast %mul3A_750 : i32 to vector<16xi32>
      %mul3A_752 = arith.muli %iota3A, %mul3A_751 : vector<16xi32>
      %parallel_loop3A_753 = arith.constant 0 : i32
      %parallel_loop3A_754 = arith.constant 128 : i32
      %parallel_loop3A_755 = arith.constant 1 : i32
      %parallel_loop3A_756 = scf.for %parallel_loop3A_999 = %parallel_loop3A_753 to %parallel_loop3A_754 step %parallel_loop3A_755 iter_args(%parallel_loop3A_1000 = %mul3A_752) -> (vector<16xi32>)  : i32 {
        %parallel_loop3A_1001 = arith.constant 2 : i32
        %parallel_loop3A_1002 = arith.index_cast %parallel_loop3A_1001 : i32 to index
        %parallel_loop3A_1003 = arith.index_cast %parallel_loop3A_999 : i32 to index
        %parallel_loop3A_1004 = arith.constant 0 : index
        %parallel_loop3A_1005 = tpu.vector_load %arg6[%parallel_loop3A_1002, %parallel_loop3A_1003, %parallel_loop3A_1004] {strides = array<i32>} : memref<4x128x32xf32, #tpu.memory_space<vmem>>, vector<16xf32>,
        %parallel_loop3A_1006 = arith.constant 0 : i32
        %parallel_loop3A_1007 = arith.constant 0 : i32
        %parallel_loop3A_1008 = arith.constant 0 : i32
        %parallel_loop3A_1009 = arith.constant 0 : i32
        %parallel_loop3A_1010 = tpu.memref_slice %arg7[%parallel_loop3A_1006, %parallel_loop3A_1007, %parallel_loop3A_1008, %parallel_loop3A_1009] : memref<2x4x8x129xf32, #tpu.memory_space<vmem>> -> memref<1x4x8x129xf32, #tpu.memory_space<vmem>>
        %parallel_loop3A_1011 = tpu.memref_squeeze %parallel_loop3A_1010 : memref<1x4x8x129xf32, #tpu.memory_space<vmem>> -> memref<4x8x129xf32, #tpu.memory_space<vmem>>
        tpu.vector_store_idx %parallel_loop3A_1011[%add3A_7, %and3A_15, %parallel_loop3A_1000], %parallel_loop3A_1005 : memref<4x8x129xf32, #tpu.memory_space<vmem>>[vector<16xi32>, vector<16xi32>, vector<16xi32>], vector<16xf32>,
        %parallel_loop3A_1012 = arith.constant 2 : i32
        %parallel_loop3A_1013 = arith.index_cast %parallel_loop3A_1012 : i32 to index
        %parallel_loop3A_1014 = arith.index_cast %parallel_loop3A_999 : i32 to index
        %parallel_loop3A_1015 = arith.constant 16 : index
        %parallel_loop3A_1016 = tpu.vector_load %arg6[%parallel_loop3A_1013, %parallel_loop3A_1014, %parallel_loop3A_1015] {strides = array<i32>} : memref<4x128x32xf32, #tpu.memory_space<vmem>>, vector<16xf32>,
        %parallel_loop3A_1017 = arith.constant 0 : i32
        %parallel_loop3A_1018 = arith.constant 0 : i32
        %parallel_loop3A_1019 = arith.constant 0 : i32
        %parallel_loop3A_1020 = arith.constant 0 : i32
        %parallel_loop3A_1021 = tpu.memref_slice %arg7[%parallel_loop3A_1017, %parallel_loop3A_1018, %parallel_loop3A_1019, %parallel_loop3A_1020] : memref<2x4x8x129xf32, #tpu.memory_space<vmem>> -> memref<1x4x8x129xf32, #tpu.memory_space<vmem>>
        %parallel_loop3A_1022 = tpu.memref_squeeze %parallel_loop3A_1021 : memref<1x4x8x129xf32, #tpu.memory_space<vmem>> -> memref<4x8x129xf32, #tpu.memory_space<vmem>>
        tpu.vector_store_idx %parallel_loop3A_1022[%add3A_13, %and3A_15, %parallel_loop3A_1000], %parallel_loop3A_1016 : memref<4x8x129xf32, #tpu.memory_space<vmem>>[vector<16xi32>, vector<16xi32>, vector<16xi32>], vector<16xf32>,
        %parallel_loop3A_1023 = arith.constant 1 : i32
        %parallel_loop3A_1024 = vector.broadcast %parallel_loop3A_1023 : i32 to vector<16xi32>
        %parallel_loop3A_1025 = arith.addi %parallel_loop3A_1000, %parallel_loop3A_1024 : vector<16xi32>
        scf.yield %parallel_loop3A_1025 : vector<16xi32>
      } {sc.loop_unroll_factor = 16 : i64, sc.parallel_access}
      %shift_right_arithmetic3A_757 = arith.constant 5 : i32
      %shift_right_arithmetic3A_758 = arith.shrsi %add3A_703, %shift_right_arithmetic3A_757 : i32
      %and3A_759 = arith.constant 31 : i32
      %and3A_760 = arith.andi %add3A_703, %and3A_759 : i32
      %dma_start3A_761 = arith.constant 0 : i32
      %dma_start3A_762 = arith.constant 0 : i32
      %dma_start3A_763 = arith.constant 0 : i32
      %dma_start3A_764 = arith.constant 0 : i32
      %dma_start3A_765 = arith.constant 0 : i32
      %dma_start3A_766 = arith.constant 0 : i32
      %dma_start3A_767 = tpu.memref_slice %arg7[%dma_start3A_761, %dma_start3A_762, %dma_start3A_765, %dma_start3A_766] : memref<2x4x8x129xf32, #tpu.memory_space<vmem>> -> memref<1x1x8x128xf32, #tpu.memory_space<vmem>>
      %dma_start3A_768 = tpu.memref_squeeze %dma_start3A_767 : memref<1x1x8x128xf32, #tpu.memory_space<vmem>> -> memref<8x128xf32, #tpu.memory_space<vmem>>
      %dma_start3A_769 = arith.constant 0 : i32
      %dma_start3A_770 = arith.constant 0 : i32
      %dma_start3A_771 = tpu.memref_slice %arg4[%shift_right_arithmetic3A_758, %dma_start3A_763, %and3A_760, %dma_start3A_769, %dma_start3A_770] : memref<200x4x32x8x128xf32, #tpu.memory_space<hbm>> -> memref<1x1x1x8x128xf32, #tpu.memory_space<hbm>>
      %dma_start3A_772 = tpu.memref_squeeze %dma_start3A_771 : memref<1x1x1x8x128xf32, #tpu.memory_space<hbm>> -> memref<8x128xf32, #tpu.memory_space<hbm>>
      %dma_start3A_773 = tpu.memref_slice %arg10[%dma_start3A_764] : memref<2x!tpu.dma_semaphore, #tpu.memory_space<semaphore_mem>> -> memref<1x!tpu.dma_semaphore, #tpu.memory_space<semaphore_mem>>
      %dma_start3A_774 = tpu.memref_squeeze %dma_start3A_773 : memref<1x!tpu.dma_semaphore, #tpu.memory_space<semaphore_mem>> -> memref<!tpu.dma_semaphore, #tpu.memory_space<semaphore_mem>>
      %dma_start3A_775 = arith.constant 0 : i32
      %dma_start3A_776 = arith.constant 0 : i32
      %dma_start3A_777 = tpu.memref_slice %arg4[%shift_right_arithmetic3A_758, %dma_start3A_763, %and3A_760, %dma_start3A_775, %dma_start3A_776] : memref<200x4x32x8x128xf32, #tpu.memory_space<hbm>> -> memref<1x1x1x8x128xf32, #tpu.memory_space<hbm>>
      %dma_start3A_778 = tpu.memref_squeeze %dma_start3A_777 : memref<1x1x1x8x128xf32, #tpu.memory_space<hbm>> -> memref<8x128xf32, #tpu.memory_space<hbm>>
      %dma_start3A_779 = arith.constant 0 : i32
      %dma_start3A_780 = arith.constant 0 : i32
      %dma_start3A_781 = tpu.memref_slice %arg7[%dma_start3A_761, %dma_start3A_762, %dma_start3A_779, %dma_start3A_780] : memref<2x4x8x129xf32, #tpu.memory_space<vmem>> -> memref<1x1x8x128xf32, #tpu.memory_space<vmem>>
      %dma_start3A_782 = tpu.memref_squeeze %dma_start3A_781 : memref<1x1x8x128xf32, #tpu.memory_space<vmem>> -> memref<8x128xf32, #tpu.memory_space<vmem>>
      tpu.enqueue_dma source(%dma_start3A_782 : memref<8x128xf32, #tpu.memory_space<vmem>>) target(%dma_start3A_778 : memref<8x128xf32, #tpu.memory_space<hbm>>) target_semaphore(%dma_start3A_774 : memref<!tpu.dma_semaphore, #tpu.memory_space<semaphore_mem>>)
      %dma_start3A_783 = arith.constant 0 : i32
      %dma_start3A_784 = arith.constant 1 : i32
      %dma_start3A_785 = arith.constant 1 : i32
      %dma_start3A_786 = arith.constant 0 : i32
      %dma_start3A_787 = arith.constant 0 : i32
      %dma_start3A_788 = arith.constant 0 : i32
      %dma_start3A_789 = tpu.memref_slice %arg7[%dma_start3A_783, %dma_start3A_784, %dma_start3A_787, %dma_start3A_788] : memref<2x4x8x129xf32, #tpu.memory_space<vmem>> -> memref<1x1x8x128xf32, #tpu.memory_space<vmem>>
      %dma_start3A_790 = tpu.memref_squeeze %dma_start3A_789 : memref<1x1x8x128xf32, #tpu.memory_space<vmem>> -> memref<8x128xf32, #tpu.memory_space<vmem>>
      %dma_start3A_791 = arith.constant 0 : i32
      %dma_start3A_792 = arith.constant 0 : i32
      %dma_start3A_793 = tpu.memref_slice %arg4[%shift_right_arithmetic3A_758, %dma_start3A_785, %and3A_760, %dma_start3A_791, %dma_start3A_792] : memref<200x4x32x8x128xf32, #tpu.memory_space<hbm>> -> memref<1x1x1x8x128xf32, #tpu.memory_space<hbm>>
      %dma_start3A_794 = tpu.memref_squeeze %dma_start3A_793 : memref<1x1x1x8x128xf32, #tpu.memory_space<hbm>> -> memref<8x128xf32, #tpu.memory_space<hbm>>
      %dma_start3A_795 = tpu.memref_slice %arg10[%dma_start3A_786] : memref<2x!tpu.dma_semaphore, #tpu.memory_space<semaphore_mem>> -> memref<1x!tpu.dma_semaphore, #tpu.memory_space<semaphore_mem>>
      %dma_start3A_796 = tpu.memref_squeeze %dma_start3A_795 : memref<1x!tpu.dma_semaphore, #tpu.memory_space<semaphore_mem>> -> memref<!tpu.dma_semaphore, #tpu.memory_space<semaphore_mem>>
      %dma_start3A_797 = arith.constant 0 : i32
      %dma_start3A_798 = arith.constant 0 : i32
      %dma_start3A_799 = tpu.memref_slice %arg4[%shift_right_arithmetic3A_758, %dma_start3A_785, %and3A_760, %dma_start3A_797, %dma_start3A_798] : memref<200x4x32x8x128xf32, #tpu.memory_space<hbm>> -> memref<1x1x1x8x128xf32, #tpu.memory_space<hbm>>
      %dma_start3A_800 = tpu.memref_squeeze %dma_start3A_799 : memref<1x1x1x8x128xf32, #tpu.memory_space<hbm>> -> memref<8x128xf32, #tpu.memory_space<hbm>>
      %dma_start3A_801 = arith.constant 0 : i32
      %dma_start3A_802 = arith.constant 0 : i32
      %dma_start3A_803 = tpu.memref_slice %arg7[%dma_start3A_783, %dma_start3A_784, %dma_start3A_801, %dma_start3A_802] : memref<2x4x8x129xf32, #tpu.memory_space<vmem>> -> memref<1x1x8x128xf32, #tpu.memory_space<vmem>>
      %dma_start3A_804 = tpu.memref_squeeze %dma_start3A_803 : memref<1x1x8x128xf32, #tpu.memory_space<vmem>> -> memref<8x128xf32, #tpu.memory_space<vmem>>
      tpu.enqueue_dma source(%dma_start3A_804 : memref<8x128xf32, #tpu.memory_space<vmem>>) target(%dma_start3A_800 : memref<8x128xf32, #tpu.memory_space<hbm>>) target_semaphore(%dma_start3A_796 : memref<!tpu.dma_semaphore, #tpu.memory_space<semaphore_mem>>)
      %dma_start3A_805 = arith.constant 0 : i32
      %dma_start3A_806 = arith.constant 2 : i32
      %dma_start3A_807 = arith.constant 2 : i32
      %dma_start3A_808 = arith.constant 0 : i32
      %dma_start3A_809 = arith.constant 0 : i32
      %dma_start3A_810 = arith.constant 0 : i32
      %dma_start3A_811 = tpu.memref_slice %arg7[%dma_start3A_805, %dma_start3A_806, %dma_start3A_809, %dma_start3A_810] : memref<2x4x8x129xf32, #tpu.memory_space<vmem>> -> memref<1x1x8x128xf32, #tpu.memory_space<vmem>>
      %dma_start3A_812 = tpu.memref_squeeze %dma_start3A_811 : memref<1x1x8x128xf32, #tpu.memory_space<vmem>> -> memref<8x128xf32, #tpu.memory_space<vmem>>
      %dma_start3A_813 = arith.constant 0 : i32
      %dma_start3A_814 = arith.constant 0 : i32
      %dma_start3A_815 = tpu.memref_slice %arg4[%shift_right_arithmetic3A_758, %dma_start3A_807, %and3A_760, %dma_start3A_813, %dma_start3A_814] : memref<200x4x32x8x128xf32, #tpu.memory_space<hbm>> -> memref<1x1x1x8x128xf32, #tpu.memory_space<hbm>>
      %dma_start3A_816 = tpu.memref_squeeze %dma_start3A_815 : memref<1x1x1x8x128xf32, #tpu.memory_space<hbm>> -> memref<8x128xf32, #tpu.memory_space<hbm>>
      %dma_start3A_817 = tpu.memref_slice %arg10[%dma_start3A_808] : memref<2x!tpu.dma_semaphore, #tpu.memory_space<semaphore_mem>> -> memref<1x!tpu.dma_semaphore, #tpu.memory_space<semaphore_mem>>
      %dma_start3A_818 = tpu.memref_squeeze %dma_start3A_817 : memref<1x!tpu.dma_semaphore, #tpu.memory_space<semaphore_mem>> -> memref<!tpu.dma_semaphore, #tpu.memory_space<semaphore_mem>>
      %dma_start3A_819 = arith.constant 0 : i32
      %dma_start3A_820 = arith.constant 0 : i32
      %dma_start3A_821 = tpu.memref_slice %arg4[%shift_right_arithmetic3A_758, %dma_start3A_807, %and3A_760, %dma_start3A_819, %dma_start3A_820] : memref<200x4x32x8x128xf32, #tpu.memory_space<hbm>> -> memref<1x1x1x8x128xf32, #tpu.memory_space<hbm>>
      %dma_start3A_822 = tpu.memref_squeeze %dma_start3A_821 : memref<1x1x1x8x128xf32, #tpu.memory_space<hbm>> -> memref<8x128xf32, #tpu.memory_space<hbm>>
      %dma_start3A_823 = arith.constant 0 : i32
      %dma_start3A_824 = arith.constant 0 : i32
      %dma_start3A_825 = tpu.memref_slice %arg7[%dma_start3A_805, %dma_start3A_806, %dma_start3A_823, %dma_start3A_824] : memref<2x4x8x129xf32, #tpu.memory_space<vmem>> -> memref<1x1x8x128xf32, #tpu.memory_space<vmem>>
      %dma_start3A_826 = tpu.memref_squeeze %dma_start3A_825 : memref<1x1x8x128xf32, #tpu.memory_space<vmem>> -> memref<8x128xf32, #tpu.memory_space<vmem>>
      tpu.enqueue_dma source(%dma_start3A_826 : memref<8x128xf32, #tpu.memory_space<vmem>>) target(%dma_start3A_822 : memref<8x128xf32, #tpu.memory_space<hbm>>) target_semaphore(%dma_start3A_818 : memref<!tpu.dma_semaphore, #tpu.memory_space<semaphore_mem>>)
      %dma_start3A_827 = arith.constant 0 : i32
      %dma_start3A_828 = arith.constant 3 : i32
      %dma_start3A_829 = arith.constant 3 : i32
      %dma_start3A_830 = arith.constant 0 : i32
      %dma_start3A_831 = arith.constant 0 : i32
      %dma_start3A_832 = arith.constant 0 : i32
      %dma_start3A_833 = tpu.memref_slice %arg7[%dma_start3A_827, %dma_start3A_828, %dma_start3A_831, %dma_start3A_832] : memref<2x4x8x129xf32, #tpu.memory_space<vmem>> -> memref<1x1x8x128xf32, #tpu.memory_space<vmem>>
      %dma_start3A_834 = tpu.memref_squeeze %dma_start3A_833 : memref<1x1x8x128xf32, #tpu.memory_space<vmem>> -> memref<8x128xf32, #tpu.memory_space<vmem>>
      %dma_start3A_835 = arith.constant 0 : i32
      %dma_start3A_836 = arith.constant 0 : i32
      %dma_start3A_837 = tpu.memref_slice %arg4[%shift_right_arithmetic3A_758, %dma_start3A_829, %and3A_760, %dma_start3A_835, %dma_start3A_836] : memref<200x4x32x8x128xf32, #tpu.memory_space<hbm>> -> memref<1x1x1x8x128xf32, #tpu.memory_space<hbm>>
      %dma_start3A_838 = tpu.memref_squeeze %dma_start3A_837 : memref<1x1x1x8x128xf32, #tpu.memory_space<hbm>> -> memref<8x128xf32, #tpu.memory_space<hbm>>
      %dma_start3A_839 = tpu.memref_slice %arg10[%dma_start3A_830] : memref<2x!tpu.dma_semaphore, #tpu.memory_space<semaphore_mem>> -> memref<1x!tpu.dma_semaphore, #tpu.memory_space<semaphore_mem>>
      %dma_start3A_840 = tpu.memref_squeeze %dma_start3A_839 : memref<1x!tpu.dma_semaphore, #tpu.memory_space<semaphore_mem>> -> memref<!tpu.dma_semaphore, #tpu.memory_space<semaphore_mem>>
      %dma_start3A_841 = arith.constant 0 : i32
      %dma_start3A_842 = arith.constant 0 : i32
      %dma_start3A_843 = tpu.memref_slice %arg4[%shift_right_arithmetic3A_758, %dma_start3A_829, %and3A_760, %dma_start3A_841, %dma_start3A_842] : memref<200x4x32x8x128xf32, #tpu.memory_space<hbm>> -> memref<1x1x1x8x128xf32, #tpu.memory_space<hbm>>
      %dma_start3A_844 = tpu.memref_squeeze %dma_start3A_843 : memref<1x1x1x8x128xf32, #tpu.memory_space<hbm>> -> memref<8x128xf32, #tpu.memory_space<hbm>>
      %dma_start3A_845 = arith.constant 0 : i32
      %dma_start3A_846 = arith.constant 0 : i32
      %dma_start3A_847 = tpu.memref_slice %arg7[%dma_start3A_827, %dma_start3A_828, %dma_start3A_845, %dma_start3A_846] : memref<2x4x8x129xf32, #tpu.memory_space<vmem>> -> memref<1x1x8x128xf32, #tpu.memory_space<vmem>>
      %dma_start3A_848 = tpu.memref_squeeze %dma_start3A_847 : memref<1x1x8x128xf32, #tpu.memory_space<vmem>> -> memref<8x128xf32, #tpu.memory_space<vmem>>
      tpu.enqueue_dma source(%dma_start3A_848 : memref<8x128xf32, #tpu.memory_space<vmem>>) target(%dma_start3A_844 : memref<8x128xf32, #tpu.memory_space<hbm>>) target_semaphore(%dma_start3A_840 : memref<!tpu.dma_semaphore, #tpu.memory_space<semaphore_mem>>)
      %mul3A_849 = arith.constant 4 : i32
      %mul3A_850 = arith.muli %add3A_403, %mul3A_849 : i32
      %add3A_851 = arith.addi %mul3A_2, %mul3A_850 : i32
      %add3A_852 = arith.constant 3 : i32
      %add3A_853 = arith.addi %add3A_851, %add3A_852 : i32
      %mul3A_854 = arith.constant 4 : i32
      %mul3A_855 = arith.muli %add3A_403, %mul3A_854 : i32
      %add3A_856 = arith.constant 3 : i32
      %add3A_857 = arith.addi %mul3A_855, %add3A_856 : i32
      %add3A_858 = arith.constant 2 : i32
      %add3A_859 = arith.addi %add3A_857, %add3A_858 : i32
      %lt3A_860 = arith.constant 200 : i32
      %lt3A_861 = arith.cmpi slt, %add3A_859, %lt3A_860 : i32
      %convert_element_type3A_862 = arith.extui %lt3A_861 : i1 to i32
      %cond3A_863 = arith.constant 0 : i32
      %cond3A_864 = arith.cmpi ne, %convert_element_type3A_862, %cond3A_863 : i32
      scf.if %cond3A_864 {
        %add3A_999 = arith.constant 2 : i32
        %add3A_1000 = arith.addi %add3A_853, %add3A_999 : i32
        %shift_right_arithmetic3A_1001 = arith.constant 5 : i32
        %shift_right_arithmetic3A_1002 = arith.shrsi %add3A_1000, %shift_right_arithmetic3A_1001 : i32
        %shift_right_arithmetic3A_1003 = arith.constant 3 : i32
        %shift_right_arithmetic3A_1004 = arith.shrsi %shift_right_arithmetic3A_1002, %shift_right_arithmetic3A_1003 : i32
        %and3A_1005 = arith.constant 7 : i32
        %and3A_1006 = arith.andi %shift_right_arithmetic3A_1002, %and3A_1005 : i32
        %and3A_1007 = arith.constant 31 : i32
        %and3A_1008 = arith.andi %add3A_1000, %and3A_1007 : i32
        %dma_wait3A_1009 = arith.constant 1 : i32
        %dma_wait3A_1010 = arith.constant 1 : i32
        %dma_wait3A_1011 = arith.constant 0 : i32
        %dma_wait3A_1012 = tpu.memref_slice %arg5[%dma_wait3A_1009, %dma_wait3A_1011] : memref<4x128xi32, #tpu.memory_space<vmem>> -> memref<1x128xi32, #tpu.memory_space<vmem>>
        %dma_wait3A_1013 = tpu.memref_squeeze %dma_wait3A_1012 : memref<1x128xi32, #tpu.memory_space<vmem>> -> memref<128xi32, #tpu.memory_space<vmem>>
        %dma_wait3A_1014 = arith.constant 0 : i32
        %dma_wait3A_1015 = tpu.memref_slice %arg2[%shift_right_arithmetic3A_1004, %and3A_1008, %and3A_1006, %dma_wait3A_1014] : memref<25x32x8x128xi32, #tpu.memory_space<hbm>> -> memref<1x1x1x128xi32, #tpu.memory_space<hbm>>
        %dma_wait3A_1016 = tpu.memref_squeeze %dma_wait3A_1015 : memref<1x1x1x128xi32, #tpu.memory_space<hbm>> -> memref<128xi32, #tpu.memory_space<hbm>>
        %dma_wait3A_1017 = tpu.memref_slice %arg8[%dma_wait3A_1010] : memref<4x!tpu.dma_semaphore, #tpu.memory_space<semaphore_mem>> -> memref<1x!tpu.dma_semaphore, #tpu.memory_space<semaphore_mem>>
        %dma_wait3A_1018 = tpu.memref_squeeze %dma_wait3A_1017 : memref<1x!tpu.dma_semaphore, #tpu.memory_space<semaphore_mem>> -> memref<!tpu.dma_semaphore, #tpu.memory_space<semaphore_mem>>
        %dma_wait3A_1019 = arith.constant 0 : i32
        %dma_wait3A_1020 = tpu.memref_slice %arg5[%dma_wait3A_1009, %dma_wait3A_1019] : memref<4x128xi32, #tpu.memory_space<vmem>> -> memref<1x128xi32, #tpu.memory_space<vmem>>
        %dma_wait3A_1021 = tpu.memref_squeeze %dma_wait3A_1020 : memref<1x128xi32, #tpu.memory_space<vmem>> -> memref<128xi32, #tpu.memory_space<vmem>>
        %dma_wait3A_1022 = arith.constant 0 : i32
        %dma_wait3A_1023 = tpu.memref_slice %arg2[%shift_right_arithmetic3A_1004, %and3A_1008, %and3A_1006, %dma_wait3A_1022] : memref<25x32x8x128xi32, #tpu.memory_space<hbm>> -> memref<1x1x1x128xi32, #tpu.memory_space<hbm>>
        %dma_wait3A_1024 = tpu.memref_squeeze %dma_wait3A_1023 : memref<1x1x1x128xi32, #tpu.memory_space<hbm>> -> memref<128xi32, #tpu.memory_space<hbm>>
        tpu.wait_dma2 semaphore(%dma_wait3A_1018 : memref<!tpu.dma_semaphore, #tpu.memory_space<semaphore_mem>>) src(%dma_wait3A_1024 : memref<128xi32, #tpu.memory_space<hbm>>) dst(%dma_wait3A_1021 : memref<128xi32, #tpu.memory_space<vmem>>)
        %dma_start3A_1025 = arith.constant 1 : i32
        %dma_start3A_1026 = arith.constant 1 : i32
        %dma_start3A_1027 = arith.constant 1 : i32
        %dma_start3A_1028 = arith.constant 0 : i32
        %dma_start3A_1029 = arith.constant 0 : i32
        %dma_start3A_1030 = tpu.memref_slice %arg6[%dma_start3A_1026, %dma_start3A_1028, %dma_start3A_1029] : memref<4x128x32xf32, #tpu.memory_space<vmem>> -> memref<1x128x32xf32, #tpu.memory_space<vmem>>
        %dma_start3A_1031 = tpu.memref_squeeze %dma_start3A_1030 : memref<1x128x32xf32, #tpu.memory_space<vmem>> -> memref<128x32xf32, #tpu.memory_space<vmem>>
        %dma_start3A_1032 = arith.constant 0 : i32
        %dma_start3A_1033 = tpu.memref_slice %arg5[%dma_start3A_1025, %dma_start3A_1032] : memref<4x128xi32, #tpu.memory_space<vmem>> -> memref<1x128xi32, #tpu.memory_space<vmem>>
        %dma_start3A_1034 = tpu.memref_squeeze %dma_start3A_1033 : memref<1x128xi32, #tpu.memory_space<vmem>> -> memref<128xi32, #tpu.memory_space<vmem>>
        %dma_start3A_1035 = arith.constant 0 : i32
        %dma_start3A_1036 = arith.constant 0 : i32
        %dma_start3A_1037 = tpu.memref_slice %arg3[%dma_start3A_1035, %dma_start3A_1036] : memref<1000000x32xf32, #tpu.memory_space<hbm>> -> memref<1000000x32xf32, #tpu.memory_space<hbm>>
        %dma_start3A_1038 = tpu.memref_slice %arg9[%dma_start3A_1027] : memref<4x!tpu.dma_semaphore, #tpu.memory_space<semaphore_mem>> -> memref<1x!tpu.dma_semaphore, #tpu.memory_space<semaphore_mem>>
        %dma_start3A_1039 = tpu.memref_squeeze %dma_start3A_1038 : memref<1x!tpu.dma_semaphore, #tpu.memory_space<semaphore_mem>> -> memref<!tpu.dma_semaphore, #tpu.memory_space<semaphore_mem>>
        tpu.enqueue_indirect_dma source(%dma_start3A_1037 : memref<1000000x32xf32, #tpu.memory_space<hbm>>) target(%dma_start3A_1031 : memref<128x32xf32, #tpu.memory_space<vmem>>) offsets(%dma_start3A_1034 : memref<128xi32, #tpu.memory_space<vmem>>) semaphore(%dma_start3A_1039 : memref<!tpu.dma_semaphore, #tpu.memory_space<semaphore_mem>>)
      } else {
      }
      %dma_wait3A_865 = arith.constant 3 : i32
      %dma_wait3A_866 = arith.constant 3 : i32
      %dma_wait3A_867 = arith.constant 3 : i32
      %dma_wait3A_868 = arith.constant 0 : i32
      %dma_wait3A_869 = arith.constant 0 : i32
      %dma_wait3A_870 = tpu.memref_slice %arg6[%dma_wait3A_866, %dma_wait3A_868, %dma_wait3A_869] : memref<4x128x32xf32, #tpu.memory_space<vmem>> -> memref<1x128x32xf32, #tpu.memory_space<vmem>>
      %dma_wait3A_871 = tpu.memref_squeeze %dma_wait3A_870 : memref<1x128x32xf32, #tpu.memory_space<vmem>> -> memref<128x32xf32, #tpu.memory_space<vmem>>
      %dma_wait3A_872 = arith.constant 0 : i32
      %dma_wait3A_873 = tpu.memref_slice %arg5[%dma_wait3A_865, %dma_wait3A_872] : memref<4x128xi32, #tpu.memory_space<vmem>> -> memref<1x128xi32, #tpu.memory_space<vmem>>
      %dma_wait3A_874 = tpu.memref_squeeze %dma_wait3A_873 : memref<1x128xi32, #tpu.memory_space<vmem>> -> memref<128xi32, #tpu.memory_space<vmem>>
      %dma_wait3A_875 = arith.constant 0 : i32
      %dma_wait3A_876 = arith.constant 0 : i32
      %dma_wait3A_877 = tpu.memref_slice %arg3[%dma_wait3A_875, %dma_wait3A_876] : memref<1000000x32xf32, #tpu.memory_space<hbm>> -> memref<1000000x32xf32, #tpu.memory_space<hbm>>
      %dma_wait3A_878 = tpu.memref_slice %arg9[%dma_wait3A_867] : memref<4x!tpu.dma_semaphore, #tpu.memory_space<semaphore_mem>> -> memref<1x!tpu.dma_semaphore, #tpu.memory_space<semaphore_mem>>
      %dma_wait3A_879 = tpu.memref_squeeze %dma_wait3A_878 : memref<1x!tpu.dma_semaphore, #tpu.memory_space<semaphore_mem>> -> memref<!tpu.dma_semaphore, #tpu.memory_space<semaphore_mem>>
      tpu.wait_indirect_dma semaphore(%dma_wait3A_879 : memref<!tpu.dma_semaphore, #tpu.memory_space<semaphore_mem>>) src(%dma_wait3A_877 : memref<1000000x32xf32, #tpu.memory_space<hbm>>) dst(%dma_wait3A_871 : memref<128x32xf32, #tpu.memory_space<vmem>>)
      %mul3A_880 = arith.constant 4 : i32
      %mul3A_881 = arith.muli %add3A_403, %mul3A_880 : i32
      %add3A_882 = arith.constant 3 : i32
      %add3A_883 = arith.addi %mul3A_881, %add3A_882 : i32
      %add3A_884 = arith.constant 4 : i32
      %add3A_885 = arith.addi %add3A_883, %add3A_884 : i32
      %lt3A_886 = arith.constant 200 : i32
      %lt3A_887 = arith.cmpi slt, %add3A_885, %lt3A_886 : i32
      %convert_element_type3A_888 = arith.extui %lt3A_887 : i1 to i32
      %cond3A_889 = arith.constant 0 : i32
      %cond3A_890 = arith.cmpi ne, %convert_element_type3A_888, %cond3A_889 : i32
      scf.if %cond3A_890 {
        %add3A_999 = arith.constant 4 : i32
        %add3A_1000 = arith.addi %add3A_853, %add3A_999 : i32
        %shift_right_arithmetic3A_1001 = arith.constant 5 : i32
        %shift_right_arithmetic3A_1002 = arith.shrsi %add3A_1000, %shift_right_arithmetic3A_1001 : i32
        %shift_right_arithmetic3A_1003 = arith.constant 3 : i32
        %shift_right_arithmetic3A_1004 = arith.shrsi %shift_right_arithmetic3A_1002, %shift_right_arithmetic3A_1003 : i32
        %and3A_1005 = arith.constant 7 : i32
        %and3A_1006 = arith.andi %shift_right_arithmetic3A_1002, %and3A_1005 : i32
        %and3A_1007 = arith.constant 31 : i32
        %and3A_1008 = arith.andi %add3A_1000, %and3A_1007 : i32
        %dma_start3A_1009 = arith.constant 3 : i32
        %dma_start3A_1010 = arith.constant 3 : i32
        %dma_start3A_1011 = arith.constant 0 : i32
        %dma_start3A_1012 = tpu.memref_slice %arg5[%dma_start3A_1009, %dma_start3A_1011] : memref<4x128xi32, #tpu.memory_space<vmem>> -> memref<1x128xi32, #tpu.memory_space<vmem>>
        %dma_start3A_1013 = tpu.memref_squeeze %dma_start3A_1012 : memref<1x128xi32, #tpu.memory_space<vmem>> -> memref<128xi32, #tpu.memory_space<vmem>>
        %dma_start3A_1014 = arith.constant 0 : i32
        %dma_start3A_1015 = tpu.memref_slice %arg2[%shift_right_arithmetic3A_1004, %and3A_1008, %and3A_1006, %dma_start3A_1014] : memref<25x32x8x128xi32, #tpu.memory_space<hbm>> -> memref<1x1x1x128xi32, #tpu.memory_space<hbm>>
        %dma_start3A_1016 = tpu.memref_squeeze %dma_start3A_1015 : memref<1x1x1x128xi32, #tpu.memory_space<hbm>> -> memref<128xi32, #tpu.memory_space<hbm>>
        %dma_start3A_1017 = tpu.memref_slice %arg8[%dma_start3A_1010] : memref<4x!tpu.dma_semaphore, #tpu.memory_space<semaphore_mem>> -> memref<1x!tpu.dma_semaphore, #tpu.memory_space<semaphore_mem>>
        %dma_start3A_1018 = tpu.memref_squeeze %dma_start3A_1017 : memref<1x!tpu.dma_semaphore, #tpu.memory_space<semaphore_mem>> -> memref<!tpu.dma_semaphore, #tpu.memory_space<semaphore_mem>>
        %dma_start3A_1019 = arith.constant 0 : i32
        %dma_start3A_1020 = tpu.memref_slice %arg5[%dma_start3A_1009, %dma_start3A_1019] : memref<4x128xi32, #tpu.memory_space<vmem>> -> memref<1x128xi32, #tpu.memory_space<vmem>>
        %dma_start3A_1021 = tpu.memref_squeeze %dma_start3A_1020 : memref<1x128xi32, #tpu.memory_space<vmem>> -> memref<128xi32, #tpu.memory_space<vmem>>
        %dma_start3A_1022 = arith.constant 0 : i32
        %dma_start3A_1023 = tpu.memref_slice %arg2[%shift_right_arithmetic3A_1004, %and3A_1008, %and3A_1006, %dma_start3A_1022] : memref<25x32x8x128xi32, #tpu.memory_space<hbm>> -> memref<1x1x1x128xi32, #tpu.memory_space<hbm>>
        %dma_start3A_1024 = tpu.memref_squeeze %dma_start3A_1023 : memref<1x1x1x128xi32, #tpu.memory_space<hbm>> -> memref<128xi32, #tpu.memory_space<hbm>>
        tpu.enqueue_dma source(%dma_start3A_1024 : memref<128xi32, #tpu.memory_space<hbm>>) target(%dma_start3A_1021 : memref<128xi32, #tpu.memory_space<vmem>>) target_semaphore(%dma_start3A_1018 : memref<!tpu.dma_semaphore, #tpu.memory_space<semaphore_mem>>)
      } else {
      }
      %mul3A_891 = arith.constant 4 : i32
      %mul3A_892 = arith.muli %add3A_403, %mul3A_891 : i32
      %add3A_893 = arith.constant 3 : i32
      %add3A_894 = arith.addi %mul3A_892, %add3A_893 : i32
      %ge3A_895 = arith.constant 2 : i32
      %ge3A_896 = arith.cmpi sge, %add3A_894, %ge3A_895 : i32
      %convert_element_type3A_897 = arith.extui %ge3A_896 : i1 to i32
      %cond3A_898 = arith.constant 0 : i32
      %cond3A_899 = arith.cmpi ne, %convert_element_type3A_897, %cond3A_898 : i32
      scf.if %cond3A_899 {
        %sub3A_999 = arith.constant 2 : i32
        %sub3A_1000 = arith.subi %add3A_853, %sub3A_999 : i32
        %shift_right_arithmetic3A_1001 = arith.constant 5 : i32
        %shift_right_arithmetic3A_1002 = arith.shrsi %sub3A_1000, %shift_right_arithmetic3A_1001 : i32
        %and3A_1003 = arith.constant 31 : i32
        %and3A_1004 = arith.andi %sub3A_1000, %and3A_1003 : i32
        %dma_wait3A_1005 = arith.constant 1 : i32
        %dma_wait3A_1006 = arith.constant 0 : i32
        %dma_wait3A_1007 = arith.constant 0 : i32
        %dma_wait3A_1008 = arith.constant 1 : i32
        %dma_wait3A_1009 = arith.constant 0 : i32
        %dma_wait3A_1010 = arith.constant 0 : i32
        %dma_wait3A_1011 = tpu.memref_slice %arg7[%dma_wait3A_1005, %dma_wait3A_1006, %dma_wait3A_1009, %dma_wait3A_1010] : memref<2x4x8x129xf32, #tpu.memory_space<vmem>> -> memref<1x1x8x128xf32, #tpu.memory_space<vmem>>
        %dma_wait3A_1012 = tpu.memref_squeeze %dma_wait3A_1011 : memref<1x1x8x128xf32, #tpu.memory_space<vmem>> -> memref<8x128xf32, #tpu.memory_space<vmem>>
        %dma_wait3A_1013 = arith.constant 0 : i32
        %dma_wait3A_1014 = arith.constant 0 : i32
        %dma_wait3A_1015 = tpu.memref_slice %arg4[%shift_right_arithmetic3A_1002, %dma_wait3A_1007, %and3A_1004, %dma_wait3A_1013, %dma_wait3A_1014] : memref<200x4x32x8x128xf32, #tpu.memory_space<hbm>> -> memref<1x1x1x8x128xf32, #tpu.memory_space<hbm>>
        %dma_wait3A_1016 = tpu.memref_squeeze %dma_wait3A_1015 : memref<1x1x1x8x128xf32, #tpu.memory_space<hbm>> -> memref<8x128xf32, #tpu.memory_space<hbm>>
        %dma_wait3A_1017 = tpu.memref_slice %arg10[%dma_wait3A_1008] : memref<2x!tpu.dma_semaphore, #tpu.memory_space<semaphore_mem>> -> memref<1x!tpu.dma_semaphore, #tpu.memory_space<semaphore_mem>>
        %dma_wait3A_1018 = tpu.memref_squeeze %dma_wait3A_1017 : memref<1x!tpu.dma_semaphore, #tpu.memory_space<semaphore_mem>> -> memref<!tpu.dma_semaphore, #tpu.memory_space<semaphore_mem>>
        %dma_wait3A_1019 = arith.constant 0 : i32
        %dma_wait3A_1020 = arith.constant 0 : i32
        %dma_wait3A_1021 = tpu.memref_slice %arg4[%shift_right_arithmetic3A_1002, %dma_wait3A_1007, %and3A_1004, %dma_wait3A_1019, %dma_wait3A_1020] : memref<200x4x32x8x128xf32, #tpu.memory_space<hbm>> -> memref<1x1x1x8x128xf32, #tpu.memory_space<hbm>>
        %dma_wait3A_1022 = tpu.memref_squeeze %dma_wait3A_1021 : memref<1x1x1x8x128xf32, #tpu.memory_space<hbm>> -> memref<8x128xf32, #tpu.memory_space<hbm>>
        %dma_wait3A_1023 = arith.constant 0 : i32
        %dma_wait3A_1024 = arith.constant 0 : i32
        %dma_wait3A_1025 = tpu.memref_slice %arg7[%dma_wait3A_1005, %dma_wait3A_1006, %dma_wait3A_1023, %dma_wait3A_1024] : memref<2x4x8x129xf32, #tpu.memory_space<vmem>> -> memref<1x1x8x128xf32, #tpu.memory_space<vmem>>
        %dma_wait3A_1026 = tpu.memref_squeeze %dma_wait3A_1025 : memref<1x1x8x128xf32, #tpu.memory_space<vmem>> -> memref<8x128xf32, #tpu.memory_space<vmem>>
        tpu.wait_dma2 semaphore(%dma_wait3A_1018 : memref<!tpu.dma_semaphore, #tpu.memory_space<semaphore_mem>>) src(%dma_wait3A_1026 : memref<8x128xf32, #tpu.memory_space<vmem>>) dst(%dma_wait3A_1022 : memref<8x128xf32, #tpu.memory_space<hbm>>)
        %dma_wait3A_1027 = arith.constant 1 : i32
        %dma_wait3A_1028 = arith.constant 1 : i32
        %dma_wait3A_1029 = arith.constant 1 : i32
        %dma_wait3A_1030 = arith.constant 1 : i32
        %dma_wait3A_1031 = arith.constant 0 : i32
        %dma_wait3A_1032 = arith.constant 0 : i32
        %dma_wait3A_1033 = tpu.memref_slice %arg7[%dma_wait3A_1027, %dma_wait3A_1028, %dma_wait3A_1031, %dma_wait3A_1032] : memref<2x4x8x129xf32, #tpu.memory_space<vmem>> -> memref<1x1x8x128xf32, #tpu.memory_space<vmem>>
        %dma_wait3A_1034 = tpu.memref_squeeze %dma_wait3A_1033 : memref<1x1x8x128xf32, #tpu.memory_space<vmem>> -> memref<8x128xf32, #tpu.memory_space<vmem>>
        %dma_wait3A_1035 = arith.constant 0 : i32
        %dma_wait3A_1036 = arith.constant 0 : i32
        %dma_wait3A_1037 = tpu.memref_slice %arg4[%shift_right_arithmetic3A_1002, %dma_wait3A_1029, %and3A_1004, %dma_wait3A_1035, %dma_wait3A_1036] : memref<200x4x32x8x128xf32, #tpu.memory_space<hbm>> -> memref<1x1x1x8x128xf32, #tpu.memory_space<hbm>>
        %dma_wait3A_1038 = tpu.memref_squeeze %dma_wait3A_1037 : memref<1x1x1x8x128xf32, #tpu.memory_space<hbm>> -> memref<8x128xf32, #tpu.memory_space<hbm>>
        %dma_wait3A_1039 = tpu.memref_slice %arg10[%dma_wait3A_1030] : memref<2x!tpu.dma_semaphore, #tpu.memory_space<semaphore_mem>> -> memref<1x!tpu.dma_semaphore, #tpu.memory_space<semaphore_mem>>
        %dma_wait3A_1040 = tpu.memref_squeeze %dma_wait3A_1039 : memref<1x!tpu.dma_semaphore, #tpu.memory_space<semaphore_mem>> -> memref<!tpu.dma_semaphore, #tpu.memory_space<semaphore_mem>>
        %dma_wait3A_1041 = arith.constant 0 : i32
        %dma_wait3A_1042 = arith.constant 0 : i32
        %dma_wait3A_1043 = tpu.memref_slice %arg4[%shift_right_arithmetic3A_1002, %dma_wait3A_1029, %and3A_1004, %dma_wait3A_1041, %dma_wait3A_1042] : memref<200x4x32x8x128xf32, #tpu.memory_space<hbm>> -> memref<1x1x1x8x128xf32, #tpu.memory_space<hbm>>
        %dma_wait3A_1044 = tpu.memref_squeeze %dma_wait3A_1043 : memref<1x1x1x8x128xf32, #tpu.memory_space<hbm>> -> memref<8x128xf32, #tpu.memory_space<hbm>>
        %dma_wait3A_1045 = arith.constant 0 : i32
        %dma_wait3A_1046 = arith.constant 0 : i32
        %dma_wait3A_1047 = tpu.memref_slice %arg7[%dma_wait3A_1027, %dma_wait3A_1028, %dma_wait3A_1045, %dma_wait3A_1046] : memref<2x4x8x129xf32, #tpu.memory_space<vmem>> -> memref<1x1x8x128xf32, #tpu.memory_space<vmem>>
        %dma_wait3A_1048 = tpu.memref_squeeze %dma_wait3A_1047 : memref<1x1x8x128xf32, #tpu.memory_space<vmem>> -> memref<8x128xf32, #tpu.memory_space<vmem>>
        tpu.wait_dma2 semaphore(%dma_wait3A_1040 : memref<!tpu.dma_semaphore, #tpu.memory_space<semaphore_mem>>) src(%dma_wait3A_1048 : memref<8x128xf32, #tpu.memory_space<vmem>>) dst(%dma_wait3A_1044 : memref<8x128xf32, #tpu.memory_space<hbm>>)
        %dma_wait3A_1049 = arith.constant 1 : i32
        %dma_wait3A_1050 = arith.constant 2 : i32
        %dma_wait3A_1051 = arith.constant 2 : i32
        %dma_wait3A_1052 = arith.constant 1 : i32
        %dma_wait3A_1053 = arith.constant 0 : i32
        %dma_wait3A_1054 = arith.constant 0 : i32
        %dma_wait3A_1055 = tpu.memref_slice %arg7[%dma_wait3A_1049, %dma_wait3A_1050, %dma_wait3A_1053, %dma_wait3A_1054] : memref<2x4x8x129xf32, #tpu.memory_space<vmem>> -> memref<1x1x8x128xf32, #tpu.memory_space<vmem>>
        %dma_wait3A_1056 = tpu.memref_squeeze %dma_wait3A_1055 : memref<1x1x8x128xf32, #tpu.memory_space<vmem>> -> memref<8x128xf32, #tpu.memory_space<vmem>>
        %dma_wait3A_1057 = arith.constant 0 : i32
        %dma_wait3A_1058 = arith.constant 0 : i32
        %dma_wait3A_1059 = tpu.memref_slice %arg4[%shift_right_arithmetic3A_1002, %dma_wait3A_1051, %and3A_1004, %dma_wait3A_1057, %dma_wait3A_1058] : memref<200x4x32x8x128xf32, #tpu.memory_space<hbm>> -> memref<1x1x1x8x128xf32, #tpu.memory_space<hbm>>
        %dma_wait3A_1060 = tpu.memref_squeeze %dma_wait3A_1059 : memref<1x1x1x8x128xf32, #tpu.memory_space<hbm>> -> memref<8x128xf32, #tpu.memory_space<hbm>>
        %dma_wait3A_1061 = tpu.memref_slice %arg10[%dma_wait3A_1052] : memref<2x!tpu.dma_semaphore, #tpu.memory_space<semaphore_mem>> -> memref<1x!tpu.dma_semaphore, #tpu.memory_space<semaphore_mem>>
        %dma_wait3A_1062 = tpu.memref_squeeze %dma_wait3A_1061 : memref<1x!tpu.dma_semaphore, #tpu.memory_space<semaphore_mem>> -> memref<!tpu.dma_semaphore, #tpu.memory_space<semaphore_mem>>
        %dma_wait3A_1063 = arith.constant 0 : i32
        %dma_wait3A_1064 = arith.constant 0 : i32
        %dma_wait3A_1065 = tpu.memref_slice %arg4[%shift_right_arithmetic3A_1002, %dma_wait3A_1051, %and3A_1004, %dma_wait3A_1063, %dma_wait3A_1064] : memref<200x4x32x8x128xf32, #tpu.memory_space<hbm>> -> memref<1x1x1x8x128xf32, #tpu.memory_space<hbm>>
        %dma_wait3A_1066 = tpu.memref_squeeze %dma_wait3A_1065 : memref<1x1x1x8x128xf32, #tpu.memory_space<hbm>> -> memref<8x128xf32, #tpu.memory_space<hbm>>
        %dma_wait3A_1067 = arith.constant 0 : i32
        %dma_wait3A_1068 = arith.constant 0 : i32
        %dma_wait3A_1069 = tpu.memref_slice %arg7[%dma_wait3A_1049, %dma_wait3A_1050, %dma_wait3A_1067, %dma_wait3A_1068] : memref<2x4x8x129xf32, #tpu.memory_space<vmem>> -> memref<1x1x8x128xf32, #tpu.memory_space<vmem>>
        %dma_wait3A_1070 = tpu.memref_squeeze %dma_wait3A_1069 : memref<1x1x8x128xf32, #tpu.memory_space<vmem>> -> memref<8x128xf32, #tpu.memory_space<vmem>>
        tpu.wait_dma2 semaphore(%dma_wait3A_1062 : memref<!tpu.dma_semaphore, #tpu.memory_space<semaphore_mem>>) src(%dma_wait3A_1070 : memref<8x128xf32, #tpu.memory_space<vmem>>) dst(%dma_wait3A_1066 : memref<8x128xf32, #tpu.memory_space<hbm>>)
        %dma_wait3A_1071 = arith.constant 1 : i32
        %dma_wait3A_1072 = arith.constant 3 : i32
        %dma_wait3A_1073 = arith.constant 3 : i32
        %dma_wait3A_1074 = arith.constant 1 : i32
        %dma_wait3A_1075 = arith.constant 0 : i32
        %dma_wait3A_1076 = arith.constant 0 : i32
        %dma_wait3A_1077 = tpu.memref_slice %arg7[%dma_wait3A_1071, %dma_wait3A_1072, %dma_wait3A_1075, %dma_wait3A_1076] : memref<2x4x8x129xf32, #tpu.memory_space<vmem>> -> memref<1x1x8x128xf32, #tpu.memory_space<vmem>>
        %dma_wait3A_1078 = tpu.memref_squeeze %dma_wait3A_1077 : memref<1x1x8x128xf32, #tpu.memory_space<vmem>> -> memref<8x128xf32, #tpu.memory_space<vmem>>
        %dma_wait3A_1079 = arith.constant 0 : i32
        %dma_wait3A_1080 = arith.constant 0 : i32
        %dma_wait3A_1081 = tpu.memref_slice %arg4[%shift_right_arithmetic3A_1002, %dma_wait3A_1073, %and3A_1004, %dma_wait3A_1079, %dma_wait3A_1080] : memref<200x4x32x8x128xf32, #tpu.memory_space<hbm>> -> memref<1x1x1x8x128xf32, #tpu.memory_space<hbm>>
        %dma_wait3A_1082 = tpu.memref_squeeze %dma_wait3A_1081 : memref<1x1x1x8x128xf32, #tpu.memory_space<hbm>> -> memref<8x128xf32, #tpu.memory_space<hbm>>
        %dma_wait3A_1083 = tpu.memref_slice %arg10[%dma_wait3A_1074] : memref<2x!tpu.dma_semaphore, #tpu.memory_space<semaphore_mem>> -> memref<1x!tpu.dma_semaphore, #tpu.memory_space<semaphore_mem>>
        %dma_wait3A_1084 = tpu.memref_squeeze %dma_wait3A_1083 : memref<1x!tpu.dma_semaphore, #tpu.memory_space<semaphore_mem>> -> memref<!tpu.dma_semaphore, #tpu.memory_space<semaphore_mem>>
        %dma_wait3A_1085 = arith.constant 0 : i32
        %dma_wait3A_1086 = arith.constant 0 : i32
        %dma_wait3A_1087 = tpu.memref_slice %arg4[%shift_right_arithmetic3A_1002, %dma_wait3A_1073, %and3A_1004, %dma_wait3A_1085, %dma_wait3A_1086] : memref<200x4x32x8x128xf32, #tpu.memory_space<hbm>> -> memref<1x1x1x8x128xf32, #tpu.memory_space<hbm>>
        %dma_wait3A_1088 = tpu.memref_squeeze %dma_wait3A_1087 : memref<1x1x1x8x128xf32, #tpu.memory_space<hbm>> -> memref<8x128xf32, #tpu.memory_space<hbm>>
        %dma_wait3A_1089 = arith.constant 0 : i32
        %dma_wait3A_1090 = arith.constant 0 : i32
        %dma_wait3A_1091 = tpu.memref_slice %arg7[%dma_wait3A_1071, %dma_wait3A_1072, %dma_wait3A_1089, %dma_wait3A_1090] : memref<2x4x8x129xf32, #tpu.memory_space<vmem>> -> memref<1x1x8x128xf32, #tpu.memory_space<vmem>>
        %dma_wait3A_1092 = tpu.memref_squeeze %dma_wait3A_1091 : memref<1x1x8x128xf32, #tpu.memory_space<vmem>> -> memref<8x128xf32, #tpu.memory_space<vmem>>
        tpu.wait_dma2 semaphore(%dma_wait3A_1084 : memref<!tpu.dma_semaphore, #tpu.memory_space<semaphore_mem>>) src(%dma_wait3A_1092 : memref<8x128xf32, #tpu.memory_space<vmem>>) dst(%dma_wait3A_1088 : memref<8x128xf32, #tpu.memory_space<hbm>>)
      } else {
      }
      %mul3A_900 = arith.constant 0 : i32
      %mul3A_901 = vector.broadcast %mul3A_900 : i32 to vector<16xi32>
      %mul3A_902 = arith.muli %iota3A, %mul3A_901 : vector<16xi32>
      %parallel_loop3A_903 = arith.constant 0 : i32
      %parallel_loop3A_904 = arith.constant 128 : i32
      %parallel_loop3A_905 = arith.constant 1 : i32
      %parallel_loop3A_906 = scf.for %parallel_loop3A_999 = %parallel_loop3A_903 to %parallel_loop3A_904 step %parallel_loop3A_905 iter_args(%parallel_loop3A_1000 = %mul3A_902) -> (vector<16xi32>)  : i32 {
        %parallel_loop3A_1001 = arith.constant 3 : i32
        %parallel_loop3A_1002 = arith.index_cast %parallel_loop3A_1001 : i32 to index
        %parallel_loop3A_1003 = arith.index_cast %parallel_loop3A_999 : i32 to index
        %parallel_loop3A_1004 = arith.constant 0 : index
        %parallel_loop3A_1005 = tpu.vector_load %arg6[%parallel_loop3A_1002, %parallel_loop3A_1003, %parallel_loop3A_1004] {strides = array<i32>} : memref<4x128x32xf32, #tpu.memory_space<vmem>>, vector<16xf32>,
        %parallel_loop3A_1006 = arith.constant 1 : i32
        %parallel_loop3A_1007 = arith.constant 0 : i32
        %parallel_loop3A_1008 = arith.constant 0 : i32
        %parallel_loop3A_1009 = arith.constant 0 : i32
        %parallel_loop3A_1010 = tpu.memref_slice %arg7[%parallel_loop3A_1006, %parallel_loop3A_1007, %parallel_loop3A_1008, %parallel_loop3A_1009] : memref<2x4x8x129xf32, #tpu.memory_space<vmem>> -> memref<1x4x8x129xf32, #tpu.memory_space<vmem>>
        %parallel_loop3A_1011 = tpu.memref_squeeze %parallel_loop3A_1010 : memref<1x4x8x129xf32, #tpu.memory_space<vmem>> -> memref<4x8x129xf32, #tpu.memory_space<vmem>>
        tpu.vector_store_idx %parallel_loop3A_1011[%add3A_7, %and3A_15, %parallel_loop3A_1000], %parallel_loop3A_1005 : memref<4x8x129xf32, #tpu.memory_space<vmem>>[vector<16xi32>, vector<16xi32>, vector<16xi32>], vector<16xf32>,
        %parallel_loop3A_1012 = arith.constant 3 : i32
        %parallel_loop3A_1013 = arith.index_cast %parallel_loop3A_1012 : i32 to index
        %parallel_loop3A_1014 = arith.index_cast %parallel_loop3A_999 : i32 to index
        %parallel_loop3A_1015 = arith.constant 16 : index
        %parallel_loop3A_1016 = tpu.vector_load %arg6[%parallel_loop3A_1013, %parallel_loop3A_1014, %parallel_loop3A_1015] {strides = array<i32>} : memref<4x128x32xf32, #tpu.memory_space<vmem>>, vector<16xf32>,
        %parallel_loop3A_1017 = arith.constant 1 : i32
        %parallel_loop3A_1018 = arith.constant 0 : i32
        %parallel_loop3A_1019 = arith.constant 0 : i32
        %parallel_loop3A_1020 = arith.constant 0 : i32
        %parallel_loop3A_1021 = tpu.memref_slice %arg7[%parallel_loop3A_1017, %parallel_loop3A_1018, %parallel_loop3A_1019, %parallel_loop3A_1020] : memref<2x4x8x129xf32, #tpu.memory_space<vmem>> -> memref<1x4x8x129xf32, #tpu.memory_space<vmem>>
        %parallel_loop3A_1022 = tpu.memref_squeeze %parallel_loop3A_1021 : memref<1x4x8x129xf32, #tpu.memory_space<vmem>> -> memref<4x8x129xf32, #tpu.memory_space<vmem>>
        tpu.vector_store_idx %parallel_loop3A_1022[%add3A_13, %and3A_15, %parallel_loop3A_1000], %parallel_loop3A_1016 : memref<4x8x129xf32, #tpu.memory_space<vmem>>[vector<16xi32>, vector<16xi32>, vector<16xi32>], vector<16xf32>,
        %parallel_loop3A_1023 = arith.constant 1 : i32
        %parallel_loop3A_1024 = vector.broadcast %parallel_loop3A_1023 : i32 to vector<16xi32>
        %parallel_loop3A_1025 = arith.addi %parallel_loop3A_1000, %parallel_loop3A_1024 : vector<16xi32>
        scf.yield %parallel_loop3A_1025 : vector<16xi32>
      } {sc.loop_unroll_factor = 16 : i64, sc.parallel_access}
      %shift_right_arithmetic3A_907 = arith.constant 5 : i32
      %shift_right_arithmetic3A_908 = arith.shrsi %add3A_853, %shift_right_arithmetic3A_907 : i32
      %and3A_909 = arith.constant 31 : i32
      %and3A_910 = arith.andi %add3A_853, %and3A_909 : i32
      %dma_start3A_911 = arith.constant 1 : i32
      %dma_start3A_912 = arith.constant 0 : i32
      %dma_start3A_913 = arith.constant 0 : i32
      %dma_start3A_914 = arith.constant 1 : i32
      %dma_start3A_915 = arith.constant 0 : i32
      %dma_start3A_916 = arith.constant 0 : i32
      %dma_start3A_917 = tpu.memref_slice %arg7[%dma_start3A_911, %dma_start3A_912, %dma_start3A_915, %dma_start3A_916] : memref<2x4x8x129xf32, #tpu.memory_space<vmem>> -> memref<1x1x8x128xf32, #tpu.memory_space<vmem>>
      %dma_start3A_918 = tpu.memref_squeeze %dma_start3A_917 : memref<1x1x8x128xf32, #tpu.memory_space<vmem>> -> memref<8x128xf32, #tpu.memory_space<vmem>>
      %dma_start3A_919 = arith.constant 0 : i32
      %dma_start3A_920 = arith.constant 0 : i32
      %dma_start3A_921 = tpu.memref_slice %arg4[%shift_right_arithmetic3A_908, %dma_start3A_913, %and3A_910, %dma_start3A_919, %dma_start3A_920] : memref<200x4x32x8x128xf32, #tpu.memory_space<hbm>> -> memref<1x1x1x8x128xf32, #tpu.memory_space<hbm>>
      %dma_start3A_922 = tpu.memref_squeeze %dma_start3A_921 : memref<1x1x1x8x128xf32, #tpu.memory_space<hbm>> -> memref<8x128xf32, #tpu.memory_space<hbm>>
      %dma_start3A_923 = tpu.memref_slice %arg10[%dma_start3A_914] : memref<2x!tpu.dma_semaphore, #tpu.memory_space<semaphore_mem>> -> memref<1x!tpu.dma_semaphore, #tpu.memory_space<semaphore_mem>>
      %dma_start3A_924 = tpu.memref_squeeze %dma_start3A_923 : memref<1x!tpu.dma_semaphore, #tpu.memory_space<semaphore_mem>> -> memref<!tpu.dma_semaphore, #tpu.memory_space<semaphore_mem>>
      %dma_start3A_925 = arith.constant 0 : i32
      %dma_start3A_926 = arith.constant 0 : i32
      %dma_start3A_927 = tpu.memref_slice %arg4[%shift_right_arithmetic3A_908, %dma_start3A_913, %and3A_910, %dma_start3A_925, %dma_start3A_926] : memref<200x4x32x8x128xf32, #tpu.memory_space<hbm>> -> memref<1x1x1x8x128xf32, #tpu.memory_space<hbm>>
      %dma_start3A_928 = tpu.memref_squeeze %dma_start3A_927 : memref<1x1x1x8x128xf32, #tpu.memory_space<hbm>> -> memref<8x128xf32, #tpu.memory_space<hbm>>
      %dma_start3A_929 = arith.constant 0 : i32
      %dma_start3A_930 = arith.constant 0 : i32
      %dma_start3A_931 = tpu.memref_slice %arg7[%dma_start3A_911, %dma_start3A_912, %dma_start3A_929, %dma_start3A_930] : memref<2x4x8x129xf32, #tpu.memory_space<vmem>> -> memref<1x1x8x128xf32, #tpu.memory_space<vmem>>
      %dma_start3A_932 = tpu.memref_squeeze %dma_start3A_931 : memref<1x1x8x128xf32, #tpu.memory_space<vmem>> -> memref<8x128xf32, #tpu.memory_space<vmem>>
      tpu.enqueue_dma source(%dma_start3A_932 : memref<8x128xf32, #tpu.memory_space<vmem>>) target(%dma_start3A_928 : memref<8x128xf32, #tpu.memory_space<hbm>>) target_semaphore(%dma_start3A_924 : memref<!tpu.dma_semaphore, #tpu.memory_space<semaphore_mem>>)
      %dma_start3A_933 = arith.constant 1 : i32
      %dma_start3A_934 = arith.constant 1 : i32
      %dma_start3A_935 = arith.constant 1 : i32
      %dma_start3A_936 = arith.constant 1 : i32
      %dma_start3A_937 = arith.constant 0 : i32
      %dma_start3A_938 = arith.constant 0 : i32
      %dma_start3A_939 = tpu.memref_slice %arg7[%dma_start3A_933, %dma_start3A_934, %dma_start3A_937, %dma_start3A_938] : memref<2x4x8x129xf32, #tpu.memory_space<vmem>> -> memref<1x1x8x128xf32, #tpu.memory_space<vmem>>
      %dma_start3A_940 = tpu.memref_squeeze %dma_start3A_939 : memref<1x1x8x128xf32, #tpu.memory_space<vmem>> -> memref<8x128xf32, #tpu.memory_space<vmem>>
      %dma_start3A_941 = arith.constant 0 : i32
      %dma_start3A_942 = arith.constant 0 : i32
      %dma_start3A_943 = tpu.memref_slice %arg4[%shift_right_arithmetic3A_908, %dma_start3A_935, %and3A_910, %dma_start3A_941, %dma_start3A_942] : memref<200x4x32x8x128xf32, #tpu.memory_space<hbm>> -> memref<1x1x1x8x128xf32, #tpu.memory_space<hbm>>
      %dma_start3A_944 = tpu.memref_squeeze %dma_start3A_943 : memref<1x1x1x8x128xf32, #tpu.memory_space<hbm>> -> memref<8x128xf32, #tpu.memory_space<hbm>>
      %dma_start3A_945 = tpu.memref_slice %arg10[%dma_start3A_936] : memref<2x!tpu.dma_semaphore, #tpu.memory_space<semaphore_mem>> -> memref<1x!tpu.dma_semaphore, #tpu.memory_space<semaphore_mem>>
      %dma_start3A_946 = tpu.memref_squeeze %dma_start3A_945 : memref<1x!tpu.dma_semaphore, #tpu.memory_space<semaphore_mem>> -> memref<!tpu.dma_semaphore, #tpu.memory_space<semaphore_mem>>
      %dma_start3A_947 = arith.constant 0 : i32
      %dma_start3A_948 = arith.constant 0 : i32
      %dma_start3A_949 = tpu.memref_slice %arg4[%shift_right_arithmetic3A_908, %dma_start3A_935, %and3A_910, %dma_start3A_947, %dma_start3A_948] : memref<200x4x32x8x128xf32, #tpu.memory_space<hbm>> -> memref<1x1x1x8x128xf32, #tpu.memory_space<hbm>>
      %dma_start3A_950 = tpu.memref_squeeze %dma_start3A_949 : memref<1x1x1x8x128xf32, #tpu.memory_space<hbm>> -> memref<8x128xf32, #tpu.memory_space<hbm>>
      %dma_start3A_951 = arith.constant 0 : i32
      %dma_start3A_952 = arith.constant 0 : i32
      %dma_start3A_953 = tpu.memref_slice %arg7[%dma_start3A_933, %dma_start3A_934, %dma_start3A_951, %dma_start3A_952] : memref<2x4x8x129xf32, #tpu.memory_space<vmem>> -> memref<1x1x8x128xf32, #tpu.memory_space<vmem>>
      %dma_start3A_954 = tpu.memref_squeeze %dma_start3A_953 : memref<1x1x8x128xf32, #tpu.memory_space<vmem>> -> memref<8x128xf32, #tpu.memory_space<vmem>>
      tpu.enqueue_dma source(%dma_start3A_954 : memref<8x128xf32, #tpu.memory_space<vmem>>) target(%dma_start3A_950 : memref<8x128xf32, #tpu.memory_space<hbm>>) target_semaphore(%dma_start3A_946 : memref<!tpu.dma_semaphore, #tpu.memory_space<semaphore_mem>>)
      %dma_start3A_955 = arith.constant 1 : i32
      %dma_start3A_956 = arith.constant 2 : i32
      %dma_start3A_957 = arith.constant 2 : i32
      %dma_start3A_958 = arith.constant 1 : i32
      %dma_start3A_959 = arith.constant 0 : i32
      %dma_start3A_960 = arith.constant 0 : i32
      %dma_start3A_961 = tpu.memref_slice %arg7[%dma_start3A_955, %dma_start3A_956, %dma_start3A_959, %dma_start3A_960] : memref<2x4x8x129xf32, #tpu.memory_space<vmem>> -> memref<1x1x8x128xf32, #tpu.memory_space<vmem>>
      %dma_start3A_962 = tpu.memref_squeeze %dma_start3A_961 : memref<1x1x8x128xf32, #tpu.memory_space<vmem>> -> memref<8x128xf32, #tpu.memory_space<vmem>>
      %dma_start3A_963 = arith.constant 0 : i32
      %dma_start3A_964 = arith.constant 0 : i32
      %dma_start3A_965 = tpu.memref_slice %arg4[%shift_right_arithmetic3A_908, %dma_start3A_957, %and3A_910, %dma_start3A_963, %dma_start3A_964] : memref<200x4x32x8x128xf32, #tpu.memory_space<hbm>> -> memref<1x1x1x8x128xf32, #tpu.memory_space<hbm>>
      %dma_start3A_966 = tpu.memref_squeeze %dma_start3A_965 : memref<1x1x1x8x128xf32, #tpu.memory_space<hbm>> -> memref<8x128xf32, #tpu.memory_space<hbm>>
      %dma_start3A_967 = tpu.memref_slice %arg10[%dma_start3A_958] : memref<2x!tpu.dma_semaphore, #tpu.memory_space<semaphore_mem>> -> memref<1x!tpu.dma_semaphore, #tpu.memory_space<semaphore_mem>>
      %dma_start3A_968 = tpu.memref_squeeze %dma_start3A_967 : memref<1x!tpu.dma_semaphore, #tpu.memory_space<semaphore_mem>> -> memref<!tpu.dma_semaphore, #tpu.memory_space<semaphore_mem>>
      %dma_start3A_969 = arith.constant 0 : i32
      %dma_start3A_970 = arith.constant 0 : i32
      %dma_start3A_971 = tpu.memref_slice %arg4[%shift_right_arithmetic3A_908, %dma_start3A_957, %and3A_910, %dma_start3A_969, %dma_start3A_970] : memref<200x4x32x8x128xf32, #tpu.memory_space<hbm>> -> memref<1x1x1x8x128xf32, #tpu.memory_space<hbm>>
      %dma_start3A_972 = tpu.memref_squeeze %dma_start3A_971 : memref<1x1x1x8x128xf32, #tpu.memory_space<hbm>> -> memref<8x128xf32, #tpu.memory_space<hbm>>
      %dma_start3A_973 = arith.constant 0 : i32
      %dma_start3A_974 = arith.constant 0 : i32
      %dma_start3A_975 = tpu.memref_slice %arg7[%dma_start3A_955, %dma_start3A_956, %dma_start3A_973, %dma_start3A_974] : memref<2x4x8x129xf32, #tpu.memory_space<vmem>> -> memref<1x1x8x128xf32, #tpu.memory_space<vmem>>
      %dma_start3A_976 = tpu.memref_squeeze %dma_start3A_975 : memref<1x1x8x128xf32, #tpu.memory_space<vmem>> -> memref<8x128xf32, #tpu.memory_space<vmem>>
      tpu.enqueue_dma source(%dma_start3A_976 : memref<8x128xf32, #tpu.memory_space<vmem>>) target(%dma_start3A_972 : memref<8x128xf32, #tpu.memory_space<hbm>>) target_semaphore(%dma_start3A_968 : memref<!tpu.dma_semaphore, #tpu.memory_space<semaphore_mem>>)
      %dma_start3A_977 = arith.constant 1 : i32
      %dma_start3A_978 = arith.constant 3 : i32
      %dma_start3A_979 = arith.constant 3 : i32
      %dma_start3A_980 = arith.constant 1 : i32
      %dma_start3A_981 = arith.constant 0 : i32
      %dma_start3A_982 = arith.constant 0 : i32
      %dma_start3A_983 = tpu.memref_slice %arg7[%dma_start3A_977, %dma_start3A_978, %dma_start3A_981, %dma_start3A_982] : memref<2x4x8x129xf32, #tpu.memory_space<vmem>> -> memref<1x1x8x128xf32, #tpu.memory_space<vmem>>
      %dma_start3A_984 = tpu.memref_squeeze %dma_start3A_983 : memref<1x1x8x128xf32, #tpu.memory_space<vmem>> -> memref<8x128xf32, #tpu.memory_space<vmem>>
      %dma_start3A_985 = arith.constant 0 : i32
      %dma_start3A_986 = arith.constant 0 : i32
      %dma_start3A_987 = tpu.memref_slice %arg4[%shift_right_arithmetic3A_908, %dma_start3A_979, %and3A_910, %dma_start3A_985, %dma_start3A_986] : memref<200x4x32x8x128xf32, #tpu.memory_space<hbm>> -> memref<1x1x1x8x128xf32, #tpu.memory_space<hbm>>
      %dma_start3A_988 = tpu.memref_squeeze %dma_start3A_987 : memref<1x1x1x8x128xf32, #tpu.memory_space<hbm>> -> memref<8x128xf32, #tpu.memory_space<hbm>>
      %dma_start3A_989 = tpu.memref_slice %arg10[%dma_start3A_980] : memref<2x!tpu.dma_semaphore, #tpu.memory_space<semaphore_mem>> -> memref<1x!tpu.dma_semaphore, #tpu.memory_space<semaphore_mem>>
      %dma_start3A_990 = tpu.memref_squeeze %dma_start3A_989 : memref<1x!tpu.dma_semaphore, #tpu.memory_space<semaphore_mem>> -> memref<!tpu.dma_semaphore, #tpu.memory_space<semaphore_mem>>
      %dma_start3A_991 = arith.constant 0 : i32
      %dma_start3A_992 = arith.constant 0 : i32
      %dma_start3A_993 = tpu.memref_slice %arg4[%shift_right_arithmetic3A_908, %dma_start3A_979, %and3A_910, %dma_start3A_991, %dma_start3A_992] : memref<200x4x32x8x128xf32, #tpu.memory_space<hbm>> -> memref<1x1x1x8x128xf32, #tpu.memory_space<hbm>>
      %dma_start3A_994 = tpu.memref_squeeze %dma_start3A_993 : memref<1x1x1x8x128xf32, #tpu.memory_space<hbm>> -> memref<8x128xf32, #tpu.memory_space<hbm>>
      %dma_start3A_995 = arith.constant 0 : i32
      %dma_start3A_996 = arith.constant 0 : i32
      %dma_start3A_997 = tpu.memref_slice %arg7[%dma_start3A_977, %dma_start3A_978, %dma_start3A_995, %dma_start3A_996] : memref<2x4x8x129xf32, #tpu.memory_space<vmem>> -> memref<1x1x8x128xf32, #tpu.memory_space<vmem>>
      %dma_start3A_998 = tpu.memref_squeeze %dma_start3A_997 : memref<1x1x8x128xf32, #tpu.memory_space<vmem>> -> memref<8x128xf32, #tpu.memory_space<vmem>>
      tpu.enqueue_dma source(%dma_start3A_998 : memref<8x128xf32, #tpu.memory_space<vmem>>) target(%dma_start3A_994 : memref<8x128xf32, #tpu.memory_space<hbm>>) target_semaphore(%dma_start3A_990 : memref<!tpu.dma_semaphore, #tpu.memory_space<semaphore_mem>>)
    }
    %scan3A_203 = arith.constant 50 : i32
    %add3A_204 = arith.constant 200 : i32
    %add3A_205 = arith.addi %mul3A_2, %add3A_204 : i32
    %sub3A = arith.constant 2 : i32
    %sub3A_206 = arith.subi %add3A_205, %sub3A : i32
    %add3A_207 = arith.constant 0 : i32
    %add3A_208 = arith.addi %sub3A_206, %add3A_207 : i32
    %shift_right_arithmetic3A_209 = arith.constant 5 : i32
    %shift_right_arithmetic3A_210 = arith.shrsi %add3A_208, %shift_right_arithmetic3A_209 : i32
    %and3A_211 = arith.constant 31 : i32
    %and3A_212 = arith.andi %add3A_208, %and3A_211 : i32
    %dma_wait3A_213 = arith.constant 0 : i32
    %dma_wait3A_214 = arith.constant 0 : i32
    %dma_wait3A_215 = arith.constant 0 : i32
    %dma_wait3A_216 = arith.constant 0 : i32
    %dma_wait3A_217 = arith.constant 0 : i32
    %dma_wait3A_218 = arith.constant 0 : i32
    %dma_wait3A_219 = tpu.memref_slice %arg7[%dma_wait3A_213, %dma_wait3A_214, %dma_wait3A_217, %dma_wait3A_218] : memref<2x4x8x129xf32, #tpu.memory_space<vmem>> -> memref<1x1x8x128xf32, #tpu.memory_space<vmem>>
    %dma_wait3A_220 = tpu.memref_squeeze %dma_wait3A_219 : memref<1x1x8x128xf32, #tpu.memory_space<vmem>> -> memref<8x128xf32, #tpu.memory_space<vmem>>
    %dma_wait3A_221 = arith.constant 0 : i32
    %dma_wait3A_222 = arith.constant 0 : i32
    %dma_wait3A_223 = tpu.memref_slice %arg4[%shift_right_arithmetic3A_210, %dma_wait3A_215, %and3A_212, %dma_wait3A_221, %dma_wait3A_222] : memref<200x4x32x8x128xf32, #tpu.memory_space<hbm>> -> memref<1x1x1x8x128xf32, #tpu.memory_space<hbm>>
    %dma_wait3A_224 = tpu.memref_squeeze %dma_wait3A_223 : memref<1x1x1x8x128xf32, #tpu.memory_space<hbm>> -> memref<8x128xf32, #tpu.memory_space<hbm>>
    %dma_wait3A_225 = tpu.memref_slice %arg10[%dma_wait3A_216] : memref<2x!tpu.dma_semaphore, #tpu.memory_space<semaphore_mem>> -> memref<1x!tpu.dma_semaphore, #tpu.memory_space<semaphore_mem>>
    %dma_wait3A_226 = tpu.memref_squeeze %dma_wait3A_225 : memref<1x!tpu.dma_semaphore, #tpu.memory_space<semaphore_mem>> -> memref<!tpu.dma_semaphore, #tpu.memory_space<semaphore_mem>>
    %dma_wait3A_227 = arith.constant 0 : i32
    %dma_wait3A_228 = arith.constant 0 : i32
    %dma_wait3A_229 = tpu.memref_slice %arg4[%shift_right_arithmetic3A_210, %dma_wait3A_215, %and3A_212, %dma_wait3A_227, %dma_wait3A_228] : memref<200x4x32x8x128xf32, #tpu.memory_space<hbm>> -> memref<1x1x1x8x128xf32, #tpu.memory_space<hbm>>
    %dma_wait3A_230 = tpu.memref_squeeze %dma_wait3A_229 : memref<1x1x1x8x128xf32, #tpu.memory_space<hbm>> -> memref<8x128xf32, #tpu.memory_space<hbm>>
    %dma_wait3A_231 = arith.constant 0 : i32
    %dma_wait3A_232 = arith.constant 0 : i32
    %dma_wait3A_233 = tpu.memref_slice %arg7[%dma_wait3A_213, %dma_wait3A_214, %dma_wait3A_231, %dma_wait3A_232] : memref<2x4x8x129xf32, #tpu.memory_space<vmem>> -> memref<1x1x8x128xf32, #tpu.memory_space<vmem>>
    %dma_wait3A_234 = tpu.memref_squeeze %dma_wait3A_233 : memref<1x1x8x128xf32, #tpu.memory_space<vmem>> -> memref<8x128xf32, #tpu.memory_space<vmem>>
    tpu.wait_dma2 semaphore(%dma_wait3A_226 : memref<!tpu.dma_semaphore, #tpu.memory_space<semaphore_mem>>) src(%dma_wait3A_234 : memref<8x128xf32, #tpu.memory_space<vmem>>) dst(%dma_wait3A_230 : memref<8x128xf32, #tpu.memory_space<hbm>>)
    %dma_wait3A_235 = arith.constant 0 : i32
    %dma_wait3A_236 = arith.constant 1 : i32
    %dma_wait3A_237 = arith.constant 1 : i32
    %dma_wait3A_238 = arith.constant 0 : i32
    %dma_wait3A_239 = arith.constant 0 : i32
    %dma_wait3A_240 = arith.constant 0 : i32
    %dma_wait3A_241 = tpu.memref_slice %arg7[%dma_wait3A_235, %dma_wait3A_236, %dma_wait3A_239, %dma_wait3A_240] : memref<2x4x8x129xf32, #tpu.memory_space<vmem>> -> memref<1x1x8x128xf32, #tpu.memory_space<vmem>>
    %dma_wait3A_242 = tpu.memref_squeeze %dma_wait3A_241 : memref<1x1x8x128xf32, #tpu.memory_space<vmem>> -> memref<8x128xf32, #tpu.memory_space<vmem>>
    %dma_wait3A_243 = arith.constant 0 : i32
    %dma_wait3A_244 = arith.constant 0 : i32
    %dma_wait3A_245 = tpu.memref_slice %arg4[%shift_right_arithmetic3A_210, %dma_wait3A_237, %and3A_212, %dma_wait3A_243, %dma_wait3A_244] : memref<200x4x32x8x128xf32, #tpu.memory_space<hbm>> -> memref<1x1x1x8x128xf32, #tpu.memory_space<hbm>>
    %dma_wait3A_246 = tpu.memref_squeeze %dma_wait3A_245 : memref<1x1x1x8x128xf32, #tpu.memory_space<hbm>> -> memref<8x128xf32, #tpu.memory_space<hbm>>
    %dma_wait3A_247 = tpu.memref_slice %arg10[%dma_wait3A_238] : memref<2x!tpu.dma_semaphore, #tpu.memory_space<semaphore_mem>> -> memref<1x!tpu.dma_semaphore, #tpu.memory_space<semaphore_mem>>
    %dma_wait3A_248 = tpu.memref_squeeze %dma_wait3A_247 : memref<1x!tpu.dma_semaphore, #tpu.memory_space<semaphore_mem>> -> memref<!tpu.dma_semaphore, #tpu.memory_space<semaphore_mem>>
    %dma_wait3A_249 = arith.constant 0 : i32
    %dma_wait3A_250 = arith.constant 0 : i32
    %dma_wait3A_251 = tpu.memref_slice %arg4[%shift_right_arithmetic3A_210, %dma_wait3A_237, %and3A_212, %dma_wait3A_249, %dma_wait3A_250] : memref<200x4x32x8x128xf32, #tpu.memory_space<hbm>> -> memref<1x1x1x8x128xf32, #tpu.memory_space<hbm>>
    %dma_wait3A_252 = tpu.memref_squeeze %dma_wait3A_251 : memref<1x1x1x8x128xf32, #tpu.memory_space<hbm>> -> memref<8x128xf32, #tpu.memory_space<hbm>>
    %dma_wait3A_253 = arith.constant 0 : i32
    %dma_wait3A_254 = arith.constant 0 : i32
    %dma_wait3A_255 = tpu.memref_slice %arg7[%dma_wait3A_235, %dma_wait3A_236, %dma_wait3A_253, %dma_wait3A_254] : memref<2x4x8x129xf32, #tpu.memory_space<vmem>> -> memref<1x1x8x128xf32, #tpu.memory_space<vmem>>
    %dma_wait3A_256 = tpu.memref_squeeze %dma_wait3A_255 : memref<1x1x8x128xf32, #tpu.memory_space<vmem>> -> memref<8x128xf32, #tpu.memory_space<vmem>>
    tpu.wait_dma2 semaphore(%dma_wait3A_248 : memref<!tpu.dma_semaphore, #tpu.memory_space<semaphore_mem>>) src(%dma_wait3A_256 : memref<8x128xf32, #tpu.memory_space<vmem>>) dst(%dma_wait3A_252 : memref<8x128xf32, #tpu.memory_space<hbm>>)
    %dma_wait3A_257 = arith.constant 0 : i32
    %dma_wait3A_258 = arith.constant 2 : i32
    %dma_wait3A_259 = arith.constant 2 : i32
    %dma_wait3A_260 = arith.constant 0 : i32
    %dma_wait3A_261 = arith.constant 0 : i32
    %dma_wait3A_262 = arith.constant 0 : i32
    %dma_wait3A_263 = tpu.memref_slice %arg7[%dma_wait3A_257, %dma_wait3A_258, %dma_wait3A_261, %dma_wait3A_262] : memref<2x4x8x129xf32, #tpu.memory_space<vmem>> -> memref<1x1x8x128xf32, #tpu.memory_space<vmem>>
    %dma_wait3A_264 = tpu.memref_squeeze %dma_wait3A_263 : memref<1x1x8x128xf32, #tpu.memory_space<vmem>> -> memref<8x128xf32, #tpu.memory_space<vmem>>
    %dma_wait3A_265 = arith.constant 0 : i32
    %dma_wait3A_266 = arith.constant 0 : i32
    %dma_wait3A_267 = tpu.memref_slice %arg4[%shift_right_arithmetic3A_210, %dma_wait3A_259, %and3A_212, %dma_wait3A_265, %dma_wait3A_266] : memref<200x4x32x8x128xf32, #tpu.memory_space<hbm>> -> memref<1x1x1x8x128xf32, #tpu.memory_space<hbm>>
    %dma_wait3A_268 = tpu.memref_squeeze %dma_wait3A_267 : memref<1x1x1x8x128xf32, #tpu.memory_space<hbm>> -> memref<8x128xf32, #tpu.memory_space<hbm>>
    %dma_wait3A_269 = tpu.memref_slice %arg10[%dma_wait3A_260] : memref<2x!tpu.dma_semaphore, #tpu.memory_space<semaphore_mem>> -> memref<1x!tpu.dma_semaphore, #tpu.memory_space<semaphore_mem>>
    %dma_wait3A_270 = tpu.memref_squeeze %dma_wait3A_269 : memref<1x!tpu.dma_semaphore, #tpu.memory_space<semaphore_mem>> -> memref<!tpu.dma_semaphore, #tpu.memory_space<semaphore_mem>>
    %dma_wait3A_271 = arith.constant 0 : i32
    %dma_wait3A_272 = arith.constant 0 : i32
    %dma_wait3A_273 = tpu.memref_slice %arg4[%shift_right_arithmetic3A_210, %dma_wait3A_259, %and3A_212, %dma_wait3A_271, %dma_wait3A_272] : memref<200x4x32x8x128xf32, #tpu.memory_space<hbm>> -> memref<1x1x1x8x128xf32, #tpu.memory_space<hbm>>
    %dma_wait3A_274 = tpu.memref_squeeze %dma_wait3A_273 : memref<1x1x1x8x128xf32, #tpu.memory_space<hbm>> -> memref<8x128xf32, #tpu.memory_space<hbm>>
    %dma_wait3A_275 = arith.constant 0 : i32
    %dma_wait3A_276 = arith.constant 0 : i32
    %dma_wait3A_277 = tpu.memref_slice %arg7[%dma_wait3A_257, %dma_wait3A_258, %dma_wait3A_275, %dma_wait3A_276] : memref<2x4x8x129xf32, #tpu.memory_space<vmem>> -> memref<1x1x8x128xf32, #tpu.memory_space<vmem>>
    %dma_wait3A_278 = tpu.memref_squeeze %dma_wait3A_277 : memref<1x1x8x128xf32, #tpu.memory_space<vmem>> -> memref<8x128xf32, #tpu.memory_space<vmem>>
    tpu.wait_dma2 semaphore(%dma_wait3A_270 : memref<!tpu.dma_semaphore, #tpu.memory_space<semaphore_mem>>) src(%dma_wait3A_278 : memref<8x128xf32, #tpu.memory_space<vmem>>) dst(%dma_wait3A_274 : memref<8x128xf32, #tpu.memory_space<hbm>>)
    %dma_wait3A_279 = arith.constant 0 : i32
    %dma_wait3A_280 = arith.constant 3 : i32
    %dma_wait3A_281 = arith.constant 3 : i32
    %dma_wait3A_282 = arith.constant 0 : i32
    %dma_wait3A_283 = arith.constant 0 : i32
    %dma_wait3A_284 = arith.constant 0 : i32
    %dma_wait3A_285 = tpu.memref_slice %arg7[%dma_wait3A_279, %dma_wait3A_280, %dma_wait3A_283, %dma_wait3A_284] : memref<2x4x8x129xf32, #tpu.memory_space<vmem>> -> memref<1x1x8x128xf32, #tpu.memory_space<vmem>>
    %dma_wait3A_286 = tpu.memref_squeeze %dma_wait3A_285 : memref<1x1x8x128xf32, #tpu.memory_space<vmem>> -> memref<8x128xf32, #tpu.memory_space<vmem>>
    %dma_wait3A_287 = arith.constant 0 : i32
    %dma_wait3A_288 = arith.constant 0 : i32
    %dma_wait3A_289 = tpu.memref_slice %arg4[%shift_right_arithmetic3A_210, %dma_wait3A_281, %and3A_212, %dma_wait3A_287, %dma_wait3A_288] : memref<200x4x32x8x128xf32, #tpu.memory_space<hbm>> -> memref<1x1x1x8x128xf32, #tpu.memory_space<hbm>>
    %dma_wait3A_290 = tpu.memref_squeeze %dma_wait3A_289 : memref<1x1x1x8x128xf32, #tpu.memory_space<hbm>> -> memref<8x128xf32, #tpu.memory_space<hbm>>
    %dma_wait3A_291 = tpu.memref_slice %arg10[%dma_wait3A_282] : memref<2x!tpu.dma_semaphore, #tpu.memory_space<semaphore_mem>> -> memref<1x!tpu.dma_semaphore, #tpu.memory_space<semaphore_mem>>
    %dma_wait3A_292 = tpu.memref_squeeze %dma_wait3A_291 : memref<1x!tpu.dma_semaphore, #tpu.memory_space<semaphore_mem>> -> memref<!tpu.dma_semaphore, #tpu.memory_space<semaphore_mem>>
    %dma_wait3A_293 = arith.constant 0 : i32
    %dma_wait3A_294 = arith.constant 0 : i32
    %dma_wait3A_295 = tpu.memref_slice %arg4[%shift_right_arithmetic3A_210, %dma_wait3A_281, %and3A_212, %dma_wait3A_293, %dma_wait3A_294] : memref<200x4x32x8x128xf32, #tpu.memory_space<hbm>> -> memref<1x1x1x8x128xf32, #tpu.memory_space<hbm>>
    %dma_wait3A_296 = tpu.memref_squeeze %dma_wait3A_295 : memref<1x1x1x8x128xf32, #tpu.memory_space<hbm>> -> memref<8x128xf32, #tpu.memory_space<hbm>>
    %dma_wait3A_297 = arith.constant 0 : i32
    %dma_wait3A_298 = arith.constant 0 : i32
    %dma_wait3A_299 = tpu.memref_slice %arg7[%dma_wait3A_279, %dma_wait3A_280, %dma_wait3A_297, %dma_wait3A_298] : memref<2x4x8x129xf32, #tpu.memory_space<vmem>> -> memref<1x1x8x128xf32, #tpu.memory_space<vmem>>
    %dma_wait3A_300 = tpu.memref_squeeze %dma_wait3A_299 : memref<1x1x8x128xf32, #tpu.memory_space<vmem>> -> memref<8x128xf32, #tpu.memory_space<vmem>>
    tpu.wait_dma2 semaphore(%dma_wait3A_292 : memref<!tpu.dma_semaphore, #tpu.memory_space<semaphore_mem>>) src(%dma_wait3A_300 : memref<8x128xf32, #tpu.memory_space<vmem>>) dst(%dma_wait3A_296 : memref<8x128xf32, #tpu.memory_space<hbm>>)
    %add3A_301 = arith.constant 200 : i32
    %add3A_302 = arith.addi %mul3A_2, %add3A_301 : i32
    %sub3A_303 = arith.constant 2 : i32
    %sub3A_304 = arith.subi %add3A_302, %sub3A_303 : i32
    %add3A_305 = arith.constant 1 : i32
    %add3A_306 = arith.addi %sub3A_304, %add3A_305 : i32
    %shift_right_arithmetic3A_307 = arith.constant 5 : i32
    %shift_right_arithmetic3A_308 = arith.shrsi %add3A_306, %shift_right_arithmetic3A_307 : i32
    %and3A_309 = arith.constant 31 : i32
    %and3A_310 = arith.andi %add3A_306, %and3A_309 : i32
    %dma_wait3A_311 = arith.constant 1 : i32
    %dma_wait3A_312 = arith.constant 0 : i32
    %dma_wait3A_313 = arith.constant 0 : i32
    %dma_wait3A_314 = arith.constant 1 : i32
    %dma_wait3A_315 = arith.constant 0 : i32
    %dma_wait3A_316 = arith.constant 0 : i32
    %dma_wait3A_317 = tpu.memref_slice %arg7[%dma_wait3A_311, %dma_wait3A_312, %dma_wait3A_315, %dma_wait3A_316] : memref<2x4x8x129xf32, #tpu.memory_space<vmem>> -> memref<1x1x8x128xf32, #tpu.memory_space<vmem>>
    %dma_wait3A_318 = tpu.memref_squeeze %dma_wait3A_317 : memref<1x1x8x128xf32, #tpu.memory_space<vmem>> -> memref<8x128xf32, #tpu.memory_space<vmem>>
    %dma_wait3A_319 = arith.constant 0 : i32
    %dma_wait3A_320 = arith.constant 0 : i32
    %dma_wait3A_321 = tpu.memref_slice %arg4[%shift_right_arithmetic3A_308, %dma_wait3A_313, %and3A_310, %dma_wait3A_319, %dma_wait3A_320] : memref<200x4x32x8x128xf32, #tpu.memory_space<hbm>> -> memref<1x1x1x8x128xf32, #tpu.memory_space<hbm>>
    %dma_wait3A_322 = tpu.memref_squeeze %dma_wait3A_321 : memref<1x1x1x8x128xf32, #tpu.memory_space<hbm>> -> memref<8x128xf32, #tpu.memory_space<hbm>>
    %dma_wait3A_323 = tpu.memref_slice %arg10[%dma_wait3A_314] : memref<2x!tpu.dma_semaphore, #tpu.memory_space<semaphore_mem>> -> memref<1x!tpu.dma_semaphore, #tpu.memory_space<semaphore_mem>>
    %dma_wait3A_324 = tpu.memref_squeeze %dma_wait3A_323 : memref<1x!tpu.dma_semaphore, #tpu.memory_space<semaphore_mem>> -> memref<!tpu.dma_semaphore, #tpu.memory_space<semaphore_mem>>
    %dma_wait3A_325 = arith.constant 0 : i32
    %dma_wait3A_326 = arith.constant 0 : i32
    %dma_wait3A_327 = tpu.memref_slice %arg4[%shift_right_arithmetic3A_308, %dma_wait3A_313, %and3A_310, %dma_wait3A_325, %dma_wait3A_326] : memref<200x4x32x8x128xf32, #tpu.memory_space<hbm>> -> memref<1x1x1x8x128xf32, #tpu.memory_space<hbm>>
    %dma_wait3A_328 = tpu.memref_squeeze %dma_wait3A_327 : memref<1x1x1x8x128xf32, #tpu.memory_space<hbm>> -> memref<8x128xf32, #tpu.memory_space<hbm>>
    %dma_wait3A_329 = arith.constant 0 : i32
    %dma_wait3A_330 = arith.constant 0 : i32
    %dma_wait3A_331 = tpu.memref_slice %arg7[%dma_wait3A_311, %dma_wait3A_312, %dma_wait3A_329, %dma_wait3A_330] : memref<2x4x8x129xf32, #tpu.memory_space<vmem>> -> memref<1x1x8x128xf32, #tpu.memory_space<vmem>>
    %dma_wait3A_332 = tpu.memref_squeeze %dma_wait3A_331 : memref<1x1x8x128xf32, #tpu.memory_space<vmem>> -> memref<8x128xf32, #tpu.memory_space<vmem>>
    tpu.wait_dma2 semaphore(%dma_wait3A_324 : memref<!tpu.dma_semaphore, #tpu.memory_space<semaphore_mem>>) src(%dma_wait3A_332 : memref<8x128xf32, #tpu.memory_space<vmem>>) dst(%dma_wait3A_328 : memref<8x128xf32, #tpu.memory_space<hbm>>)
    %dma_wait3A_333 = arith.constant 1 : i32
    %dma_wait3A_334 = arith.constant 1 : i32
    %dma_wait3A_335 = arith.constant 1 : i32
    %dma_wait3A_336 = arith.constant 1 : i32
    %dma_wait3A_337 = arith.constant 0 : i32
    %dma_wait3A_338 = arith.constant 0 : i32
    %dma_wait3A_339 = tpu.memref_slice %arg7[%dma_wait3A_333, %dma_wait3A_334, %dma_wait3A_337, %dma_wait3A_338] : memref<2x4x8x129xf32, #tpu.memory_space<vmem>> -> memref<1x1x8x128xf32, #tpu.memory_space<vmem>>
    %dma_wait3A_340 = tpu.memref_squeeze %dma_wait3A_339 : memref<1x1x8x128xf32, #tpu.memory_space<vmem>> -> memref<8x128xf32, #tpu.memory_space<vmem>>
    %dma_wait3A_341 = arith.constant 0 : i32
    %dma_wait3A_342 = arith.constant 0 : i32
    %dma_wait3A_343 = tpu.memref_slice %arg4[%shift_right_arithmetic3A_308, %dma_wait3A_335, %and3A_310, %dma_wait3A_341, %dma_wait3A_342] : memref<200x4x32x8x128xf32, #tpu.memory_space<hbm>> -> memref<1x1x1x8x128xf32, #tpu.memory_space<hbm>>
    %dma_wait3A_344 = tpu.memref_squeeze %dma_wait3A_343 : memref<1x1x1x8x128xf32, #tpu.memory_space<hbm>> -> memref<8x128xf32, #tpu.memory_space<hbm>>
    %dma_wait3A_345 = tpu.memref_slice %arg10[%dma_wait3A_336] : memref<2x!tpu.dma_semaphore, #tpu.memory_space<semaphore_mem>> -> memref<1x!tpu.dma_semaphore, #tpu.memory_space<semaphore_mem>>
    %dma_wait3A_346 = tpu.memref_squeeze %dma_wait3A_345 : memref<1x!tpu.dma_semaphore, #tpu.memory_space<semaphore_mem>> -> memref<!tpu.dma_semaphore, #tpu.memory_space<semaphore_mem>>
    %dma_wait3A_347 = arith.constant 0 : i32
    %dma_wait3A_348 = arith.constant 0 : i32
    %dma_wait3A_349 = tpu.memref_slice %arg4[%shift_right_arithmetic3A_308, %dma_wait3A_335, %and3A_310, %dma_wait3A_347, %dma_wait3A_348] : memref<200x4x32x8x128xf32, #tpu.memory_space<hbm>> -> memref<1x1x1x8x128xf32, #tpu.memory_space<hbm>>
    %dma_wait3A_350 = tpu.memref_squeeze %dma_wait3A_349 : memref<1x1x1x8x128xf32, #tpu.memory_space<hbm>> -> memref<8x128xf32, #tpu.memory_space<hbm>>
    %dma_wait3A_351 = arith.constant 0 : i32
    %dma_wait3A_352 = arith.constant 0 : i32
    %dma_wait3A_353 = tpu.memref_slice %arg7[%dma_wait3A_333, %dma_wait3A_334, %dma_wait3A_351, %dma_wait3A_352] : memref<2x4x8x129xf32, #tpu.memory_space<vmem>> -> memref<1x1x8x128xf32, #tpu.memory_space<vmem>>
    %dma_wait3A_354 = tpu.memref_squeeze %dma_wait3A_353 : memref<1x1x8x128xf32, #tpu.memory_space<vmem>> -> memref<8x128xf32, #tpu.memory_space<vmem>>
    tpu.wait_dma2 semaphore(%dma_wait3A_346 : memref<!tpu.dma_semaphore, #tpu.memory_space<semaphore_mem>>) src(%dma_wait3A_354 : memref<8x128xf32, #tpu.memory_space<vmem>>) dst(%dma_wait3A_350 : memref<8x128xf32, #tpu.memory_space<hbm>>)
    %dma_wait3A_355 = arith.constant 1 : i32
    %dma_wait3A_356 = arith.constant 2 : i32
    %dma_wait3A_357 = arith.constant 2 : i32
    %dma_wait3A_358 = arith.constant 1 : i32
    %dma_wait3A_359 = arith.constant 0 : i32
    %dma_wait3A_360 = arith.constant 0 : i32
    %dma_wait3A_361 = tpu.memref_slice %arg7[%dma_wait3A_355, %dma_wait3A_356, %dma_wait3A_359, %dma_wait3A_360] : memref<2x4x8x129xf32, #tpu.memory_space<vmem>> -> memref<1x1x8x128xf32, #tpu.memory_space<vmem>>
    %dma_wait3A_362 = tpu.memref_squeeze %dma_wait3A_361 : memref<1x1x8x128xf32, #tpu.memory_space<vmem>> -> memref<8x128xf32, #tpu.memory_space<vmem>>
    %dma_wait3A_363 = arith.constant 0 : i32
    %dma_wait3A_364 = arith.constant 0 : i32
    %dma_wait3A_365 = tpu.memref_slice %arg4[%shift_right_arithmetic3A_308, %dma_wait3A_357, %and3A_310, %dma_wait3A_363, %dma_wait3A_364] : memref<200x4x32x8x128xf32, #tpu.memory_space<hbm>> -> memref<1x1x1x8x128xf32, #tpu.memory_space<hbm>>
    %dma_wait3A_366 = tpu.memref_squeeze %dma_wait3A_365 : memref<1x1x1x8x128xf32, #tpu.memory_space<hbm>> -> memref<8x128xf32, #tpu.memory_space<hbm>>
    %dma_wait3A_367 = tpu.memref_slice %arg10[%dma_wait3A_358] : memref<2x!tpu.dma_semaphore, #tpu.memory_space<semaphore_mem>> -> memref<1x!tpu.dma_semaphore, #tpu.memory_space<semaphore_mem>>
    %dma_wait3A_368 = tpu.memref_squeeze %dma_wait3A_367 : memref<1x!tpu.dma_semaphore, #tpu.memory_space<semaphore_mem>> -> memref<!tpu.dma_semaphore, #tpu.memory_space<semaphore_mem>>
    %dma_wait3A_369 = arith.constant 0 : i32
    %dma_wait3A_370 = arith.constant 0 : i32
    %dma_wait3A_371 = tpu.memref_slice %arg4[%shift_right_arithmetic3A_308, %dma_wait3A_357, %and3A_310, %dma_wait3A_369, %dma_wait3A_370] : memref<200x4x32x8x128xf32, #tpu.memory_space<hbm>> -> memref<1x1x1x8x128xf32, #tpu.memory_space<hbm>>
    %dma_wait3A_372 = tpu.memref_squeeze %dma_wait3A_371 : memref<1x1x1x8x128xf32, #tpu.memory_space<hbm>> -> memref<8x128xf32, #tpu.memory_space<hbm>>
    %dma_wait3A_373 = arith.constant 0 : i32
    %dma_wait3A_374 = arith.constant 0 : i32
    %dma_wait3A_375 = tpu.memref_slice %arg7[%dma_wait3A_355, %dma_wait3A_356, %dma_wait3A_373, %dma_wait3A_374] : memref<2x4x8x129xf32, #tpu.memory_space<vmem>> -> memref<1x1x8x128xf32, #tpu.memory_space<vmem>>
    %dma_wait3A_376 = tpu.memref_squeeze %dma_wait3A_375 : memref<1x1x8x128xf32, #tpu.memory_space<vmem>> -> memref<8x128xf32, #tpu.memory_space<vmem>>
    tpu.wait_dma2 semaphore(%dma_wait3A_368 : memref<!tpu.dma_semaphore, #tpu.memory_space<semaphore_mem>>) src(%dma_wait3A_376 : memref<8x128xf32, #tpu.memory_space<vmem>>) dst(%dma_wait3A_372 : memref<8x128xf32, #tpu.memory_space<hbm>>)
    %dma_wait3A_377 = arith.constant 1 : i32
    %dma_wait3A_378 = arith.constant 3 : i32
    %dma_wait3A_379 = arith.constant 3 : i32
    %dma_wait3A_380 = arith.constant 1 : i32
    %dma_wait3A_381 = arith.constant 0 : i32
    %dma_wait3A_382 = arith.constant 0 : i32
    %dma_wait3A_383 = tpu.memref_slice %arg7[%dma_wait3A_377, %dma_wait3A_378, %dma_wait3A_381, %dma_wait3A_382] : memref<2x4x8x129xf32, #tpu.memory_space<vmem>> -> memref<1x1x8x128xf32, #tpu.memory_space<vmem>>
    %dma_wait3A_384 = tpu.memref_squeeze %dma_wait3A_383 : memref<1x1x8x128xf32, #tpu.memory_space<vmem>> -> memref<8x128xf32, #tpu.memory_space<vmem>>
    %dma_wait3A_385 = arith.constant 0 : i32
    %dma_wait3A_386 = arith.constant 0 : i32
    %dma_wait3A_387 = tpu.memref_slice %arg4[%shift_right_arithmetic3A_308, %dma_wait3A_379, %and3A_310, %dma_wait3A_385, %dma_wait3A_386] : memref<200x4x32x8x128xf32, #tpu.memory_space<hbm>> -> memref<1x1x1x8x128xf32, #tpu.memory_space<hbm>>
    %dma_wait3A_388 = tpu.memref_squeeze %dma_wait3A_387 : memref<1x1x1x8x128xf32, #tpu.memory_space<hbm>> -> memref<8x128xf32, #tpu.memory_space<hbm>>
    %dma_wait3A_389 = tpu.memref_slice %arg10[%dma_wait3A_380] : memref<2x!tpu.dma_semaphore, #tpu.memory_space<semaphore_mem>> -> memref<1x!tpu.dma_semaphore, #tpu.memory_space<semaphore_mem>>
    %dma_wait3A_390 = tpu.memref_squeeze %dma_wait3A_389 : memref<1x!tpu.dma_semaphore, #tpu.memory_space<semaphore_mem>> -> memref<!tpu.dma_semaphore, #tpu.memory_space<semaphore_mem>>
    %dma_wait3A_391 = arith.constant 0 : i32
    %dma_wait3A_392 = arith.constant 0 : i32
    %dma_wait3A_393 = tpu.memref_slice %arg4[%shift_right_arithmetic3A_308, %dma_wait3A_379, %and3A_310, %dma_wait3A_391, %dma_wait3A_392] : memref<200x4x32x8x128xf32, #tpu.memory_space<hbm>> -> memref<1x1x1x8x128xf32, #tpu.memory_space<hbm>>
    %dma_wait3A_394 = tpu.memref_squeeze %dma_wait3A_393 : memref<1x1x1x8x128xf32, #tpu.memory_space<hbm>> -> memref<8x128xf32, #tpu.memory_space<hbm>>
    %dma_wait3A_395 = arith.constant 0 : i32
    %dma_wait3A_396 = arith.constant 0 : i32
    %dma_wait3A_397 = tpu.memref_slice %arg7[%dma_wait3A_377, %dma_wait3A_378, %dma_wait3A_395, %dma_wait3A_396] : memref<2x4x8x129xf32, #tpu.memory_space<vmem>> -> memref<1x1x8x128xf32, #tpu.memory_space<vmem>>
    %dma_wait3A_398 = tpu.memref_squeeze %dma_wait3A_397 : memref<1x1x8x128xf32, #tpu.memory_space<vmem>> -> memref<8x128xf32, #tpu.memory_space<vmem>>
    tpu.wait_dma2 semaphore(%dma_wait3A_390 : memref<!tpu.dma_semaphore, #tpu.memory_space<semaphore_mem>>) src(%dma_wait3A_398 : memref<8x128xf32, #tpu.memory_space<vmem>>) dst(%dma_wait3A_394 : memref<8x128xf32, #tpu.memory_space<hbm>>)
    return
  }
}

</mosaic_0001>

<sc_bundles>
// kernel: kernel.3.cloned.1.call-start
scs
__scs_entry_jumppad:
0x0: {  	(pc) =	sbr.rel $0x88, $3  }
0x1: {  	(tag) =	ssettag $0x0;
	lr =	simm.s32 $0x1  }
0x2: {  	[smem:$0x3F9F] =	sst lr;
	_ =	strace $0xD0000000  }
0x3: {  	_ = 	snop  }
0x4: {  	_ = 	snop  }
0x5: {  	_ = 	snop  }
0x6: {  	_ = 	snop  }
0x7: {  	_ = 	snop  }
__scs_overlays_trampoline_lowered:
0x8: {  	[smem:$0x3FAE] =	sst s0  }
0x9: {  	[smem:$0x3FAF] =	sst s1  }
0xa: {  	[smem:$0x3FB0] =	sst s2  }
0xb: {  	[smem:$0x3FB1] =	sst s3  }
0xc: {  	[smem:$0x3FB2] =	sst s4  }
0xd: {  	[smem:$0x3FB3] =	sst s5  }
0xe: {  	[smem:$0x3FB4] =	sst s6  }
0xf: {  	[smem:$0x3FB5] =	sst s7  }
0x10: {  	[smem:$0x3FB6] =	sst s8  }
0x11: {  	[smem:$0x3FB7] =	sst s9;
	s0 =	simm.s32 @!p0 $0x0  }
0x12: {  	s1 =	sld [smem:$0x3F9D];
	s0 =	simm.s32 @p0 $0x1  }
0x13: {  	[smem:$0x3FB8] =	sst s0;
	s0 =	simm.s32 @!p1 $0x0  }
0x14: {  	s2 =	sld [smem:$0x3F9C];
	s0 =	simm.s32 @p1 $0x1  }
0x15: {  	[smem:$0x3FB9] =	sst s0;
	s0 =	simm.s32 @!p2 $0x0  }
0x16: {  	s3 =	sld [smem:$0x3FDB];
	s0 =	simm.s32 @p2 $0x1  }
0x17: {  	s4 =	simm.s32 $0x1BF5;
	[smem:$0x3FBB] =	sst s0  }
0x18: {  	s0 =	sld [smem:$0x3F9E];
	_ =	swait.ge [sflag:s4], $0x0  }
0x19: {  	s7 =	sld [smem:$0x3F9F]  }
0x1a: {  	s8 =	sadd.s32 $0xFFFFE003, lr  }
0x1b: {  	s9 =	sadd.s32 $0xFFFFFEF7, lr;
	s5 =	simm.s32 $0xFFFFFFFF;
	p2 =	slt.u32 s8, $0xFFFFF086  }
0x1c: {  	p1 =	slt.u32 s9, $0xF7A;
	s5 =	simm.s32 @!p2 $0x0  }
0x1d: {  	s5 =	simm.s32 @p1 $0x1;
	p0 =	seq.s32 s7, s2  }
0x1e: {  	s7 =	smul.u32 @!p0 $0xF7A, s2;
	p2 =	seq.s32 @!p0 s5, $0x0  }
0x1f: {  	s9 =	smul.u32 $0xF7A, s1;
	s8 =	simm.s32 @!p0 $0x1BF5;
	p2 =	por !p2, p0  }
0x20: {  	[sflag:s8] =	ssyncset.s32 @!p0 $0xFFFFF086;
	s6 =	sadd.s32 @!p0 s3, s7;
	s7 =	simm.s32 @!p0 $0x108  }
0x21: {  	s3 =	sadd.s32 s3, s9;
	s6 =	sadd.s32 @!p0 $0x88, s6;
	s7 =	simm.s32 @p2 $0x1082  }
0x22: {  	[simem:s7], [sflag:s8] =	dma.local @!p0 [hbm:s6], $0xF7A  }
0x23: {  	s9 =	sor.u32 $0xD0000000, s2;
	s6 =	simm.s32 $0x108;
	_ =	swait.ge @!p0 [sflag:s8], $0x0  }
0x24: {  	s3 =	sadd.s32 $0x88, s3;
	s6 =	simm.s32 @!p1 $0x1082;
	[sflag:s4] =	ssyncset.s32 $0xFFFFF086  }
0x25: {  	[simem:s6], [sflag:s4] =	dma.local [hbm:s3], $0xF7A  }
0x26: {  	[smem:$0x3F9F] =	sst s1;
	(tag) =	ssettag s2;
	_ =	strace s9  }
0x27: {  	s1 =	sld [smem:$0x3FAF]  }
0x28: {  	s2 =	sld [smem:$0x3FB0]  }
0x29: {  	s4 =	sld [smem:$0x3FB2]  }
0x2a: {  	p0 =	seq.s32 s5, $0x0;
	s5 =	sld [smem:$0x3FB3]  }
0x2b: {  	s6 =	sld [smem:$0x3FB4]  }
0x2c: {  	s7 =	sld [smem:$0x3FB5]  }
0x2d: {  	s3 =	simm.s32 $0x108;
	s8 =	sld [smem:$0x3FB6]  }
0x2e: {  	s3 =	simm.s32 @!p0 $0x1082;
	s9 =	sld [smem:$0x3FB7]  }
0x2f: {  	lr =	sadd.s32 s0, s3;
	s0 =	sld [smem:$0x3FAE]  }
0x30: {  	s3 =	sld [smem:$0x3FB1]  }
0x31: {  	[smem:$0x3FBA] =	sst s10  }
0x32: {  	s10 =	sld [smem:$0x3FB8];
	_ =	sdelay $0x3  }
0x33: {  	p0 =	seq.s32 s10, $0x1;
	s10 =	sld [smem:$0x3FBA];
	_ =	sdelay $0x3  }
0x34: {  	[smem:$0x3FBA] =	sst s10  }
0x35: {  	s10 =	sld [smem:$0x3FB9];
	_ =	sdelay $0x3  }
0x36: {  	p1 =	seq.s32 s10, $0x1;
	s10 =	sld [smem:$0x3FBA];
	_ =	sdelay $0x3  }
0x37: {  	[smem:$0x3FBA] =	sst s10  }
0x38: {  	s10 =	sld [smem:$0x3FBB]  }
0x39: {  	_ = 	snop;
	(pc) =	sbr.ind lr, $3  }
0x3a: {  	_ = 	snop  }
0x3b: {  	_ = 	snop  }
0x3c: {  	p2 =	seq.s32 s10, $0x1;
	s10 =	sld [smem:$0x3FBA]  }
0x3d: {  	_ =	shalt  }
0x3e: {  	_ =	shalt  }
0x3f: {  	_ =	shalt  }
0x40: {  	_ =	shalt  }
0x41: {  	_ =	shalt  }
0x42: {  	_ =	shalt  }
0x43: {  	_ =	shalt  }
0x44: {  	_ =	shalt  }
0x45: {  	_ =	shalt  }
0x46: {  	_ =	shalt  }
0x47: {  	_ =	shalt  }
0x48: {  	_ =	shalt  }
0x49: {  	_ =	shalt  }
0x4a: {  	_ =	shalt  }
0x4b: {  	_ =	shalt  }
0x4c: {  	_ =	shalt  }
0x4d: {  	_ =	shalt  }
0x4e: {  	_ =	shalt  }
0x4f: {  	_ =	shalt  }
0x50: {  	_ =	shalt  }
0x51: {  	_ =	shalt  }
0x52: {  	_ =	shalt  }
0x53: {  	_ =	shalt  }
0x54: {  	_ =	shalt  }
0x55: {  	_ =	shalt  }
0x56: {  	_ =	shalt  }
0x57: {  	_ =	shalt  }
0x58: {  	_ =	shalt  }
0x59: {  	_ =	shalt  }
0x5a: {  	_ =	shalt  }
0x5b: {  	_ =	shalt  }
0x5c: {  	_ =	shalt  }
0x5d: {  	_ =	shalt  }
0x5e: {  	_ =	shalt  }
0x5f: {  	_ =	shalt  }
0x60: {  	_ =	shalt  }
0x61: {  	_ =	shalt  }
0x62: {  	_ =	shalt  }
0x63: {  	_ =	shalt  }
0x64: {  	_ =	shalt  }
0x65: {  	_ =	shalt  }
0x66: {  	_ =	shalt  }
0x67: {  	_ =	shalt  }
0x68: {  	_ =	shalt  }
0x69: {  	_ =	shalt  }
0x6a: {  	_ =	shalt  }
0x6b: {  	_ =	shalt  }
0x6c: {  	_ =	shalt  }
0x6d: {  	_ =	shalt  }
0x6e: {  	_ =	shalt  }
0x6f: {  	_ =	shalt  }
0x70: {  	_ =	shalt  }
0x71: {  	_ =	shalt  }
0x72: {  	_ =	shalt  }
0x73: {  	_ =	shalt  }
0x74: {  	_ =	shalt  }
0x75: {  	_ =	shalt  }
0x76: {  	_ =	shalt  }
0x77: {  	_ =	shalt  }
0x78: {  	_ =	shalt  }
0x79: {  	_ =	shalt  }
0x7a: {  	_ =	shalt  }
0x7b: {  	_ =	shalt  }
0x7c: {  	_ =	shalt  }
0x7d: {  	_ =	shalt  }
0x7e: {  	_ =	shalt  }
0x7f: {  	_ =	shalt  }
0x80: {  	_ =	shalt  }
0x81: {  	_ =	shalt  }
0x82: {  	_ =	shalt  }
0x83: {  	_ =	shalt  }
0x84: {  	_ =	shalt  }
0x85: {  	_ =	shalt  }
0x86: {  	_ =	shalt  }
0x87: {  	_ =	shalt  }
.Lfunc_end0:
.L_simem_size_0:
called_computation_lowered:
.L_overlay_start_0:
0x88: {  	s2 =	sld [smem:$0x3FD9]  }
0x89: {  	s3 =	sld [smem:$0x3FFE];
	_ =	sdelay $0x1  }
0x8a: {  	s1 =	srdreg.scid  }
0x8b: {  	s0 =	sand.u32 $0x1, s1  }
0x8c: {  	s17 =	sshll.u32 s0, $0xA;
	s2 =	sadd.s32 s3, s2  }
0x8d: {  	s2 =	sadd.s32 s2, s17  }
0x8e: {  	[smem:$0x3FC6] =	sst s2  }
0x8f: {  	_ = 	snop  }
0x90: {  	s2 =	sld [smem:$0x3FC9]  }
0x91: {  	s18 =	sld [smem:$0x3FD0];
	(tm) =	ssettm $0x1  }
0x92: {  	s4 =	sld [smem:$0x3FFB];
	_ =	sdelay $0x3  }
0x93: {  	_ =	strace s4  }
0x94: {  	s4 =	sld [smem:$0x3FFC];
	_ =	sdelay $0x3  }
0x95: {  	_ =	strace s4  }
0x96: {  	s4 =	sld [smem:$0x3FFD];
	_ =	sdelay $0x3  }
0x97: {  	_ =	strace s4  }
0x98: {  	_ =	strace $0x8FFFFFFF  }
0x99: {  	s19 =	sld [smem:$0x3FDB];
	_ =	sdelay $0x1  }
0x9a: {  	s5 =	simm.s32 $_scs_section_size  }
0x9b: {  	s6 =	simm.s32 $_size__tile_overlayer_lowered;
	s7 =	simm.s32 $_tile_overlayer_lowered  }
0x9c: {  	s22 =	simm.s32 $0x1BFF;
	s21 =	sshll.u32 s7, $0x1;
	s4 =	sadd.s32 s5, s19  }
0x9d: {  	s8 =	simm.s32 $0x0;
	s20 =	sshll.u32 s6, $0x1;
	s6 =	sadd.s32 s21, s4  }
0x9e: {  	[timem:s8], [sflag:s22] =	dma.local [hbm:s6], s20  }
0x9f: {  	_ =	swait.ge [sflag:s22], s20  }
0xa0: {  	s5 =	ssub.s32 $0x0, s20;
	[sflag:s22] =	ssyncset.done $0x0  }
0xa1: {  	[sflag:s22] =	ssyncadd.s32 s5;
	_ =	sdelay $0x1  }
0xa2: {  	s23 =	simm.s32 $0x1B8B  }
0xa3: {  	_ =	swait.ge [sflag:s23], $0x1  }
0xa4: {  	[sflag:s23] =	ssyncset.done $0x0  }
0xa5: {  	s25 =	simm.s32 $0x1B8E;
	s24 =	sld [smem:$0x3FFE];
	[sflag:s23] =	ssyncadd.s32 $0xFFFFFFFF  }
0xa6: {  	s26 =	simm.s32 $execute0_lowered;
	[smem:$0x3FD2] =	sst s25  }
0xa7: {  	s6 =	sshll.u32 s26, $0x1;
	_ =	strace $0x80000046;
	[dreg:$0x1] =	wrdreg $0xFFFFFFFF  }
0xa8: {  	s28 =	simm.s32 $_size_execute0_lowered;
	s4 =	sadd.s32 s4, s6;
	[dreg:$0x0] =	wrdreg $0x0  }
0xa9: {  	s6 =	sshll.u32 s28, $0x1;
	[dreg:$0x2] =	wrdreg s4  }
0xaa: {  	[dreg:$0x3] =	wrdreg s6  }
0xab: {  	[dreg:$0x4] =	wrdreg $0xC0  }
0xac: {  	_ =	task [dreg:s8], $0x5FFFF  }
0xad: {  	[dreg:$0x1] =	wrdreg $0xFFFFFFFF  }
0xae: {  	[dreg:$0x0] =	wrdreg $0x60  }
0xaf: {  	[dreg:$0x2] =	wrdreg s2  }
0xb0: {  	[dreg:$0x3] =	wrdreg s24  }
0xb1: {  	[dreg:$0x4] =	wrdreg s18  }
0xb2: {  	[dreg:$0x5] =	wrdreg $0x9  }
0xb3: {  	_ =	task.clear_ibuf [dreg:s8], $0x6FFFF;
	_ =	strace $0x90000046  }
0xb4: {  	s29 =	simm.s32 $0x9;
	_ =	strace $0x80000048  }
0xb5: {  	_ =	swait.ge [sflag:s29], $0x1  }
0xb6: {  	[sflag:s29] =	ssyncadd.s32 $0xFFFFFFFF  }
0xb7: {  	_ =	strace $0x90000048  }
0xb8: {  	_ =	sfence  }
0xb9: {  	s30 =	sld [smem:$0x0];
	_ =	sdelay $0x2  }
0xba: {  	s31 =	sshll.u32 s1, $0xD;
	s1 =	sshrl.u32 s1, $0x2  }
0xbb: {  	s3 =	sand.u32 $0x4000, s31;
	s1 =	sadd.s32 s1, s30  }
0xbc: {  	s0 =	sor.u32 s3, s0;
	s1 =	sshll.u32 s1, $0x11  }
0xbd: {  	s0 =	sor.u32 s1, s0  }
0xbe: {  	s0 =	sadd.s32 $0x8F2B, s0  }
0xbf: {  	[sflag:s0] =	ssyncadd.remote.s32 $0x1  }
0xc0: {  	_ =	sfence.sel $0xFFFF  }
0xc1: {  	[dreg:$0x0] =	wrdreg $0xFFFFFFFF;
	(pc) =	sbr.abs _section_cstart, $3  }
0xc2: {  	[dreg:$0x1] =	wrdreg $0xFFFFFFFF  }
0xc3: {  	_ =	task.clear_ibuf [dreg:s8], $0x2FFFF;
	_ =	strace $0x9FFFFFFF  }
0xc4: {  	(tm) =	ssettm $0x7FFFFFFF  }
0xc5: {  	_ =	shalt  }
tec
execute0_lowered:
.L_overlay_start_1:
0x0: {  	(tag) =	ssettag $0x1  }
0x1: {  	s0 =	srdreg.scid;
	s1 =	rddreg [dreg:$0x0]  }
0x2: {  	s2 =	stileid.u32;
	s5 =	rddreg [dreg:$0x1]  }
0x3: {  	s3 =	rddreg [dreg:$0x2];
	s4 =	simm.s32 $0x0;
	s17 =	simm.s32 $0x80  }
0x4: {  	s22 =	simm.s32 $0x3;
	s10 =	simm.s32 $0x4;
	s14 =	simm.s32 $0x6  }
0x5: {  	s28 =	simm.s32 $0x6048;
	s29 =	simm.s32 $0x60D0;
	s30 =	simm.s32 $0x6158  }
0x6: {  	s31 =	simm.s32 $0x61E0;
	s15 =	simm.s32 $0x62F0;
	s19 =	simm.s32 $0x9  }
0x7: {  	v0 =	vlaneseq.u32;
	s21 =	simm.s32 $0xA;
	s0 =	sand.u32 $0x1, s0;
	s2 =	sshll.u32 s2, $0x1  }
0x8: {  	s9 =	simm.s32 $0x0;
	[smem:$0x7FF] =	sst s4;
	v0 =	vmul.u32 $0x88, v0;
	s2 =	sor.u32 s0, s2  }
0x9: {  	s5 =	sadd.s32 $0xF42800, s5;
	s11 =	sadd.s32 $0x1000, s3;
	s6 =	smul.u32 $0x6400, s2  }
0xa: {  	s0 =	ssub.s32 $0x2, s0;
	s7 =	sshll.u32 s2, $0xD;
	s8 =	smul.u32 $0x320, s2;
	v1 =	vadd.s32 $0x880, v0  }
0xb: {  	s24 =	sshrl.u32 s0, $0x1;
	v2 =	vor.u32 $0x1, v0;
	v3 =	vadd.s32 $0x881, v0;
	v4 =	vor.u32 $0x2, v0;
	s7 =	sand.u32 $0x6000, s7;
	s6 =	sand.u32 $0xF8000, s6  }
0xc: {  	s2 =	smul.u32 $0xC8, s2;
	v5 =	vadd.s32 $0x882, v0;
	v6 =	vor.u32 $0x3, v0;
	v7 =	vadd.s32 $0x883, v0;
	s23 =	sand.u32 $0x380, s8;
	s6 =	sor.u32 s7, s6  }
0xd: {  	_ =	strace $0x80000047;
	v8 =	vor.u32 $0x4, v0;
	v9 =	vadd.s32 $0x884, v0;
	v10 =	vor.u32 $0x5, v0;
	s0 =	ssub.s32 s0, s24;
	s6 =	sor.u32 s23, s6  }
0xe: {  	v11 =	vadd.s32 $0x885, v0;
	v12 =	vor.u32 $0x6, v0;
	v13 =	vadd.s32 $0x886, v0;
	[dreg:$0x4] =	wrdreg s2;
	s0 =	smax.u32 s0, $0x1;
	s6 =	sshrl.u32 s6, $0x3  }
0xf: {  	s12 =	sadd.s32 $0x2000, s3;
	v14 =	vor.u32 $0x7, v0;
	v15 =	vadd.s32 $0x887, v0;
	v16 =	vadd.s32 $0x8, v0;
	[dreg:$0x9] =	wrdreg s0;
	s25 =	sadd.s32 s1, s6  }
0x10: {  	s13 =	sadd.s32 $0x3000, s3;
	v17 =	vadd.s32 $0x888, v0;
	v18 =	vadd.s32 $0x9, v0;
	v19 =	vadd.s32 $0x889, v0;
	s6 =	sadd.s32 $0x80, s25;
	[dreg:$0x5] =	wrdreg s25  }
0x11: {  	v20 =	vadd.s32 $0xA, v0;
	v21 =	vadd.s32 $0x88A, v0;
	v22 =	vadd.s32 $0xB, v0;
	s24 =	simm.s32 $0x5;
	s26 =	sadd.s32 $0x100, s25;
	[dreg:$0x6] =	wrdreg s6  }
0x12: {  	v23 =	vadd.s32 $0x88B, v0;
	v24 =	vadd.s32 $0xC, v0;
	v25 =	vadd.s32 $0x88C, v0;
	s7 =	simm.s32 $0x5300;
	s2 =	sadd.s32 $0x180, s25;
	[dreg:$0x7] =	wrdreg s26  }
0x13: {  	v26 =	vadd.s32 $0xD, v0;
	v27 =	vadd.s32 $0x88D, v0;
	v28 =	vadd.s32 $0xE, v0;
	s0 =	simm.s32 $0x6378;
	s25 =	simm.s32 $0x4200;
	[dreg:$0x8] =	wrdreg s2  }
0x14: {  	v29 =	vadd.s32 $0x88E, v0;
	v30 =	vadd.s32 $0xF, v0;
	v31 =	vadd.s32 $0x88F, v0;
	s6 =	simm.s32 $0x5F38;
	s26 =	simm.s32 $0x5FC0;
	s2 =	simm.s32 $0x6268  }
.LBB2_1:
0x15: {  	[dreg:$0xa] =	wrdreg s9  }
0x16: {  	s8 =	rddreg [dreg:$0x5]  }
0x17: {  	[tilespmem:s4], [sflag:$0x1] =	stream.linear.gather [hbm4b:s8+s4], $0x80, $0x38;
	[tilespmem:$0x6400] =	vst v63  }
0x18: {  	s9 =	rddreg [dreg:$0x6]  }
0x19: {  	[tilespmem:s17], [sflag:$0x2] =	stream.linear.gather [hbm4b:s9+s4], $0x80, $0x38;
	[tilespmem:$0x6400] =	vst v63  }
0x1a: {  	s16 =	rddreg [dreg:$0x7];
	s18 =	simm.s32 $0x100  }
0x1b: {  	[tilespmem:s18], [sflag:$0x3] =	stream.linear.gather [hbm4b:s16+s4], $0x80, $0x38;
	[tilespmem:$0x6400] =	vst v63  }
0x1c: {  	s20 =	rddreg [dreg:$0x8];
	s23 =	simm.s32 $0x180;
	s16 =	simm.s32 $0x1  }
0x1d: {  	[tilespmem:s23], [sflag:$0x4] =	stream.linear.gather [hbm4b:s20+s4], $0x80, $0x38;
	[tilespmem:$0x6400] =	vst v63  }
0x1e: {  	_ =	swait.ge [sflag:s16], $0x80  }
0x1f: {  	[sflag:s16] =	ssyncset.done $0x0  }
0x20: {  	s18 =	simm.s32 $0x200;
	s20 =	simm.s32 $0x2;
	[sflag:s16] =	ssyncadd.s32 $0xFFFFFF80  }
0x21: {  	[tilespmem:s18], [sflag:$0x5] =	stream.indirect.gather [hbm4b:s5+s17], $0x20, s4, s17, $0xb8;
	[tilespmem:$0x6400] =	vst v63  }
0x22: {  	_ =	swait.ge [sflag:s20], $0x80  }
0x23: {  	[sflag:s20] =	ssyncset.done $0x0  }
0x24: {  	s8 =	simm.s32 $0x0;
	s23 =	simm.s32 $0x1200;
	[sflag:s20] =	ssyncadd.s32 $0xFFFFFF80  }
0x25: {  	[tilespmem:s23], [sflag:$0x6] =	stream.indirect.gather [hbm4b:s5+s17], $0x20, s17, s17, $0xb8;
	[tilespmem:$0x6400] =	vst v63  }
.LBB2_2:
0x26: {  	_ =	swait.ge [sflag:s22], $0x80;
	s9 =	sshll.u32 s8, $0x2;
	s16 =	simm.s32 $0x100  }
0x27: {  	s18 =	simm.s32 $0x2200;
	[sflag:s22] =	ssyncset.done $0x0;
	s23 =	rddreg [dreg:$0x4]  }
0x28: {  	p0 =	seq.s32 s8, $0x31;
	[sflag:s22] =	ssyncadd.s32 $0xFFFFFF80;
	s9 =	sadd.s32 s23, s9  }
0x29: {  	[tilespmem:s18], [sflag:$0x7] =	stream.indirect.gather [hbm4b:s5+s17], $0x20, s16, s17, $0xb8;
	[tilespmem:$0x6400] =	vst v63  }
0x2a: {  	p1 =	seq.s32 @!p0 s8, $0x0;
	s18 =	sadd.s32 @!p0 $0x4, s9  }
0x2b: {  	p1 =	por p0, !p1;
	s20 =	sshll.u32 @!p0 s18, $0x7;
	s23 =	sshll.u32 @!p0 s18, $0xA  }
0x2c: {  	s18 =	sshll.u32 @!p0 s18, $0x2;
	s20 =	sand.u32 @!p0 $0x7FFF8000, s20;
	s23 =	sand.u32 @!p0 $0x7000, s23  }
.Ltmp0:
0x2d: {  	s18 =	sand.u32 @!p0 $0x380, s18;
	s20 =	sor.u32 @!p0 s23, s20;
	(pc) =	sbr.rel @!p1 .LBB2_3-.Ltmp0, $4  }
0x2e: {  	_ =	swait.ge [sflag:s24], $0x1000;
	s18 =	sor.u32 @!p0 s18, s20  }
0x2f: {  	[sflag:s24] =	ssyncset.done $0x0;
	s18 =	sshrl.u32 @!p0 s18, $0x3  }
0x30: {  	[sflag:s24] =	ssyncadd.s32 $0xFFFFF000;
	s20 =	simm.s32 @!p0 $0x0;
	s18 =	sadd.s32 @!p0 s1, s18  }
0x31: {  	[tilespmem:s20], [sflag:$0x1] =	stream.linear.gather @!p0 [hbm4b:s18+s20], $0x80, $0x38;
	[tilespmem:$0x6400] =	vst v63  }
0x32: {  	_ =	swait.ge [sflag:s19], $0x400  }
0x33: {  	[sflag:s19] =	ssyncset.done $0x0  }
0x34: {  	[sflag:s19] =	ssyncadd.s32 $0xFFFFFC00  }
0x35: {  	_ =	swait.ge [sflag:s19], $0x400  }
0x36: {  	[sflag:s19] =	ssyncset.done $0x0  }
0x37: {  	[sflag:s19] =	ssyncadd.s32 $0xFFFFFC00  }
0x38: {  	_ =	swait.ge [sflag:s19], $0x400  }
.Ltmp1:
0x39: {  	[sflag:s19] =	ssyncset.done $0x0;
	(pc) =	sbr.rel .LBB2_5-.Ltmp1, $4  }
0x3a: {  	[sflag:s19] =	ssyncadd.s32 $0xFFFFFC00  }
0x3b: {  	_ =	swait.ge [sflag:s19], $0x400  }
0x3c: {  	[sflag:s19] =	ssyncset.done $0x0  }
0x3d: {  	p1 =	por $0x0, $0x0;
	[sflag:s19] =	ssyncadd.s32 $0xFFFFFC00  }
.LBB2_3:
0x3e: {  	p1 =	por @!p0 $0x1, $0x1  }
.LBB2_5:
0x3f: {  	s20 =	simm.s32 $0x300  }
0x40: {  	v33 =	vld [tilespmem:s20+$0xE0]  }
0x41: {  	v34 =	vld [tilespmem:s20+$0xFFFFFF20]  }
0x42: {  	v32 =	vimm.s32 $0x0;
	v35 =	vld [tilespmem:s20+$0x80]  }
0x43: {  	v36 =	vadd.s32 v30, v32;
	v37 =	vld [tilespmem:s20+$0xA0]  }
0x44: {  	v38 =	vadd.s32 v22, v32;
	v39 =	vld [tilespmem:s20+$0x60]  }
0x45: {  	v40 =	vadd.s32 v18, v32;
	v41 =	vld [tilespmem:s20+$0x20]  }
0x46: {  	v42 =	vadd.s32 v26, v32;
	v43 =	vld [tilespmem:s20+$0xFFFFFFA0]  }
0x47: {  	v44 =	vadd.s32 v2, v32;
	v45 =	vld [tilespmem:s20+$0xFFFFFF00]  }
0x48: {  	v46 =	vadd.s32 v0, v32;
	v47 =	vld [tilespmem:s20+$0xFFFFFF60];
	[tilespmem:v36+s25+$0x0] =	vst.idx.msk $0xffff, v33  }
0x49: {  	v52 =	vadd.s32 v6, v32;
	v54 =	vld [tilespmem:s20+$0xFFFFFF40];
	[tilespmem:v38+s25+$0x0] =	vst.idx.msk $0xffff, v39  }
0x4a: {  	v53 =	vadd.s32 v4, v32;
	v59 =	vld [tilespmem:s20+$0x0];
	[tilespmem:v40+s25+$0x0] =	vst.idx.msk $0xffff, v41  }
0x4b: {  	v57 =	vadd.s32 v24, v32;
	v61 =	vld [tilespmem:s20+$0xFFFFFFE0];
	[tilespmem:v42+s25+$0x0] =	vst.idx.msk $0xffff, v37  }
0x4c: {  	v62 =	vadd.s32 v16, v32;
	v63 =	vld [tilespmem:s20+$0xFFFFFFC0];
	[tilespmem:v44+s25+$0x0] =	vst.idx.msk $0xffff, v34  }
0x4d: {  	v48 =	vadd.s32 v14, v32;
	v36 =	vld [tilespmem:s20+$0xFFFFFF80];
	[tilespmem:v46+s25+$0x0] =	vst.idx.msk $0xffff, v45  }
0x4e: {  	v58 =	vadd.s32 v8, v32;
	v34 =	vld [tilespmem:s20+$0x40];
	[tilespmem:v52+s25+$0x0] =	vst.idx.msk $0xffff, v47  }
0x4f: {  	v56 =	vadd.s32 v31, v32;
	[tilespmem:v53+s25+$0x0] =	vst.idx.msk $0xffff, v54;
	v55 =	vld [tilespmem:s20+$0xF0]  }
0x50: {  	v52 =	vadd.s32 v12, v32;
	[tilespmem:v57+s25+$0x0] =	vst.idx.msk $0xffff, v35;
	v45 =	vld [tilespmem:s20+$0xFFFFFF10]  }
0x51: {  	v57 =	vadd.s32 v10, v32;
	[tilespmem:v62+s25+$0x0] =	vst.idx.msk $0xffff, v59;
	v53 =	vld [tilespmem:s20+$0x70]  }
0x52: {  	v60 =	vadd.s32 v1, v32;
	[tilespmem:v48+s25+$0x0] =	vst.idx.msk $0xffff, v61;
	v33 =	vld [tilespmem:s20+$0xFFFFFF70]  }
0x53: {  	v54 =	vadd.s32 v23, v32;
	v44 =	vld [tilespmem:s20+$0x10];
	[tilespmem:v58+s25+$0x0] =	vst.idx.msk $0xffff, v36  }
0x54: {  	[tilespmem:v56+s25+$0x0] =	vst.idx.msk $0xffff, v55;
	v55 =	vld [tilespmem:s20+$0xC0];
	v56 =	vadd.s32 v28, v32  }
0x55: {  	v49 =	vadd.s32 v15, v32;
	v59 =	vld [tilespmem:s20+$0xFFFFFFF0];
	[tilespmem:v52+s25+$0x0] =	vst.idx.msk $0xffff, v63  }
0x56: {  	v61 =	vadd.s32 v13, v32;
	[tilespmem:v57+s25+$0x0] =	vst.idx.msk $0xffff, v43;
	v47 =	vld [tilespmem:s20+$0xFFFFFFD0]  }
0x57: {  	v39 =	vld [tilespmem:s20+$0xFFFFFF50];
	v58 =	vadd.s32 v20, v32;
	[tilespmem:v60+s25+$0x0] =	vst.idx.msk $0xffff, v45  }
0x58: {  	v38 =	vld [tilespmem:s20+$0xFFFFFF30];
	v60 =	vadd.s32 v17, v32;
	[tilespmem:v54+s25+$0x0] =	vst.idx.msk $0xffff, v53  }
0x59: {  	v63 =	vadd.s32 v9, v32;
	v62 =	vld [tilespmem:s20+$0xFFFFFF90];
	[tilespmem:v56+s25+$0x0] =	vst.idx.msk $0xffff, v55  }
0x5a: {  	v51 =	vadd.s32 v29, v32;
	[tilespmem:v49+s25+$0x0] =	vst.idx.msk $0xffff, v59;
	v50 =	vld [tilespmem:s20+$0xD0]  }
0x5b: {  	v36 =	vld [tilespmem:s20+$0x90];
	[tilespmem:v61+s25+$0x0] =	vst.idx.msk $0xffff, v47;
	v47 =	vadd.s32 v25, v32  }
0x5c: {  	v46 =	vadd.s32 v5, v32;
	v41 =	vld [tilespmem:s20+$0x30];
	[tilespmem:v58+s25+$0x0] =	vst.idx.msk $0xffff, v34  }
0x5d: {  	v42 =	vld [tilespmem:s20+$0xB0];
	v43 =	vadd.s32 v3, v32;
	[tilespmem:v60+s25+$0x0] =	vst.idx.msk $0xffff, v44  }
0x5e: {  	v40 =	vld [tilespmem:s20+$0xFFFFFFB0];
	v45 =	vadd.s32 v19, v32;
	[tilespmem:v63+s25+$0x0] =	vst.idx.msk $0xffff, v62  }
0x5f: {  	s18 =	simm.s32 $0x0;
	v35 =	vimm.s32 $0x0;
	v34 =	vadd.s32 v27, v32;
	v37 =	vld [tilespmem:s20+$0x50];
	v44 =	vadd.s32 v11, v32;
	s20 =	simm.s32 $0x500;
	[tilespmem:v51+s25+$0x0] =	vst.idx.msk $0xffff, v50  }
.LBB2_6:
0x60: {  	v48 =	vld [tilespmem:s20+$0xE0];
	s18 =	sadd.s32 $0x10, s18;
	v49 =	vadd.s32 v21, v32;
	[tilespmem:v47+s25+$0x0] =	vst.idx.msk $0xffff, v36;
	v35 =	vadd.s32 $0x10, v35  }
0x61: {  	v36 =	vld [tilespmem:s20+$0xFFFFFF20];
	v47 =	vadd.s32 v30, v35;
	p2 =	slt.u32 s18, $0x70;
	[tilespmem:v46+s25+$0x0] =	vst.idx.msk $0xffff, v39;
	v39 =	vadd.s32 v7, v32;
	v32 =	vmov v35  }
0x62: {  	v46 =	vadd.s32 v0, v35;
	v50 =	vadd.s32 v10, v35;
	v51 =	vld [tilespmem:s20+$0x80];
	[tilespmem:v43+s25+$0x0] =	vst.idx.msk $0xffff, v38  }
0x63: {  	v38 =	vadd.s32 v18, v35;
	v43 =	vadd.s32 v22, v35;
	v52 =	vld [tilespmem:s20+$0xA0];
	[tilespmem:v45+s25+$0x0] =	vst.idx.msk $0xffff, v41  }
0x64: {  	v45 =	vadd.s32 v26, v35;
	v41 =	vld [tilespmem:s20+$0x60];
	[tilespmem:v44+s25+$0x0] =	vst.idx.msk $0xffff, v40  }
0x65: {  	v44 =	vadd.s32 v24, v35;
	v40 =	vld [tilespmem:s20+$0x20];
	[tilespmem:v34+s25+$0x0] =	vst.idx.msk $0xffff, v42  }
0x66: {  	v42 =	vadd.s32 v2, v35;
	v53 =	vld [tilespmem:s20+$0xFFFFFFA0];
	[tilespmem:v49+s25+$0x0] =	vst.idx.msk $0xffff, v37  }
0x67: {  	v49 =	vadd.s32 v4, v35;
	v37 =	vld [tilespmem:s20+$0xFFFFFF00];
	[tilespmem:v39+s25+$0x0] =	vst.idx.msk $0xffff, v33  }
0x68: {  	v39 =	vadd.s32 v6, v35;
	v33 =	vld [tilespmem:s20+$0xFFFFFF60];
	[tilespmem:v47+s25+$0x0] =	vst.idx.msk $0xffff, v48  }
0x69: {  	v48 =	vadd.s32 v8, v35;
	v47 =	vld [tilespmem:s20+$0xFFFFFF80];
	[tilespmem:v43+s25+$0x0] =	vst.idx.msk $0xffff, v41  }
0x6a: {  	v34 =	vadd.s32 v27, v35;
	v41 =	vld [tilespmem:s20+$0xFFFFFF40];
	[tilespmem:v38+s25+$0x0] =	vst.idx.msk $0xffff, v40  }
0x6b: {  	v40 =	vadd.s32 v31, v35;
	[tilespmem:v45+s25+$0x0] =	vst.idx.msk $0xffff, v52;
	v38 =	vld [tilespmem:s20+$0xF0]  }
0x6c: {  	[tilespmem:v42+s25+$0x0] =	vst.idx.msk $0xffff, v36;
	v42 =	vld [tilespmem:s20+$0x40]  }
0x6d: {  	[tilespmem:v46+s25+$0x0] =	vst.idx.msk $0xffff, v37;
	v36 =	vld [tilespmem:s20+$0x0]  }
0x6e: {  	v43 =	vadd.s32 v1, v35;
	v37 =	vld [tilespmem:s20+$0xFFFFFF10];
	[tilespmem:v39+s25+$0x0] =	vst.idx.msk $0xffff, v33  }
0x6f: {  	[tilespmem:v49+s25+$0x0] =	vst.idx.msk $0xffff, v41;
	v39 =	vld [tilespmem:s20+$0xFFFFFFE0];
	v41 =	vadd.s32 v16, v35  }
0x70: {  	v46 =	vadd.s32 v14, v35;
	v45 =	vld [tilespmem:s20+$0xFFFFFFC0];
	[tilespmem:v40+s25+$0x0] =	vst.idx.msk $0xffff, v38  }
0x71: {  	v38 =	vadd.s32 v12, v35;
	v40 =	vld [tilespmem:s20+$0x70];
	[tilespmem:v44+s25+$0x0] =	vst.idx.msk $0xffff, v51  }
0x72: {  	v44 =	vadd.s32 v23, v35;
	v33 =	vld [tilespmem:s20+$0xFFFFFF70];
	[tilespmem:v48+s25+$0x0] =	vst.idx.msk $0xffff, v47  }
0x73: {  	[tilespmem:v43+s25+$0x0] =	vst.idx.msk $0xffff, v37;
	v37 =	vld [tilespmem:s20+$0xC0];
	v43 =	vadd.s32 v28, v35  }
0x74: {  	[tilespmem:v41+s25+$0x0] =	vst.idx.msk $0xffff, v36;
	v36 =	vld [tilespmem:s20+$0x90]  }
0x75: {  	[tilespmem:v46+s25+$0x0] =	vst.idx.msk $0xffff, v39;
	v41 =	vld [tilespmem:s20+$0x10];
	v46 =	vadd.s32 v20, v35  }
0x76: {  	v47 =	vadd.s32 v17, v35;
	[tilespmem:v38+s25+$0x0] =	vst.idx.msk $0xffff, v45;
	v45 =	vld [tilespmem:s20+$0xFFFFFFF0]  }
0x77: {  	v49 =	vadd.s32 v13, v35;
	v48 =	vld [tilespmem:s20+$0xFFFFFFD0];
	[tilespmem:v44+s25+$0x0] =	vst.idx.msk $0xffff, v40  }
0x78: {  	v51 =	vadd.s32 v15, v35;
	v44 =	vld [tilespmem:s20+$0xFFFFFF90];
	[tilespmem:v43+s25+$0x0] =	vst.idx.msk $0xffff, v37  }
0x79: {  	v37 =	vadd.s32 v9, v35;
	[tilespmem:v50+s25+$0x0] =	vst.idx.msk $0xffff, v53;
	v50 =	vld [tilespmem:s20+$0xD0]  }
0x7a: {  	v52 =	vadd.s32 v29, v35;
	v39 =	vld [tilespmem:s20+$0xFFFFFF50];
	[tilespmem:v46+s25+$0x0] =	vst.idx.msk $0xffff, v42  }
.Ltmp2:
0x7b: {  	v38 =	vld [tilespmem:s20+$0xFFFFFF30];
	[tilespmem:v47+s25+$0x0] =	vst.idx.msk $0xffff, v41;
	v47 =	vadd.s32 v25, v35;
	(pc) =	sbr.rel @p2 .LBB2_6-.Ltmp2, $4  }
0x7c: {  	v46 =	vadd.s32 v5, v35;
	[tilespmem:v49+s25+$0x0] =	vst.idx.msk $0xffff, v48;
	v41 =	vld [tilespmem:s20+$0x30]  }
0x7d: {  	v43 =	vadd.s32 v3, v35;
	v40 =	vld [tilespmem:s20+$0xFFFFFFB0];
	[tilespmem:v51+s25+$0x0] =	vst.idx.msk $0xffff, v45  }
0x7e: {  	v45 =	vadd.s32 v19, v35;
	[tilespmem:v37+s25+$0x0] =	vst.idx.msk $0xffff, v44;
	v37 =	vld [tilespmem:s20+$0x50]  }
0x7f: {  	v44 =	vadd.s32 v11, v35;
	v42 =	vld [tilespmem:s20+$0xB0];
	[tilespmem:v52+s25+$0x0] =	vst.idx.msk $0xffff, v50;
	s20 =	sadd.s32 $0x200, s20  }
0x80: {  	_ =	sdelay $0x3  }
0x81: {  	[tilespmem:v47+s25+$0x0] =	vst.idx.msk $0xffff, v36  }
0x82: {  	v35 =	vadd.s32 v21, v32;
	[tilespmem:v46+s25+$0x0] =	vst.idx.msk $0xffff, v39  }
0x83: {  	v55 =	vadd.s32 v7, v32;
	[tilespmem:v43+s25+$0x0] =	vst.idx.msk $0xffff, v38  }
0x84: {  	s18 =	sshll.u32 s9, $0xC;
	s20 =	sshll.u32 s9, $0xA;
	[tilespmem:v45+s25+$0x0] =	vst.idx.msk $0xffff, v41  }
0x85: {  	s18 =	sand.u32 $0x7FFE0000, s18;
	s20 =	sand.u32 $0x7000, s20;
	[tilespmem:v44+s25+$0x0] =	vst.idx.msk $0xffff, v40  }
0x86: {  	s18 =	sor.u32 s20, s18;
	[tilespmem:v34+s25+$0x0] =	vst.idx.msk $0xffff, v42  }
0x87: {  	s18 =	sshrl.u32 s18, $0x3;
	[tilespmem:v35+s25+$0x0] =	vst.idx.msk $0xffff, v37  }
0x88: {  	s20 =	sadd.s32 s3, s18;
	[tilespmem:v55+s25+$0x0] =	vst.idx.msk $0xffff, v33  }
0x89: {  	[hbm4b:s20+s4] =	stream.linear.scatter [tilespmem:s25], [sflag:$0x9], $0x80, $0x38;
	[tilespmem:$0x6400] =	vst v63  }
0x8a: {  	s16 =	simm.s32 $0x4288;
	s23 =	sadd.s32 $0x10, s20  }
0x8b: {  	[hbm4b:s23+s4] =	stream.linear.scatter [tilespmem:s16], [sflag:$0x9], $0x80, $0x38;
	[tilespmem:$0x6400] =	vst v63  }
0x8c: {  	s23 =	sadd.s32 $0x20, s20;
	s16 =	simm.s32 $0x4310  }
0x8d: {  	[hbm4b:s23+s4] =	stream.linear.scatter [tilespmem:s16], [sflag:$0x9], $0x80, $0x38;
	[tilespmem:$0x6400] =	vst v63  }
0x8e: {  	s23 =	sadd.s32 $0x30, s20;
	s16 =	simm.s32 $0x4398  }
0x8f: {  	[hbm4b:s23+s4] =	stream.linear.scatter [tilespmem:s16], [sflag:$0x9], $0x80, $0x38;
	[tilespmem:$0x6400] =	vst v63  }
0x90: {  	s23 =	sadd.s32 $0x40, s20;
	s16 =	simm.s32 $0x4420  }
0x91: {  	[hbm4b:s23+s4] =	stream.linear.scatter [tilespmem:s16], [sflag:$0x9], $0x80, $0x38;
	[tilespmem:$0x6400] =	vst v63  }
0x92: {  	s23 =	sadd.s32 $0x50, s20;
	s16 =	simm.s32 $0x44A8  }
0x93: {  	[hbm4b:s23+s4] =	stream.linear.scatter [tilespmem:s16], [sflag:$0x9], $0x80, $0x38;
	[tilespmem:$0x6400] =	vst v63  }
0x94: {  	s23 =	sadd.s32 $0x60, s20;
	s16 =	simm.s32 $0x4530  }
0x95: {  	[hbm4b:s23+s4] =	stream.linear.scatter [tilespmem:s16], [sflag:$0x9], $0x80, $0x38;
	[tilespmem:$0x6400] =	vst v63  }
0x96: {  	s20 =	sadd.s32 $0x70, s20;
	s23 =	simm.s32 $0x45B8  }
0x97: {  	[hbm4b:s20+s4] =	stream.linear.scatter [tilespmem:s23], [sflag:$0x9], $0x80, $0x38;
	[tilespmem:$0x6400] =	vst v63  }
0x98: {  	s20 =	sadd.s32 s18, s11;
	s23 =	simm.s32 $0x4640  }
0x99: {  	[hbm4b:s20+s4] =	stream.linear.scatter [tilespmem:s23], [sflag:$0x9], $0x80, $0x38;
	[tilespmem:$0x6400] =	vst v63  }
0x9a: {  	s16 =	simm.s32 $0x46C8;
	s23 =	sadd.s32 $0x10, s20  }
0x9b: {  	[hbm4b:s23+s4] =	stream.linear.scatter [tilespmem:s16], [sflag:$0x9], $0x80, $0x38;
	[tilespmem:$0x6400] =	vst v63  }
0x9c: {  	s23 =	sadd.s32 $0x20, s20;
	s16 =	simm.s32 $0x4750  }
0x9d: {  	[hbm4b:s23+s4] =	stream.linear.scatter [tilespmem:s16], [sflag:$0x9], $0x80, $0x38;
	[tilespmem:$0x6400] =	vst v63  }
0x9e: {  	s23 =	sadd.s32 $0x30, s20;
	s16 =	simm.s32 $0x47D8  }
0x9f: {  	[hbm4b:s23+s4] =	stream.linear.scatter [tilespmem:s16], [sflag:$0x9], $0x80, $0x38;
	[tilespmem:$0x6400] =	vst v63  }
0xa0: {  	s23 =	sadd.s32 $0x40, s20;
	s16 =	simm.s32 $0x4860  }
0xa1: {  	[hbm4b:s23+s4] =	stream.linear.scatter [tilespmem:s16], [sflag:$0x9], $0x80, $0x38;
	[tilespmem:$0x6400] =	vst v63  }
0xa2: {  	s23 =	sadd.s32 $0x50, s20;
	s16 =	simm.s32 $0x48E8  }
0xa3: {  	[hbm4b:s23+s4] =	stream.linear.scatter [tilespmem:s16], [sflag:$0x9], $0x80, $0x38;
	[tilespmem:$0x6400] =	vst v63  }
0xa4: {  	s23 =	sadd.s32 $0x60, s20;
	s16 =	simm.s32 $0x4970  }
0xa5: {  	[hbm4b:s23+s4] =	stream.linear.scatter [tilespmem:s16], [sflag:$0x9], $0x80, $0x38;
	[tilespmem:$0x6400] =	vst v63  }
0xa6: {  	s20 =	sadd.s32 $0x70, s20;
	s23 =	simm.s32 $0x49F8  }
0xa7: {  	[hbm4b:s20+s4] =	stream.linear.scatter [tilespmem:s23], [sflag:$0x9], $0x80, $0x38;
	[tilespmem:$0x6400] =	vst v63  }
0xa8: {  	s20 =	sadd.s32 s18, s12;
	s23 =	simm.s32 $0x4A80  }
0xa9: {  	[hbm4b:s20+s4] =	stream.linear.scatter [tilespmem:s23], [sflag:$0x9], $0x80, $0x38;
	[tilespmem:$0x6400] =	vst v63  }
0xaa: {  	s16 =	simm.s32 $0x4B08;
	s23 =	sadd.s32 $0x10, s20  }
0xab: {  	[hbm4b:s23+s4] =	stream.linear.scatter [tilespmem:s16], [sflag:$0x9], $0x80, $0x38;
	[tilespmem:$0x6400] =	vst v63  }
0xac: {  	s23 =	sadd.s32 $0x20, s20;
	s16 =	simm.s32 $0x4B90  }
0xad: {  	[hbm4b:s23+s4] =	stream.linear.scatter [tilespmem:s16], [sflag:$0x9], $0x80, $0x38;
	[tilespmem:$0x6400] =	vst v63  }
0xae: {  	s23 =	sadd.s32 $0x30, s20;
	s16 =	simm.s32 $0x4C18  }
0xaf: {  	[hbm4b:s23+s4] =	stream.linear.scatter [tilespmem:s16], [sflag:$0x9], $0x80, $0x38;
	[tilespmem:$0x6400] =	vst v63  }
0xb0: {  	s23 =	sadd.s32 $0x40, s20;
	s16 =	simm.s32 $0x4CA0  }
0xb1: {  	[hbm4b:s23+s4] =	stream.linear.scatter [tilespmem:s16], [sflag:$0x9], $0x80, $0x38;
	[tilespmem:$0x6400] =	vst v63  }
0xb2: {  	s23 =	sadd.s32 $0x50, s20;
	s16 =	simm.s32 $0x4D28  }
0xb3: {  	[hbm4b:s23+s4] =	stream.linear.scatter [tilespmem:s16], [sflag:$0x9], $0x80, $0x38;
	[tilespmem:$0x6400] =	vst v63  }
0xb4: {  	s23 =	sadd.s32 $0x60, s20;
	s16 =	simm.s32 $0x4DB0  }
0xb5: {  	[hbm4b:s23+s4] =	stream.linear.scatter [tilespmem:s16], [sflag:$0x9], $0x80, $0x38;
	[tilespmem:$0x6400] =	vst v63  }
0xb6: {  	s20 =	sadd.s32 $0x70, s20;
	s23 =	simm.s32 $0x4E38  }
0xb7: {  	[hbm4b:s20+s4] =	stream.linear.scatter [tilespmem:s23], [sflag:$0x9], $0x80, $0x38;
	[tilespmem:$0x6400] =	vst v63  }
0xb8: {  	s20 =	sadd.s32 s18, s13;
	s23 =	simm.s32 $0x4EC0  }
0xb9: {  	[hbm4b:s20+s4] =	stream.linear.scatter [tilespmem:s23], [sflag:$0x9], $0x80, $0x38;
	[tilespmem:$0x6400] =	vst v63  }
0xba: {  	s16 =	simm.s32 $0x4F48;
	s23 =	sadd.s32 $0x10, s20  }
0xbb: {  	[hbm4b:s23+s4] =	stream.linear.scatter [tilespmem:s16], [sflag:$0x9], $0x80, $0x38;
	[tilespmem:$0x6400] =	vst v63  }
0xbc: {  	s23 =	sadd.s32 $0x20, s20;
	s16 =	simm.s32 $0x4FD0  }
0xbd: {  	[hbm4b:s23+s4] =	stream.linear.scatter [tilespmem:s16], [sflag:$0x9], $0x80, $0x38;
	[tilespmem:$0x6400] =	vst v63  }
0xbe: {  	s23 =	sadd.s32 $0x30, s20;
	s16 =	simm.s32 $0x5058  }
0xbf: {  	[hbm4b:s23+s4] =	stream.linear.scatter [tilespmem:s16], [sflag:$0x9], $0x80, $0x38;
	[tilespmem:$0x6400] =	vst v63  }
0xc0: {  	s23 =	sadd.s32 $0x40, s20;
	s16 =	simm.s32 $0x50E0  }
0xc1: {  	[hbm4b:s23+s4] =	stream.linear.scatter [tilespmem:s16], [sflag:$0x9], $0x80, $0x38;
	[tilespmem:$0x6400] =	vst v63  }
0xc2: {  	s23 =	sadd.s32 $0x50, s20;
	s16 =	simm.s32 $0x5168  }
0xc3: {  	[hbm4b:s23+s4] =	stream.linear.scatter [tilespmem:s16], [sflag:$0x9], $0x80, $0x38;
	[tilespmem:$0x6400] =	vst v63  }
0xc4: {  	s23 =	sadd.s32 $0x60, s20;
	s16 =	simm.s32 $0x51F0  }
0xc5: {  	[hbm4b:s23+s4] =	stream.linear.scatter [tilespmem:s16], [sflag:$0x9], $0x80, $0x38;
	[tilespmem:$0x6400] =	vst v63  }
0xc6: {  	s20 =	sadd.s32 $0x70, s20;
	s23 =	simm.s32 $0x5278  }
0xc7: {  	[hbm4b:s20+s4] =	stream.linear.scatter [tilespmem:s23], [sflag:$0x9], $0x80, $0x38;
	[tilespmem:$0x6400] =	vst v63  }
0xc8: {  	_ =	swait.ge [sflag:s10], $0x80  }
0xc9: {  	[sflag:s10] =	ssyncset.done $0x0  }
0xca: {  	s20 =	simm.s32 $0x180;
	s23 =	simm.s32 $0x3200;
	[sflag:s10] =	ssyncadd.s32 $0xFFFFFF80  }
0xcb: {  	[tilespmem:s23], [sflag:$0x8] =	stream.indirect.gather [hbm4b:s5+s17], $0x20, s20, s17, $0xb8;
	[tilespmem:$0x6400] =	vst v63  }
0xcc: {  	s20 =	sadd.s32 @!p0 $0x5, s9  }
0xcd: {  	s23 =	sshll.u32 @!p0 s20, $0x7;
	s16 =	sshll.u32 @!p0 s20, $0xA  }
0xce: {  	s20 =	sshll.u32 @!p0 s20, $0x2;
	s23 =	sand.u32 @!p0 $0x7FFF8000, s23;
	s16 =	sand.u32 @!p0 $0x7400, s16  }
0xcf: {  	_ =	swait.ge [sflag:s14], $0x1000;
	s20 =	sand.u32 @!p0 $0x380, s20;
	s16 =	sor.u32 @!p0 s16, s23  }
0xd0: {  	[sflag:s14] =	ssyncset.done $0x0;
	s16 =	sor.u32 @!p0 s20, s16  }
0xd1: {  	[sflag:s14] =	ssyncadd.s32 $0xFFFFF000;
	s16 =	sshrl.u32 @!p0 s16, $0x3  }
0xd2: {  	s23 =	simm.s32 @!p0 $0x80;
	s20 =	simm.s32 @!p0 $0x0;
	s16 =	sadd.s32 @!p0 s1, s16  }
0xd3: {  	[tilespmem:s23], [sflag:$0x2] =	stream.linear.gather @!p0 [hbm4b:s16+s20], $0x80, $0x38;
	[tilespmem:$0x6400] =	vst v63  }
0xd4: {  	s16 =	simm.s32 @!p1 $0xA  }
0xd5: {  	_ =	swait.ge @!p1 [sflag:s16], $0x400  }
0xd6: {  	[sflag:s16] =	ssyncset.done @!p1 $0x0  }
0xd7: {  	[sflag:s16] =	ssyncadd.s32 @!p1 $0xFFFFFC00  }
0xd8: {  	_ =	swait.ge @!p1 [sflag:s16], $0x400  }
0xd9: {  	[sflag:s16] =	ssyncset.done @!p1 $0x0  }
0xda: {  	[sflag:s16] =	ssyncadd.s32 @!p1 $0xFFFFFC00  }
0xdb: {  	_ =	swait.ge @!p1 [sflag:s16], $0x400  }
0xdc: {  	[sflag:s16] =	ssyncset.done @!p1 $0x0  }
0xdd: {  	[sflag:s16] =	ssyncadd.s32 @!p1 $0xFFFFFC00  }
0xde: {  	_ =	swait.ge @!p1 [sflag:s16], $0x400  }
0xdf: {  	[sflag:s16] =	ssyncset.done @!p1 $0x0  }
0xe0: {  	s17 =	simm.s32 $0x13F0;
	[sflag:s16] =	ssyncadd.s32 @!p1 $0xFFFFFC00  }
0xe1: {  	v56 =	vld [tilespmem:s17+$0xFFFFFFF0]  }
0xe2: {  	v34 =	vld [tilespmem:s17+$0xFFFFFE30]  }
0xe3: {  	v32 =	vimm.s32 $0x0;
	v35 =	vld [tilespmem:s17+$0xFFFFFF90]  }
0xe4: {  	v57 =	vadd.s32 v30, v32;
	v58 =	vld [tilespmem:s17+$0xFFFFFFB0]  }
0xe5: {  	v59 =	vadd.s32 v22, v32;
	v60 =	vld [tilespmem:s17+$0xFFFFFF70]  }
0xe6: {  	v61 =	vadd.s32 v18, v32;
	v62 =	vld [tilespmem:s17+$0xFFFFFF30]  }
0xe7: {  	v48 =	vadd.s32 v2, v32;
	v43 =	vld [tilespmem:s17+$0xFFFFFEB0]  }
0xe8: {  	v63 =	vadd.s32 v26, v32;
	v49 =	vld [tilespmem:s17+$0xFFFFFE10]  }
0xe9: {  	v50 =	vadd.s32 v0, v32;
	v51 =	vld [tilespmem:s17+$0xFFFFFE70];
	[tilespmem:v57+s7+$0x0] =	vst.idx.msk $0xffff, v56  }
0xea: {  	v52 =	vadd.s32 v6, v32;
	v36 =	vld [tilespmem:s17+$0xFFFFFE90];
	[tilespmem:v59+s7+$0x0] =	vst.idx.msk $0xffff, v60  }
0xeb: {  	v53 =	vadd.s32 v4, v32;
	v54 =	vld [tilespmem:s17+$0xFFFFFE50];
	[tilespmem:v61+s7+$0x0] =	vst.idx.msk $0xffff, v62  }
0xec: {  	v57 =	vadd.s32 v24, v32;
	[tilespmem:v48+s7+$0x0] =	vst.idx.msk $0xffff, v34;
	v34 =	vld [tilespmem:s17+$0xFFFFFF50]  }
0xed: {  	[tilespmem:v63+s7+$0x0] =	vst.idx.msk $0xffff, v58;
	v58 =	vadd.s32 v8, v32;
	v59 =	vld [tilespmem:s17+$0xFFFFFF10]  }
0xee: {  	[tilespmem:v50+s7+$0x0] =	vst.idx.msk $0xffff, v49;
	v61 =	vld [tilespmem:s17+$0xFFFFFEF0];
	v62 =	vadd.s32 v16, v32  }
0xef: {  	[tilespmem:v52+s7+$0x0] =	vst.idx.msk $0xffff, v51;
	v63 =	vld [tilespmem:s17+$0xFFFFFED0];
	v48 =	vadd.s32 v14, v32  }
0xf0: {  	v56 =	vadd.s32 v31, v32;
	[tilespmem:v53+s7+$0x0] =	vst.idx.msk $0xffff, v54;
	v55 =	vld [tilespmem:s17+$0x0]  }
0xf1: {  	v52 =	vadd.s32 v12, v32;
	v45 =	vld [tilespmem:s17+$0xFFFFFE20];
	[tilespmem:v57+s7+$0x0] =	vst.idx.msk $0xffff, v35  }
0xf2: {  	v60 =	vadd.s32 v1, v32;
	v53 =	vld [tilespmem:s17+$0xFFFFFF80];
	[tilespmem:v58+s7+$0x0] =	vst.idx.msk $0xffff, v36  }
0xf3: {  	v54 =	vadd.s32 v23, v32;
	v33 =	vld [tilespmem:s17+$0xFFFFFE80];
	[tilespmem:v62+s7+$0x0] =	vst.idx.msk $0xffff, v59  }
0xf4: {  	v38 =	vld [tilespmem:s17+$0xFFFFFE60];
	v57 =	vadd.s32 v10, v32;
	[tilespmem:v48+s7+$0x0] =	vst.idx.msk $0xffff, v61  }
0xf5: {  	[tilespmem:v56+s7+$0x0] =	vst.idx.msk $0xffff, v55;
	v55 =	vld [tilespmem:s17+$0xFFFFFFD0];
	v56 =	vadd.s32 v28, v32  }
0xf6: {  	v37 =	vld [tilespmem:s17+$0xFFFFFE40];
	v58 =	vadd.s32 v20, v32;
	[tilespmem:v52+s7+$0x0] =	vst.idx.msk $0xffff, v63  }
0xf7: {  	[tilespmem:v60+s7+$0x0] =	vst.idx.msk $0xffff, v45;
	v39 =	vld [tilespmem:s17+$0xFFFFFF20];
	v60 =	vadd.s32 v17, v32  }
0xf8: {  	v49 =	vadd.s32 v13, v32;
	v61 =	vld [tilespmem:s17+$0xFFFFFEE0];
	[tilespmem:v54+s7+$0x0] =	vst.idx.msk $0xffff, v53  }
0xf9: {  	v50 =	vadd.s32 v15, v32;
	v59 =	vld [tilespmem:s17+$0xFFFFFF00];
	[tilespmem:v57+s7+$0x0] =	vst.idx.msk $0xffff, v43  }
0xfa: {  	v63 =	vadd.s32 v9, v32;
	v62 =	vld [tilespmem:s17+$0xFFFFFEA0];
	[tilespmem:v56+s7+$0x0] =	vst.idx.msk $0xffff, v55  }
0xfb: {  	v52 =	vadd.s32 v29, v32;
	[tilespmem:v58+s7+$0x0] =	vst.idx.msk $0xffff, v34;
	v51 =	vld [tilespmem:s17+$0xFFFFFFE0]  }
0xfc: {  	v47 =	vadd.s32 v25, v32;
	v36 =	vld [tilespmem:s17+$0xFFFFFFA0];
	[tilespmem:v60+s7+$0x0] =	vst.idx.msk $0xffff, v39  }
0xfd: {  	v46 =	vadd.s32 v5, v32;
	v42 =	vld [tilespmem:s17+$0xFFFFFFC0];
	[tilespmem:v49+s7+$0x0] =	vst.idx.msk $0xffff, v61  }
0xfe: {  	v43 =	vadd.s32 v3, v32;
	v39 =	vld [tilespmem:s17+$0xFFFFFF40];
	[tilespmem:v50+s7+$0x0] =	vst.idx.msk $0xffff, v59  }
0xff: {  	v45 =	vadd.s32 v19, v32;
	v40 =	vld [tilespmem:s17+$0xFFFFFEC0];
	[tilespmem:v63+s7+$0x0] =	vst.idx.msk $0xffff, v62  }
0x100: {  	v44 =	vadd.s32 v11, v32;
	s20 =	simm.s32 $0x0;
	s23 =	simm.s32 $0x15F0;
	v35 =	vimm.s32 $0x0;
	v34 =	vadd.s32 v27, v32;
	v41 =	vld [tilespmem:s17+$0xFFFFFF60];
	[tilespmem:v52+s7+$0x0] =	vst.idx.msk $0xffff, v51  }
.LBB2_8:
0x101: {  	v48 =	vld [tilespmem:s23+$0xFFFFFFF0];
	s20 =	sadd.s32 $0x10, s20;
	v49 =	vadd.s32 v21, v32;
	[tilespmem:v47+s7+$0x0] =	vst.idx.msk $0xffff, v36;
	v35 =	vadd.s32 $0x10, v35  }
0x102: {  	v36 =	vld [tilespmem:s23+$0xFFFFFE30];
	v47 =	vadd.s32 v30, v35;
	p0 =	slt.u32 s20, $0x70;
	[tilespmem:v46+s7+$0x0] =	vst.idx.msk $0xffff, v38;
	v38 =	vadd.s32 v7, v32;
	v32 =	vmov v35  }
0x103: {  	v46 =	vadd.s32 v0, v35;
	v50 =	vadd.s32 v10, v35;
	v51 =	vld [tilespmem:s23+$0xFFFFFF90];
	[tilespmem:v43+s7+$0x0] =	vst.idx.msk $0xffff, v37  }
0x104: {  	v37 =	vadd.s32 v18, v35;
	v43 =	vadd.s32 v22, v35;
	v52 =	vld [tilespmem:s23+$0xFFFFFFB0];
	[tilespmem:v45+s7+$0x0] =	vst.idx.msk $0xffff, v39  }
0x105: {  	v45 =	vadd.s32 v26, v35;
	v39 =	vld [tilespmem:s23+$0xFFFFFF70];
	[tilespmem:v44+s7+$0x0] =	vst.idx.msk $0xffff, v40  }
0x106: {  	v44 =	vadd.s32 v24, v35;
	v40 =	vld [tilespmem:s23+$0xFFFFFF30];
	[tilespmem:v34+s7+$0x0] =	vst.idx.msk $0xffff, v42  }
0x107: {  	v42 =	vadd.s32 v2, v35;
	v53 =	vld [tilespmem:s23+$0xFFFFFEB0];
	[tilespmem:v49+s7+$0x0] =	vst.idx.msk $0xffff, v41  }
0x108: {  	v49 =	vadd.s32 v4, v35;
	v41 =	vld [tilespmem:s23+$0xFFFFFE10];
	[tilespmem:v38+s7+$0x0] =	vst.idx.msk $0xffff, v33  }
0x109: {  	v38 =	vadd.s32 v6, v35;
	v33 =	vld [tilespmem:s23+$0xFFFFFE70];
	[tilespmem:v47+s7+$0x0] =	vst.idx.msk $0xffff, v48  }
0x10a: {  	v48 =	vadd.s32 v8, v35;
	v47 =	vld [tilespmem:s23+$0xFFFFFE90];
	[tilespmem:v43+s7+$0x0] =	vst.idx.msk $0xffff, v39  }
0x10b: {  	v34 =	vadd.s32 v27, v35;
	v39 =	vld [tilespmem:s23+$0xFFFFFE50];
	[tilespmem:v37+s7+$0x0] =	vst.idx.msk $0xffff, v40  }
0x10c: {  	v40 =	vadd.s32 v31, v35;
	[tilespmem:v45+s7+$0x0] =	vst.idx.msk $0xffff, v52;
	v37 =	vld [tilespmem:s23+$0x0]  }
0x10d: {  	[tilespmem:v42+s7+$0x0] =	vst.idx.msk $0xffff, v36;
	v42 =	vld [tilespmem:s23+$0xFFFFFF50]  }
0x10e: {  	[tilespmem:v46+s7+$0x0] =	vst.idx.msk $0xffff, v41;
	v36 =	vld [tilespmem:s23+$0xFFFFFF10]  }
0x10f: {  	v43 =	vadd.s32 v1, v35;
	v41 =	vld [tilespmem:s23+$0xFFFFFE20];
	[tilespmem:v38+s7+$0x0] =	vst.idx.msk $0xffff, v33  }
0x110: {  	[tilespmem:v49+s7+$0x0] =	vst.idx.msk $0xffff, v39;
	v38 =	vld [tilespmem:s23+$0xFFFFFEF0];
	v39 =	vadd.s32 v16, v35  }
0x111: {  	v46 =	vadd.s32 v14, v35;
	v45 =	vld [tilespmem:s23+$0xFFFFFED0];
	[tilespmem:v40+s7+$0x0] =	vst.idx.msk $0xffff, v37  }
0x112: {  	v37 =	vadd.s32 v12, v35;
	v40 =	vld [tilespmem:s23+$0xFFFFFF80];
	[tilespmem:v44+s7+$0x0] =	vst.idx.msk $0xffff, v51  }
0x113: {  	v44 =	vadd.s32 v23, v35;
	v33 =	vld [tilespmem:s23+$0xFFFFFE80];
	[tilespmem:v48+s7+$0x0] =	vst.idx.msk $0xffff, v47  }
0x114: {  	[tilespmem:v43+s7+$0x0] =	vst.idx.msk $0xffff, v41;
	v41 =	vld [tilespmem:s23+$0xFFFFFFD0];
	v43 =	vadd.s32 v28, v35  }
0x115: {  	[tilespmem:v39+s7+$0x0] =	vst.idx.msk $0xffff, v36;
	v36 =	vld [tilespmem:s23+$0xFFFFFFA0]  }
0x116: {  	[tilespmem:v46+s7+$0x0] =	vst.idx.msk $0xffff, v38;
	v39 =	vld [tilespmem:s23+$0xFFFFFF20];
	v46 =	vadd.s32 v20, v35  }
0x117: {  	v47 =	vadd.s32 v17, v35;
	[tilespmem:v37+s7+$0x0] =	vst.idx.msk $0xffff, v45;
	v45 =	vld [tilespmem:s23+$0xFFFFFF00]  }
0x118: {  	v49 =	vadd.s32 v13, v35;
	v48 =	vld [tilespmem:s23+$0xFFFFFEE0];
	[tilespmem:v44+s7+$0x0] =	vst.idx.msk $0xffff, v40  }
0x119: {  	v51 =	vadd.s32 v15, v35;
	v44 =	vld [tilespmem:s23+$0xFFFFFEA0];
	[tilespmem:v43+s7+$0x0] =	vst.idx.msk $0xffff, v41  }
0x11a: {  	v41 =	vadd.s32 v9, v35;
	[tilespmem:v50+s7+$0x0] =	vst.idx.msk $0xffff, v53;
	v50 =	vld [tilespmem:s23+$0xFFFFFFE0]  }
0x11b: {  	v52 =	vadd.s32 v29, v35;
	v38 =	vld [tilespmem:s23+$0xFFFFFE60];
	[tilespmem:v46+s7+$0x0] =	vst.idx.msk $0xffff, v42  }
.Ltmp3:
0x11c: {  	v37 =	vld [tilespmem:s23+$0xFFFFFE40];
	[tilespmem:v47+s7+$0x0] =	vst.idx.msk $0xffff, v39;
	v47 =	vadd.s32 v25, v35;
	(pc) =	sbr.rel @p0 .LBB2_8-.Ltmp3, $4  }
0x11d: {  	v46 =	vadd.s32 v5, v35;
	[tilespmem:v49+s7+$0x0] =	vst.idx.msk $0xffff, v48;
	v39 =	vld [tilespmem:s23+$0xFFFFFF40]  }
0x11e: {  	v43 =	vadd.s32 v3, v35;
	v40 =	vld [tilespmem:s23+$0xFFFFFEC0];
	[tilespmem:v51+s7+$0x0] =	vst.idx.msk $0xffff, v45  }
0x11f: {  	v45 =	vadd.s32 v19, v35;
	[tilespmem:v41+s7+$0x0] =	vst.idx.msk $0xffff, v44;
	v41 =	vld [tilespmem:s23+$0xFFFFFF60]  }
0x120: {  	v44 =	vadd.s32 v11, v35;
	v42 =	vld [tilespmem:s23+$0xFFFFFFC0];
	[tilespmem:v52+s7+$0x0] =	vst.idx.msk $0xffff, v50;
	s23 =	sadd.s32 $0x200, s23  }
0x121: {  	_ =	sdelay $0x3  }
0x122: {  	[tilespmem:v47+s7+$0x0] =	vst.idx.msk $0xffff, v36  }
0x123: {  	v35 =	vadd.s32 v21, v32;
	[tilespmem:v46+s7+$0x0] =	vst.idx.msk $0xffff, v38  }
0x124: {  	v55 =	vadd.s32 v7, v32;
	[tilespmem:v43+s7+$0x0] =	vst.idx.msk $0xffff, v37  }
0x125: {  	[tilespmem:v45+s7+$0x0] =	vst.idx.msk $0xffff, v39  }
0x126: {  	[tilespmem:v44+s7+$0x0] =	vst.idx.msk $0xffff, v40  }
0x127: {  	[tilespmem:v34+s7+$0x0] =	vst.idx.msk $0xffff, v42  }
0x128: {  	s16 =	sor.u32 $0x80, s18;
	[tilespmem:v35+s7+$0x0] =	vst.idx.msk $0xffff, v41  }
0x129: {  	s20 =	sadd.s32 s3, s16;
	[tilespmem:v55+s7+$0x0] =	vst.idx.msk $0xffff, v33  }
0x12a: {  	[hbm4b:s20+s4] =	stream.linear.scatter [tilespmem:s7], [sflag:$0xA], $0x80, $0x38;
	[tilespmem:$0x6400] =	vst v63  }
0x12b: {  	s17 =	simm.s32 $0x5388;
	s23 =	sadd.s32 $0x10, s20  }
0x12c: {  	[hbm4b:s23+s4] =	stream.linear.scatter [tilespmem:s17], [sflag:$0xA], $0x80, $0x38;
	[tilespmem:$0x6400] =	vst v63  }
0x12d: {  	s23 =	sadd.s32 $0x20, s20;
	s17 =	simm.s32 $0x5410  }
0x12e: {  	[hbm4b:s23+s4] =	stream.linear.scatter [tilespmem:s17], [sflag:$0xA], $0x80, $0x38;
	[tilespmem:$0x6400] =	vst v63  }
0x12f: {  	s23 =	sadd.s32 $0x30, s20;
	s17 =	simm.s32 $0x5498  }
0x130: {  	[hbm4b:s23+s4] =	stream.linear.scatter [tilespmem:s17], [sflag:$0xA], $0x80, $0x38;
	[tilespmem:$0x6400] =	vst v63  }
0x131: {  	s23 =	sadd.s32 $0x40, s20;
	s17 =	simm.s32 $0x5520  }
0x132: {  	[hbm4b:s23+s4] =	stream.linear.scatter [tilespmem:s17], [sflag:$0xA], $0x80, $0x38;
	[tilespmem:$0x6400] =	vst v63  }
0x133: {  	s23 =	sadd.s32 $0x50, s20;
	s17 =	simm.s32 $0x55A8  }
0x134: {  	[hbm4b:s23+s4] =	stream.linear.scatter [tilespmem:s17], [sflag:$0xA], $0x80, $0x38;
	[tilespmem:$0x6400] =	vst v63  }
0x135: {  	s23 =	sadd.s32 $0x60, s20;
	s17 =	simm.s32 $0x5630  }
0x136: {  	[hbm4b:s23+s4] =	stream.linear.scatter [tilespmem:s17], [sflag:$0xA], $0x80, $0x38;
	[tilespmem:$0x6400] =	vst v63  }
0x137: {  	s20 =	sadd.s32 $0x70, s20;
	s23 =	simm.s32 $0x56B8  }
0x138: {  	[hbm4b:s20+s4] =	stream.linear.scatter [tilespmem:s23], [sflag:$0xA], $0x80, $0x38;
	[tilespmem:$0x6400] =	vst v63  }
0x139: {  	s20 =	sadd.s32 s16, s11;
	s23 =	simm.s32 $0x5740  }
0x13a: {  	[hbm4b:s20+s4] =	stream.linear.scatter [tilespmem:s23], [sflag:$0xA], $0x80, $0x38;
	[tilespmem:$0x6400] =	vst v63  }
0x13b: {  	s17 =	simm.s32 $0x57C8;
	s23 =	sadd.s32 $0x10, s20  }
0x13c: {  	[hbm4b:s23+s4] =	stream.linear.scatter [tilespmem:s17], [sflag:$0xA], $0x80, $0x38;
	[tilespmem:$0x6400] =	vst v63  }
0x13d: {  	s23 =	sadd.s32 $0x20, s20;
	s17 =	simm.s32 $0x5850  }
0x13e: {  	[hbm4b:s23+s4] =	stream.linear.scatter [tilespmem:s17], [sflag:$0xA], $0x80, $0x38;
	[tilespmem:$0x6400] =	vst v63  }
0x13f: {  	s23 =	sadd.s32 $0x30, s20;
	s17 =	simm.s32 $0x58D8  }
0x140: {  	[hbm4b:s23+s4] =	stream.linear.scatter [tilespmem:s17], [sflag:$0xA], $0x80, $0x38;
	[tilespmem:$0x6400] =	vst v63  }
0x141: {  	s23 =	sadd.s32 $0x40, s20;
	s17 =	simm.s32 $0x5960  }
0x142: {  	[hbm4b:s23+s4] =	stream.linear.scatter [tilespmem:s17], [sflag:$0xA], $0x80, $0x38;
	[tilespmem:$0x6400] =	vst v63  }
0x143: {  	s23 =	sadd.s32 $0x50, s20;
	s17 =	simm.s32 $0x59E8  }
0x144: {  	[hbm4b:s23+s4] =	stream.linear.scatter [tilespmem:s17], [sflag:$0xA], $0x80, $0x38;
	[tilespmem:$0x6400] =	vst v63  }
0x145: {  	s23 =	sadd.s32 $0x60, s20;
	s17 =	simm.s32 $0x5A70  }
0x146: {  	[hbm4b:s23+s4] =	stream.linear.scatter [tilespmem:s17], [sflag:$0xA], $0x80, $0x38;
	[tilespmem:$0x6400] =	vst v63  }
0x147: {  	s20 =	sadd.s32 $0x70, s20;
	s23 =	simm.s32 $0x5AF8  }
0x148: {  	[hbm4b:s20+s4] =	stream.linear.scatter [tilespmem:s23], [sflag:$0xA], $0x80, $0x38;
	[tilespmem:$0x6400] =	vst v63  }
0x149: {  	s20 =	sadd.s32 s16, s12;
	s23 =	simm.s32 $0x5B80  }
0x14a: {  	[hbm4b:s20+s4] =	stream.linear.scatter [tilespmem:s23], [sflag:$0xA], $0x80, $0x38;
	[tilespmem:$0x6400] =	vst v63  }
0x14b: {  	s17 =	simm.s32 $0x5C08;
	s23 =	sadd.s32 $0x10, s20  }
0x14c: {  	[hbm4b:s23+s4] =	stream.linear.scatter [tilespmem:s17], [sflag:$0xA], $0x80, $0x38;
	[tilespmem:$0x6400] =	vst v63  }
0x14d: {  	s23 =	sadd.s32 $0x20, s20;
	s17 =	simm.s32 $0x5C90  }
0x14e: {  	[hbm4b:s23+s4] =	stream.linear.scatter [tilespmem:s17], [sflag:$0xA], $0x80, $0x38;
	[tilespmem:$0x6400] =	vst v63  }
0x14f: {  	s23 =	sadd.s32 $0x30, s20;
	s17 =	simm.s32 $0x5D18  }
0x150: {  	[hbm4b:s23+s4] =	stream.linear.scatter [tilespmem:s17], [sflag:$0xA], $0x80, $0x38;
	[tilespmem:$0x6400] =	vst v63  }
0x151: {  	s23 =	sadd.s32 $0x40, s20;
	s17 =	simm.s32 $0x5DA0  }
0x152: {  	[hbm4b:s23+s4] =	stream.linear.scatter [tilespmem:s17], [sflag:$0xA], $0x80, $0x38;
	[tilespmem:$0x6400] =	vst v63  }
0x153: {  	s23 =	sadd.s32 $0x50, s20;
	s17 =	simm.s32 $0x5E28  }
0x154: {  	[hbm4b:s23+s4] =	stream.linear.scatter [tilespmem:s17], [sflag:$0xA], $0x80, $0x38;
	[tilespmem:$0x6400] =	vst v63  }
0x155: {  	s23 =	sadd.s32 $0x60, s20;
	s17 =	simm.s32 $0x5EB0  }
0x156: {  	[hbm4b:s23+s4] =	stream.linear.scatter [tilespmem:s17], [sflag:$0xA], $0x80, $0x38;
	[tilespmem:$0x6400] =	vst v63  }
0x157: {  	s20 =	sadd.s32 $0x70, s20  }
0x158: {  	[hbm4b:s20+s4] =	stream.linear.scatter [tilespmem:s6], [sflag:$0xA], $0x80, $0x38;
	[tilespmem:$0x6400] =	vst v63  }
0x159: {  	s16 =	sadd.s32 s16, s13  }
0x15a: {  	[hbm4b:s16+s4] =	stream.linear.scatter [tilespmem:s26], [sflag:$0xA], $0x80, $0x38;
	[tilespmem:$0x6400] =	vst v63  }
0x15b: {  	s17 =	sadd.s32 $0x10, s16  }
0x15c: {  	[hbm4b:s17+s4] =	stream.linear.scatter [tilespmem:s28], [sflag:$0xA], $0x80, $0x38;
	[tilespmem:$0x6400] =	vst v63  }
0x15d: {  	s23 =	sadd.s32 $0x20, s16  }
0x15e: {  	[hbm4b:s23+s4] =	stream.linear.scatter [tilespmem:s29], [sflag:$0xA], $0x80, $0x38;
	[tilespmem:$0x6400] =	vst v63  }
0x15f: {  	s17 =	sadd.s32 $0x30, s16  }
0x160: {  	[hbm4b:s17+s4] =	stream.linear.scatter [tilespmem:s30], [sflag:$0xA], $0x80, $0x38;
	[tilespmem:$0x6400] =	vst v63  }
0x161: {  	s23 =	sadd.s32 $0x40, s16  }
0x162: {  	[hbm4b:s23+s4] =	stream.linear.scatter [tilespmem:s31], [sflag:$0xA], $0x80, $0x38;
	[tilespmem:$0x6400] =	vst v63  }
0x163: {  	s17 =	sadd.s32 $0x50, s16  }
0x164: {  	[hbm4b:s17+s4] =	stream.linear.scatter [tilespmem:s2], [sflag:$0xA], $0x80, $0x38;
	[tilespmem:$0x6400] =	vst v63  }
0x165: {  	s23 =	sadd.s32 $0x60, s16  }
0x166: {  	[hbm4b:s23+s4] =	stream.linear.scatter [tilespmem:s15], [sflag:$0xA], $0x80, $0x38;
	[tilespmem:$0x6400] =	vst v63  }
0x167: {  	p0 =	sne.s32 s8, $0x31;
	s16 =	sadd.s32 $0x70, s16  }
0x168: {  	[hbm4b:s16+s4] =	stream.linear.scatter [tilespmem:s0], [sflag:$0xA], $0x80, $0x38;
	[tilespmem:$0x6400] =	vst v63  }
0x169: {  	s16 =	simm.s32 @p0 $0x1  }
0x16a: {  	_ =	swait.ge @p0 [sflag:s16], $0x80  }
0x16b: {  	s20 =	simm.s32 @p0 $0x0;
	[sflag:s16] =	ssyncset.done @p0 $0x0  }
0x16c: {  	s23 =	simm.s32 @p0 $0x200;
	[sflag:s16] =	ssyncadd.s32 @p0 $0xFFFFFF80;
	s16 =	simm.s32 @p0 $0x80  }
0x16d: {  	[tilespmem:s23], [sflag:$0x5] =	stream.indirect.gather @p0 [hbm4b:s5+s16], $0x20, s20, s16, $0xb8;
	[tilespmem:$0x6400] =	vst v63  }
0x16e: {  	s16 =	sadd.s32 @p0 $0x6, s9  }
0x16f: {  	s23 =	sshll.u32 @p0 s16, $0x7;
	s17 =	sshll.u32 @p0 s16, $0xA  }
0x170: {  	s16 =	sshll.u32 @p0 s16, $0x2;
	s23 =	sand.u32 @p0 $0x7FFF8000, s23;
	s17 =	sand.u32 @p0 $0x7800, s17  }
0x171: {  	s16 =	sand.u32 @p0 $0x380, s16;
	s17 =	sor.u32 @p0 s17, s23;
	s23 =	simm.s32 @p0 $0x7  }
0x172: {  	s16 =	sor.u32 @p0 s16, s17;
	_ =	swait.ge @p0 [sflag:s23], $0x1000  }
0x173: {  	[sflag:s23] =	ssyncset.done @p0 $0x0;
	s16 =	sshrl.u32 @p0 s16, $0x3  }
0x174: {  	s17 =	simm.s32 @p0 $0x100;
	[sflag:s23] =	ssyncadd.s32 @p0 $0xFFFFF000;
	s16 =	sadd.s32 @p0 s1, s16  }
0x175: {  	[tilespmem:s17], [sflag:$0x3] =	stream.linear.gather @p0 [hbm4b:s16+s20], $0x80, $0x38;
	[tilespmem:$0x6400] =	vst v63  }
0x176: {  	s16 =	simm.s32 @!p0 $0x7  }
0x177: {  	_ =	swait.ge @!p0 [sflag:s16], $0x1000  }
0x178: {  	[sflag:s16] =	ssyncset.done @!p0 $0x0  }
0x179: {  	[sflag:s16] =	ssyncadd.s32 @!p0 $0xFFFFF000  }
0x17a: {  	_ =	swait.ge [sflag:s19], $0x400  }
0x17b: {  	[sflag:s19] =	ssyncset.done $0x0  }
0x17c: {  	[sflag:s19] =	ssyncadd.s32 $0xFFFFFC00  }
0x17d: {  	_ =	swait.ge [sflag:s19], $0x400  }
0x17e: {  	[sflag:s19] =	ssyncset.done $0x0  }
0x17f: {  	[sflag:s19] =	ssyncadd.s32 $0xFFFFFC00  }
0x180: {  	_ =	swait.ge [sflag:s19], $0x400  }
0x181: {  	[sflag:s19] =	ssyncset.done $0x0  }
0x182: {  	[sflag:s19] =	ssyncadd.s32 $0xFFFFFC00  }
0x183: {  	_ =	swait.ge [sflag:s19], $0x400  }
0x184: {  	[sflag:s19] =	ssyncset.done $0x0  }
0x185: {  	s17 =	simm.s32 $0x23F0;
	[sflag:s19] =	ssyncadd.s32 $0xFFFFFC00  }
0x186: {  	v56 =	vld [tilespmem:s17+$0xFFFFFFF0]  }
0x187: {  	v34 =	vld [tilespmem:s17+$0xFFFFFE30]  }
0x188: {  	v32 =	vimm.s32 $0x0;
	v35 =	vld [tilespmem:s17+$0xFFFFFF90]  }
0x189: {  	v57 =	vadd.s32 v30, v32;
	v58 =	vld [tilespmem:s17+$0xFFFFFFB0]  }
0x18a: {  	v59 =	vadd.s32 v22, v32;
	v60 =	vld [tilespmem:s17+$0xFFFFFF70]  }
0x18b: {  	v61 =	vadd.s32 v18, v32;
	v62 =	vld [tilespmem:s17+$0xFFFFFF30]  }
0x18c: {  	v48 =	vadd.s32 v2, v32;
	v43 =	vld [tilespmem:s17+$0xFFFFFEB0]  }
0x18d: {  	v63 =	vadd.s32 v26, v32;
	v49 =	vld [tilespmem:s17+$0xFFFFFE10]  }
0x18e: {  	v50 =	vadd.s32 v0, v32;
	v51 =	vld [tilespmem:s17+$0xFFFFFE70];
	[tilespmem:v57+s25+$0x0] =	vst.idx.msk $0xffff, v56  }
0x18f: {  	v52 =	vadd.s32 v6, v32;
	v36 =	vld [tilespmem:s17+$0xFFFFFE90];
	[tilespmem:v59+s25+$0x0] =	vst.idx.msk $0xffff, v60  }
0x190: {  	v53 =	vadd.s32 v4, v32;
	v54 =	vld [tilespmem:s17+$0xFFFFFE50];
	[tilespmem:v61+s25+$0x0] =	vst.idx.msk $0xffff, v62  }
0x191: {  	v57 =	vadd.s32 v24, v32;
	[tilespmem:v48+s25+$0x0] =	vst.idx.msk $0xffff, v34;
	v34 =	vld [tilespmem:s17+$0xFFFFFF50]  }
0x192: {  	[tilespmem:v63+s25+$0x0] =	vst.idx.msk $0xffff, v58;
	v58 =	vadd.s32 v8, v32;
	v59 =	vld [tilespmem:s17+$0xFFFFFF10]  }
0x193: {  	[tilespmem:v50+s25+$0x0] =	vst.idx.msk $0xffff, v49;
	v61 =	vld [tilespmem:s17+$0xFFFFFEF0];
	v62 =	vadd.s32 v16, v32  }
0x194: {  	[tilespmem:v52+s25+$0x0] =	vst.idx.msk $0xffff, v51;
	v63 =	vld [tilespmem:s17+$0xFFFFFED0];
	v48 =	vadd.s32 v14, v32  }
0x195: {  	v56 =	vadd.s32 v31, v32;
	[tilespmem:v53+s25+$0x0] =	vst.idx.msk $0xffff, v54;
	v55 =	vld [tilespmem:s17+$0x0]  }
0x196: {  	v52 =	vadd.s32 v12, v32;
	v45 =	vld [tilespmem:s17+$0xFFFFFE20];
	[tilespmem:v57+s25+$0x0] =	vst.idx.msk $0xffff, v35  }
0x197: {  	v60 =	vadd.s32 v1, v32;
	v53 =	vld [tilespmem:s17+$0xFFFFFF80];
	[tilespmem:v58+s25+$0x0] =	vst.idx.msk $0xffff, v36  }
0x198: {  	v54 =	vadd.s32 v23, v32;
	v33 =	vld [tilespmem:s17+$0xFFFFFE80];
	[tilespmem:v62+s25+$0x0] =	vst.idx.msk $0xffff, v59  }
0x199: {  	v38 =	vld [tilespmem:s17+$0xFFFFFE60];
	v57 =	vadd.s32 v10, v32;
	[tilespmem:v48+s25+$0x0] =	vst.idx.msk $0xffff, v61  }
0x19a: {  	[tilespmem:v56+s25+$0x0] =	vst.idx.msk $0xffff, v55;
	v55 =	vld [tilespmem:s17+$0xFFFFFFD0];
	v56 =	vadd.s32 v28, v32  }
0x19b: {  	v37 =	vld [tilespmem:s17+$0xFFFFFE40];
	v58 =	vadd.s32 v20, v32;
	[tilespmem:v52+s25+$0x0] =	vst.idx.msk $0xffff, v63  }
0x19c: {  	[tilespmem:v60+s25+$0x0] =	vst.idx.msk $0xffff, v45;
	v39 =	vld [tilespmem:s17+$0xFFFFFF20];
	v60 =	vadd.s32 v17, v32  }
0x19d: {  	v49 =	vadd.s32 v13, v32;
	v61 =	vld [tilespmem:s17+$0xFFFFFEE0];
	[tilespmem:v54+s25+$0x0] =	vst.idx.msk $0xffff, v53  }
0x19e: {  	v50 =	vadd.s32 v15, v32;
	v59 =	vld [tilespmem:s17+$0xFFFFFF00];
	[tilespmem:v57+s25+$0x0] =	vst.idx.msk $0xffff, v43  }
0x19f: {  	v63 =	vadd.s32 v9, v32;
	v62 =	vld [tilespmem:s17+$0xFFFFFEA0];
	[tilespmem:v56+s25+$0x0] =	vst.idx.msk $0xffff, v55  }
0x1a0: {  	v52 =	vadd.s32 v29, v32;
	[tilespmem:v58+s25+$0x0] =	vst.idx.msk $0xffff, v34;
	v51 =	vld [tilespmem:s17+$0xFFFFFFE0]  }
0x1a1: {  	v47 =	vadd.s32 v25, v32;
	v36 =	vld [tilespmem:s17+$0xFFFFFFA0];
	[tilespmem:v60+s25+$0x0] =	vst.idx.msk $0xffff, v39  }
0x1a2: {  	v46 =	vadd.s32 v5, v32;
	v42 =	vld [tilespmem:s17+$0xFFFFFFC0];
	[tilespmem:v49+s25+$0x0] =	vst.idx.msk $0xffff, v61  }
0x1a3: {  	v43 =	vadd.s32 v3, v32;
	v39 =	vld [tilespmem:s17+$0xFFFFFF40];
	[tilespmem:v50+s25+$0x0] =	vst.idx.msk $0xffff, v59  }
0x1a4: {  	v45 =	vadd.s32 v19, v32;
	v40 =	vld [tilespmem:s17+$0xFFFFFEC0];
	[tilespmem:v63+s25+$0x0] =	vst.idx.msk $0xffff, v62  }
0x1a5: {  	v44 =	vadd.s32 v11, v32;
	s23 =	simm.s32 $0x25F0;
	s20 =	simm.s32 $0x0;
	v35 =	vimm.s32 $0x0;
	v34 =	vadd.s32 v27, v32;
	v41 =	vld [tilespmem:s17+$0xFFFFFF60];
	[tilespmem:v52+s25+$0x0] =	vst.idx.msk $0xffff, v51  }
.LBB2_10:
0x1a6: {  	v48 =	vld [tilespmem:s23+$0xFFFFFFF0];
	s20 =	sadd.s32 $0x10, s20;
	v49 =	vadd.s32 v21, v32;
	[tilespmem:v47+s25+$0x0] =	vst.idx.msk $0xffff, v36;
	v35 =	vadd.s32 $0x10, v35  }
0x1a7: {  	v36 =	vld [tilespmem:s23+$0xFFFFFE30];
	v47 =	vadd.s32 v30, v35;
	p1 =	slt.u32 s20, $0x70;
	[tilespmem:v46+s25+$0x0] =	vst.idx.msk $0xffff, v38;
	v38 =	vadd.s32 v7, v32;
	v32 =	vmov v35  }
0x1a8: {  	v46 =	vadd.s32 v0, v35;
	v50 =	vadd.s32 v10, v35;
	v51 =	vld [tilespmem:s23+$0xFFFFFF90];
	[tilespmem:v43+s25+$0x0] =	vst.idx.msk $0xffff, v37  }
0x1a9: {  	v37 =	vadd.s32 v18, v35;
	v43 =	vadd.s32 v22, v35;
	v52 =	vld [tilespmem:s23+$0xFFFFFFB0];
	[tilespmem:v45+s25+$0x0] =	vst.idx.msk $0xffff, v39  }
0x1aa: {  	v45 =	vadd.s32 v26, v35;
	v39 =	vld [tilespmem:s23+$0xFFFFFF70];
	[tilespmem:v44+s25+$0x0] =	vst.idx.msk $0xffff, v40  }
0x1ab: {  	v44 =	vadd.s32 v24, v35;
	v40 =	vld [tilespmem:s23+$0xFFFFFF30];
	[tilespmem:v34+s25+$0x0] =	vst.idx.msk $0xffff, v42  }
0x1ac: {  	v42 =	vadd.s32 v2, v35;
	v53 =	vld [tilespmem:s23+$0xFFFFFEB0];
	[tilespmem:v49+s25+$0x0] =	vst.idx.msk $0xffff, v41  }
0x1ad: {  	v49 =	vadd.s32 v4, v35;
	v41 =	vld [tilespmem:s23+$0xFFFFFE10];
	[tilespmem:v38+s25+$0x0] =	vst.idx.msk $0xffff, v33  }
0x1ae: {  	v38 =	vadd.s32 v6, v35;
	v33 =	vld [tilespmem:s23+$0xFFFFFE70];
	[tilespmem:v47+s25+$0x0] =	vst.idx.msk $0xffff, v48  }
0x1af: {  	v48 =	vadd.s32 v8, v35;
	v47 =	vld [tilespmem:s23+$0xFFFFFE90];
	[tilespmem:v43+s25+$0x0] =	vst.idx.msk $0xffff, v39  }
0x1b0: {  	v34 =	vadd.s32 v27, v35;
	v39 =	vld [tilespmem:s23+$0xFFFFFE50];
	[tilespmem:v37+s25+$0x0] =	vst.idx.msk $0xffff, v40  }
0x1b1: {  	v40 =	vadd.s32 v31, v35;
	[tilespmem:v45+s25+$0x0] =	vst.idx.msk $0xffff, v52;
	v37 =	vld [tilespmem:s23+$0x0]  }
0x1b2: {  	[tilespmem:v42+s25+$0x0] =	vst.idx.msk $0xffff, v36;
	v42 =	vld [tilespmem:s23+$0xFFFFFF50]  }
0x1b3: {  	[tilespmem:v46+s25+$0x0] =	vst.idx.msk $0xffff, v41;
	v36 =	vld [tilespmem:s23+$0xFFFFFF10]  }
0x1b4: {  	v43 =	vadd.s32 v1, v35;
	v41 =	vld [tilespmem:s23+$0xFFFFFE20];
	[tilespmem:v38+s25+$0x0] =	vst.idx.msk $0xffff, v33  }
0x1b5: {  	[tilespmem:v49+s25+$0x0] =	vst.idx.msk $0xffff, v39;
	v38 =	vld [tilespmem:s23+$0xFFFFFEF0];
	v39 =	vadd.s32 v16, v35  }
0x1b6: {  	v46 =	vadd.s32 v14, v35;
	v45 =	vld [tilespmem:s23+$0xFFFFFED0];
	[tilespmem:v40+s25+$0x0] =	vst.idx.msk $0xffff, v37  }
0x1b7: {  	v37 =	vadd.s32 v12, v35;
	v40 =	vld [tilespmem:s23+$0xFFFFFF80];
	[tilespmem:v44+s25+$0x0] =	vst.idx.msk $0xffff, v51  }
0x1b8: {  	v44 =	vadd.s32 v23, v35;
	v33 =	vld [tilespmem:s23+$0xFFFFFE80];
	[tilespmem:v48+s25+$0x0] =	vst.idx.msk $0xffff, v47  }
0x1b9: {  	[tilespmem:v43+s25+$0x0] =	vst.idx.msk $0xffff, v41;
	v41 =	vld [tilespmem:s23+$0xFFFFFFD0];
	v43 =	vadd.s32 v28, v35  }
0x1ba: {  	[tilespmem:v39+s25+$0x0] =	vst.idx.msk $0xffff, v36;
	v36 =	vld [tilespmem:s23+$0xFFFFFFA0]  }
0x1bb: {  	[tilespmem:v46+s25+$0x0] =	vst.idx.msk $0xffff, v38;
	v39 =	vld [tilespmem:s23+$0xFFFFFF20];
	v46 =	vadd.s32 v20, v35  }
0x1bc: {  	v47 =	vadd.s32 v17, v35;
	[tilespmem:v37+s25+$0x0] =	vst.idx.msk $0xffff, v45;
	v45 =	vld [tilespmem:s23+$0xFFFFFF00]  }
0x1bd: {  	v49 =	vadd.s32 v13, v35;
	v48 =	vld [tilespmem:s23+$0xFFFFFEE0];
	[tilespmem:v44+s25+$0x0] =	vst.idx.msk $0xffff, v40  }
0x1be: {  	v51 =	vadd.s32 v15, v35;
	v44 =	vld [tilespmem:s23+$0xFFFFFEA0];
	[tilespmem:v43+s25+$0x0] =	vst.idx.msk $0xffff, v41  }
0x1bf: {  	v41 =	vadd.s32 v9, v35;
	[tilespmem:v50+s25+$0x0] =	vst.idx.msk $0xffff, v53;
	v50 =	vld [tilespmem:s23+$0xFFFFFFE0]  }
0x1c0: {  	v52 =	vadd.s32 v29, v35;
	v38 =	vld [tilespmem:s23+$0xFFFFFE60];
	[tilespmem:v46+s25+$0x0] =	vst.idx.msk $0xffff, v42  }
.Ltmp4:
0x1c1: {  	v37 =	vld [tilespmem:s23+$0xFFFFFE40];
	[tilespmem:v47+s25+$0x0] =	vst.idx.msk $0xffff, v39;
	v47 =	vadd.s32 v25, v35;
	(pc) =	sbr.rel @p1 .LBB2_10-.Ltmp4, $4  }
0x1c2: {  	v46 =	vadd.s32 v5, v35;
	[tilespmem:v49+s25+$0x0] =	vst.idx.msk $0xffff, v48;
	v39 =	vld [tilespmem:s23+$0xFFFFFF40]  }
0x1c3: {  	v43 =	vadd.s32 v3, v35;
	v40 =	vld [tilespmem:s23+$0xFFFFFEC0];
	[tilespmem:v51+s25+$0x0] =	vst.idx.msk $0xffff, v45  }
0x1c4: {  	v45 =	vadd.s32 v19, v35;
	[tilespmem:v41+s25+$0x0] =	vst.idx.msk $0xffff, v44;
	v41 =	vld [tilespmem:s23+$0xFFFFFF60]  }
0x1c5: {  	v44 =	vadd.s32 v11, v35;
	v42 =	vld [tilespmem:s23+$0xFFFFFFC0];
	[tilespmem:v52+s25+$0x0] =	vst.idx.msk $0xffff, v50;
	s23 =	sadd.s32 $0x200, s23  }
0x1c6: {  	_ =	sdelay $0x3  }
0x1c7: {  	[tilespmem:v47+s25+$0x0] =	vst.idx.msk $0xffff, v36  }
0x1c8: {  	v35 =	vadd.s32 v21, v32;
	[tilespmem:v46+s25+$0x0] =	vst.idx.msk $0xffff, v38  }
0x1c9: {  	v55 =	vadd.s32 v7, v32;
	[tilespmem:v43+s25+$0x0] =	vst.idx.msk $0xffff, v37  }
0x1ca: {  	[tilespmem:v45+s25+$0x0] =	vst.idx.msk $0xffff, v39  }
0x1cb: {  	[tilespmem:v44+s25+$0x0] =	vst.idx.msk $0xffff, v40  }
0x1cc: {  	[tilespmem:v34+s25+$0x0] =	vst.idx.msk $0xffff, v42  }
0x1cd: {  	s16 =	sor.u32 $0x100, s18;
	[tilespmem:v35+s25+$0x0] =	vst.idx.msk $0xffff, v41  }
0x1ce: {  	s17 =	sadd.s32 s3, s16;
	[tilespmem:v55+s25+$0x0] =	vst.idx.msk $0xffff, v33  }
0x1cf: {  	[hbm4b:s17+s4] =	stream.linear.scatter [tilespmem:s25], [sflag:$0x9], $0x80, $0x38;
	[tilespmem:$0x6400] =	vst v63  }
0x1d0: {  	s23 =	simm.s32 $0x4288;
	s20 =	sadd.s32 $0x10, s17  }
0x1d1: {  	[hbm4b:s20+s4] =	stream.linear.scatter [tilespmem:s23], [sflag:$0x9], $0x80, $0x38;
	[tilespmem:$0x6400] =	vst v63  }
0x1d2: {  	s20 =	sadd.s32 $0x20, s17;
	s23 =	simm.s32 $0x4310  }
0x1d3: {  	[hbm4b:s20+s4] =	stream.linear.scatter [tilespmem:s23], [sflag:$0x9], $0x80, $0x38;
	[tilespmem:$0x6400] =	vst v63  }
0x1d4: {  	s20 =	sadd.s32 $0x30, s17;
	s23 =	simm.s32 $0x4398  }
0x1d5: {  	[hbm4b:s20+s4] =	stream.linear.scatter [tilespmem:s23], [sflag:$0x9], $0x80, $0x38;
	[tilespmem:$0x6400] =	vst v63  }
0x1d6: {  	s20 =	sadd.s32 $0x40, s17;
	s23 =	simm.s32 $0x4420  }
0x1d7: {  	[hbm4b:s20+s4] =	stream.linear.scatter [tilespmem:s23], [sflag:$0x9], $0x80, $0x38;
	[tilespmem:$0x6400] =	vst v63  }
0x1d8: {  	s20 =	sadd.s32 $0x50, s17;
	s23 =	simm.s32 $0x44A8  }
0x1d9: {  	[hbm4b:s20+s4] =	stream.linear.scatter [tilespmem:s23], [sflag:$0x9], $0x80, $0x38;
	[tilespmem:$0x6400] =	vst v63  }
0x1da: {  	s20 =	sadd.s32 $0x60, s17;
	s23 =	simm.s32 $0x4530  }
0x1db: {  	[hbm4b:s20+s4] =	stream.linear.scatter [tilespmem:s23], [sflag:$0x9], $0x80, $0x38;
	[tilespmem:$0x6400] =	vst v63  }
0x1dc: {  	s17 =	sadd.s32 $0x70, s17;
	s23 =	simm.s32 $0x45B8  }
0x1dd: {  	[hbm4b:s17+s4] =	stream.linear.scatter [tilespmem:s23], [sflag:$0x9], $0x80, $0x38;
	[tilespmem:$0x6400] =	vst v63  }
0x1de: {  	s17 =	sadd.s32 s16, s11;
	s23 =	simm.s32 $0x4640  }
0x1df: {  	[hbm4b:s17+s4] =	stream.linear.scatter [tilespmem:s23], [sflag:$0x9], $0x80, $0x38;
	[tilespmem:$0x6400] =	vst v63  }
0x1e0: {  	s20 =	sadd.s32 $0x10, s17;
	s23 =	simm.s32 $0x46C8  }
0x1e1: {  	[hbm4b:s20+s4] =	stream.linear.scatter [tilespmem:s23], [sflag:$0x9], $0x80, $0x38;
	[tilespmem:$0x6400] =	vst v63  }
0x1e2: {  	s20 =	sadd.s32 $0x20, s17;
	s23 =	simm.s32 $0x4750  }
0x1e3: {  	[hbm4b:s20+s4] =	stream.linear.scatter [tilespmem:s23], [sflag:$0x9], $0x80, $0x38;
	[tilespmem:$0x6400] =	vst v63  }
0x1e4: {  	s20 =	sadd.s32 $0x30, s17;
	s23 =	simm.s32 $0x47D8  }
0x1e5: {  	[hbm4b:s20+s4] =	stream.linear.scatter [tilespmem:s23], [sflag:$0x9], $0x80, $0x38;
	[tilespmem:$0x6400] =	vst v63  }
0x1e6: {  	s20 =	sadd.s32 $0x40, s17;
	s23 =	simm.s32 $0x4860  }
0x1e7: {  	[hbm4b:s20+s4] =	stream.linear.scatter [tilespmem:s23], [sflag:$0x9], $0x80, $0x38;
	[tilespmem:$0x6400] =	vst v63  }
0x1e8: {  	s20 =	sadd.s32 $0x50, s17;
	s23 =	simm.s32 $0x48E8  }
0x1e9: {  	[hbm4b:s20+s4] =	stream.linear.scatter [tilespmem:s23], [sflag:$0x9], $0x80, $0x38;
	[tilespmem:$0x6400] =	vst v63  }
0x1ea: {  	s20 =	sadd.s32 $0x60, s17;
	s23 =	simm.s32 $0x4970  }
0x1eb: {  	[hbm4b:s20+s4] =	stream.linear.scatter [tilespmem:s23], [sflag:$0x9], $0x80, $0x38;
	[tilespmem:$0x6400] =	vst v63  }
0x1ec: {  	s17 =	sadd.s32 $0x70, s17;
	s23 =	simm.s32 $0x49F8  }
0x1ed: {  	[hbm4b:s17+s4] =	stream.linear.scatter [tilespmem:s23], [sflag:$0x9], $0x80, $0x38;
	[tilespmem:$0x6400] =	vst v63  }
0x1ee: {  	s17 =	sadd.s32 s16, s12;
	s23 =	simm.s32 $0x4A80  }
0x1ef: {  	[hbm4b:s17+s4] =	stream.linear.scatter [tilespmem:s23], [sflag:$0x9], $0x80, $0x38;
	[tilespmem:$0x6400] =	vst v63  }
0x1f0: {  	s20 =	sadd.s32 $0x10, s17;
	s23 =	simm.s32 $0x4B08  }
0x1f1: {  	[hbm4b:s20+s4] =	stream.linear.scatter [tilespmem:s23], [sflag:$0x9], $0x80, $0x38;
	[tilespmem:$0x6400] =	vst v63  }
0x1f2: {  	s20 =	sadd.s32 $0x20, s17;
	s23 =	simm.s32 $0x4B90  }
0x1f3: {  	[hbm4b:s20+s4] =	stream.linear.scatter [tilespmem:s23], [sflag:$0x9], $0x80, $0x38;
	[tilespmem:$0x6400] =	vst v63  }
0x1f4: {  	s20 =	sadd.s32 $0x30, s17;
	s23 =	simm.s32 $0x4C18  }
0x1f5: {  	[hbm4b:s20+s4] =	stream.linear.scatter [tilespmem:s23], [sflag:$0x9], $0x80, $0x38;
	[tilespmem:$0x6400] =	vst v63  }
0x1f6: {  	s20 =	sadd.s32 $0x40, s17;
	s23 =	simm.s32 $0x4CA0  }
0x1f7: {  	[hbm4b:s20+s4] =	stream.linear.scatter [tilespmem:s23], [sflag:$0x9], $0x80, $0x38;
	[tilespmem:$0x6400] =	vst v63  }
0x1f8: {  	s20 =	sadd.s32 $0x50, s17;
	s23 =	simm.s32 $0x4D28  }
0x1f9: {  	[hbm4b:s20+s4] =	stream.linear.scatter [tilespmem:s23], [sflag:$0x9], $0x80, $0x38;
	[tilespmem:$0x6400] =	vst v63  }
0x1fa: {  	s20 =	sadd.s32 $0x60, s17;
	s23 =	simm.s32 $0x4DB0  }
0x1fb: {  	[hbm4b:s20+s4] =	stream.linear.scatter [tilespmem:s23], [sflag:$0x9], $0x80, $0x38;
	[tilespmem:$0x6400] =	vst v63  }
0x1fc: {  	s17 =	sadd.s32 $0x70, s17;
	s23 =	simm.s32 $0x4E38  }
0x1fd: {  	[hbm4b:s17+s4] =	stream.linear.scatter [tilespmem:s23], [sflag:$0x9], $0x80, $0x38;
	[tilespmem:$0x6400] =	vst v63  }
0x1fe: {  	s16 =	sadd.s32 s16, s13;
	s23 =	simm.s32 $0x4EC0  }
0x1ff: {  	[hbm4b:s16+s4] =	stream.linear.scatter [tilespmem:s23], [sflag:$0x9], $0x80, $0x38;
	[tilespmem:$0x6400] =	vst v63  }
0x200: {  	s20 =	sadd.s32 $0x10, s16;
	s23 =	simm.s32 $0x4F48  }
0x201: {  	[hbm4b:s20+s4] =	stream.linear.scatter [tilespmem:s23], [sflag:$0x9], $0x80, $0x38;
	[tilespmem:$0x6400] =	vst v63  }
0x202: {  	s20 =	sadd.s32 $0x20, s16;
	s23 =	simm.s32 $0x4FD0  }
0x203: {  	[hbm4b:s20+s4] =	stream.linear.scatter [tilespmem:s23], [sflag:$0x9], $0x80, $0x38;
	[tilespmem:$0x6400] =	vst v63  }
0x204: {  	s20 =	sadd.s32 $0x30, s16;
	s23 =	simm.s32 $0x5058  }
0x205: {  	[hbm4b:s20+s4] =	stream.linear.scatter [tilespmem:s23], [sflag:$0x9], $0x80, $0x38;
	[tilespmem:$0x6400] =	vst v63  }
0x206: {  	s20 =	sadd.s32 $0x40, s16;
	s23 =	simm.s32 $0x50E0  }
0x207: {  	[hbm4b:s20+s4] =	stream.linear.scatter [tilespmem:s23], [sflag:$0x9], $0x80, $0x38;
	[tilespmem:$0x6400] =	vst v63  }
0x208: {  	s20 =	sadd.s32 $0x50, s16;
	s23 =	simm.s32 $0x5168  }
0x209: {  	[hbm4b:s20+s4] =	stream.linear.scatter [tilespmem:s23], [sflag:$0x9], $0x80, $0x38;
	[tilespmem:$0x6400] =	vst v63  }
0x20a: {  	s20 =	sadd.s32 $0x60, s16;
	s23 =	simm.s32 $0x51F0  }
0x20b: {  	[hbm4b:s20+s4] =	stream.linear.scatter [tilespmem:s23], [sflag:$0x9], $0x80, $0x38;
	[tilespmem:$0x6400] =	vst v63  }
0x20c: {  	s16 =	sadd.s32 $0x70, s16;
	s20 =	simm.s32 $0x5278  }
0x20d: {  	[hbm4b:s16+s4] =	stream.linear.scatter [tilespmem:s20], [sflag:$0x9], $0x80, $0x38;
	[tilespmem:$0x6400] =	vst v63  }
0x20e: {  	s16 =	simm.s32 @p0 $0x2  }
0x20f: {  	_ =	swait.ge @p0 [sflag:s16], $0x80  }
0x210: {  	s9 =	sadd.s32 @p0 $0x7, s9;
	s17 =	simm.s32 @p0 $0x1200;
	[sflag:s16] =	ssyncset.done @p0 $0x0  }
0x211: {  	s20 =	sshll.u32 @p0 s9, $0xA;
	[sflag:s16] =	ssyncadd.s32 @p0 $0xFFFFFF80;
	s16 =	simm.s32 @p0 $0x80  }
0x212: {  	[tilespmem:s17], [sflag:$0x6] =	stream.indirect.gather @p0 [hbm4b:s5+s16], $0x20, s16, s16, $0xb8;
	[tilespmem:$0x6400] =	vst v63  }
0x213: {  	s20 =	sand.u32 @p0 $0x7C00, s20;
	s17 =	sshll.u32 @p0 s9, $0x7  }
0x214: {  	s16 =	simm.s32 @p0 $0x8;
	s9 =	sshll.u32 @p0 s9, $0x2;
	s17 =	sand.u32 @p0 $0x7FFF8000, s17  }
0x215: {  	_ =	swait.ge @p0 [sflag:s16], $0x1000;
	s9 =	sand.u32 @p0 $0x380, s9;
	s17 =	sor.u32 @p0 s20, s17  }
0x216: {  	[sflag:s16] =	ssyncset.done @p0 $0x0;
	s9 =	sor.u32 @p0 s9, s17  }
0x217: {  	[sflag:s16] =	ssyncadd.s32 @p0 $0xFFFFF000;
	s9 =	sshrl.u32 @p0 s9, $0x3  }
0x218: {  	s16 =	simm.s32 @p0 $0x0;
	s17 =	simm.s32 @p0 $0x180;
	s9 =	sadd.s32 @p0 s1, s9  }
0x219: {  	[tilespmem:s17], [sflag:$0x4] =	stream.linear.gather @p0 [hbm4b:s9+s16], $0x80, $0x38;
	[tilespmem:$0x6400] =	vst v63  }
0x21a: {  	s9 =	simm.s32 @!p0 $0x8  }
0x21b: {  	_ =	swait.ge @!p0 [sflag:s9], $0x1000  }
0x21c: {  	[sflag:s9] =	ssyncset.done @!p0 $0x0  }
0x21d: {  	[sflag:s9] =	ssyncadd.s32 @!p0 $0xFFFFF000  }
0x21e: {  	_ =	swait.ge [sflag:s21], $0x400  }
0x21f: {  	[sflag:s21] =	ssyncset.done $0x0  }
0x220: {  	[sflag:s21] =	ssyncadd.s32 $0xFFFFFC00  }
0x221: {  	_ =	swait.ge [sflag:s21], $0x400  }
0x222: {  	[sflag:s21] =	ssyncset.done $0x0  }
0x223: {  	[sflag:s21] =	ssyncadd.s32 $0xFFFFFC00  }
0x224: {  	_ =	swait.ge [sflag:s21], $0x400  }
0x225: {  	[sflag:s21] =	ssyncset.done $0x0  }
0x226: {  	[sflag:s21] =	ssyncadd.s32 $0xFFFFFC00  }
0x227: {  	_ =	swait.ge [sflag:s21], $0x400  }
0x228: {  	[sflag:s21] =	ssyncset.done $0x0  }
0x229: {  	s23 =	simm.s32 $0x33F0;
	[sflag:s21] =	ssyncadd.s32 $0xFFFFFC00  }
0x22a: {  	v56 =	vld [tilespmem:s23+$0xFFFFFFF0]  }
0x22b: {  	v34 =	vld [tilespmem:s23+$0xFFFFFE30]  }
0x22c: {  	v32 =	vimm.s32 $0x0;
	v35 =	vld [tilespmem:s23+$0xFFFFFF90]  }
0x22d: {  	v57 =	vadd.s32 v30, v32;
	v58 =	vld [tilespmem:s23+$0xFFFFFFB0]  }
0x22e: {  	v59 =	vadd.s32 v22, v32;
	v60 =	vld [tilespmem:s23+$0xFFFFFF70]  }
0x22f: {  	v61 =	vadd.s32 v18, v32;
	v62 =	vld [tilespmem:s23+$0xFFFFFF30]  }
0x230: {  	v48 =	vadd.s32 v2, v32;
	v43 =	vld [tilespmem:s23+$0xFFFFFEB0]  }
0x231: {  	v63 =	vadd.s32 v26, v32;
	v49 =	vld [tilespmem:s23+$0xFFFFFE10]  }
0x232: {  	v50 =	vadd.s32 v0, v32;
	v51 =	vld [tilespmem:s23+$0xFFFFFE70];
	[tilespmem:v57+s7+$0x0] =	vst.idx.msk $0xffff, v56  }
0x233: {  	v52 =	vadd.s32 v6, v32;
	v36 =	vld [tilespmem:s23+$0xFFFFFE90];
	[tilespmem:v59+s7+$0x0] =	vst.idx.msk $0xffff, v60  }
0x234: {  	v53 =	vadd.s32 v4, v32;
	v54 =	vld [tilespmem:s23+$0xFFFFFE50];
	[tilespmem:v61+s7+$0x0] =	vst.idx.msk $0xffff, v62  }
0x235: {  	v57 =	vadd.s32 v24, v32;
	[tilespmem:v48+s7+$0x0] =	vst.idx.msk $0xffff, v34;
	v34 =	vld [tilespmem:s23+$0xFFFFFF50]  }
0x236: {  	[tilespmem:v63+s7+$0x0] =	vst.idx.msk $0xffff, v58;
	v58 =	vadd.s32 v8, v32;
	v59 =	vld [tilespmem:s23+$0xFFFFFF10]  }
0x237: {  	[tilespmem:v50+s7+$0x0] =	vst.idx.msk $0xffff, v49;
	v61 =	vld [tilespmem:s23+$0xFFFFFEF0];
	v62 =	vadd.s32 v16, v32  }
0x238: {  	[tilespmem:v52+s7+$0x0] =	vst.idx.msk $0xffff, v51;
	v63 =	vld [tilespmem:s23+$0xFFFFFED0];
	v48 =	vadd.s32 v14, v32  }
0x239: {  	v56 =	vadd.s32 v31, v32;
	[tilespmem:v53+s7+$0x0] =	vst.idx.msk $0xffff, v54;
	v55 =	vld [tilespmem:s23+$0x0]  }
0x23a: {  	v52 =	vadd.s32 v12, v32;
	v45 =	vld [tilespmem:s23+$0xFFFFFE20];
	[tilespmem:v57+s7+$0x0] =	vst.idx.msk $0xffff, v35  }
0x23b: {  	v60 =	vadd.s32 v1, v32;
	v53 =	vld [tilespmem:s23+$0xFFFFFF80];
	[tilespmem:v58+s7+$0x0] =	vst.idx.msk $0xffff, v36  }
0x23c: {  	v54 =	vadd.s32 v23, v32;
	v33 =	vld [tilespmem:s23+$0xFFFFFE80];
	[tilespmem:v62+s7+$0x0] =	vst.idx.msk $0xffff, v59  }
0x23d: {  	v38 =	vld [tilespmem:s23+$0xFFFFFE60];
	v57 =	vadd.s32 v10, v32;
	[tilespmem:v48+s7+$0x0] =	vst.idx.msk $0xffff, v61  }
0x23e: {  	[tilespmem:v56+s7+$0x0] =	vst.idx.msk $0xffff, v55;
	v55 =	vld [tilespmem:s23+$0xFFFFFFD0];
	v56 =	vadd.s32 v28, v32  }
0x23f: {  	v37 =	vld [tilespmem:s23+$0xFFFFFE40];
	v58 =	vadd.s32 v20, v32;
	[tilespmem:v52+s7+$0x0] =	vst.idx.msk $0xffff, v63  }
0x240: {  	[tilespmem:v60+s7+$0x0] =	vst.idx.msk $0xffff, v45;
	v39 =	vld [tilespmem:s23+$0xFFFFFF20];
	v60 =	vadd.s32 v17, v32  }
0x241: {  	v49 =	vadd.s32 v13, v32;
	v61 =	vld [tilespmem:s23+$0xFFFFFEE0];
	[tilespmem:v54+s7+$0x0] =	vst.idx.msk $0xffff, v53  }
0x242: {  	v50 =	vadd.s32 v15, v32;
	v59 =	vld [tilespmem:s23+$0xFFFFFF00];
	[tilespmem:v57+s7+$0x0] =	vst.idx.msk $0xffff, v43  }
0x243: {  	v63 =	vadd.s32 v9, v32;
	v62 =	vld [tilespmem:s23+$0xFFFFFEA0];
	[tilespmem:v56+s7+$0x0] =	vst.idx.msk $0xffff, v55  }
0x244: {  	v52 =	vadd.s32 v29, v32;
	[tilespmem:v58+s7+$0x0] =	vst.idx.msk $0xffff, v34;
	v51 =	vld [tilespmem:s23+$0xFFFFFFE0]  }
0x245: {  	v47 =	vadd.s32 v25, v32;
	v36 =	vld [tilespmem:s23+$0xFFFFFFA0];
	[tilespmem:v60+s7+$0x0] =	vst.idx.msk $0xffff, v39  }
0x246: {  	v46 =	vadd.s32 v5, v32;
	v42 =	vld [tilespmem:s23+$0xFFFFFFC0];
	[tilespmem:v49+s7+$0x0] =	vst.idx.msk $0xffff, v61  }
0x247: {  	v43 =	vadd.s32 v3, v32;
	v39 =	vld [tilespmem:s23+$0xFFFFFF40];
	[tilespmem:v50+s7+$0x0] =	vst.idx.msk $0xffff, v59  }
0x248: {  	v45 =	vadd.s32 v19, v32;
	v40 =	vld [tilespmem:s23+$0xFFFFFEC0];
	[tilespmem:v63+s7+$0x0] =	vst.idx.msk $0xffff, v62  }
0x249: {  	v44 =	vadd.s32 v11, v32;
	s20 =	simm.s32 $0x35F0;
	s9 =	simm.s32 $0x0;
	v35 =	vimm.s32 $0x0;
	v34 =	vadd.s32 v27, v32;
	v41 =	vld [tilespmem:s23+$0xFFFFFF60];
	[tilespmem:v52+s7+$0x0] =	vst.idx.msk $0xffff, v51  }
.LBB2_12:
0x24a: {  	v48 =	vld [tilespmem:s20+$0xFFFFFFF0];
	s9 =	sadd.s32 $0x10, s9;
	v49 =	vadd.s32 v21, v32;
	[tilespmem:v47+s7+$0x0] =	vst.idx.msk $0xffff, v36;
	v35 =	vadd.s32 $0x10, v35  }
0x24b: {  	v36 =	vld [tilespmem:s20+$0xFFFFFE30];
	v47 =	vadd.s32 v30, v35;
	p0 =	slt.u32 s9, $0x70;
	[tilespmem:v46+s7+$0x0] =	vst.idx.msk $0xffff, v38;
	v38 =	vadd.s32 v7, v32;
	v32 =	vmov v35  }
0x24c: {  	v46 =	vadd.s32 v0, v35;
	v50 =	vadd.s32 v10, v35;
	v51 =	vld [tilespmem:s20+$0xFFFFFF90];
	[tilespmem:v43+s7+$0x0] =	vst.idx.msk $0xffff, v37  }
0x24d: {  	v37 =	vadd.s32 v18, v35;
	v43 =	vadd.s32 v22, v35;
	v52 =	vld [tilespmem:s20+$0xFFFFFFB0];
	[tilespmem:v45+s7+$0x0] =	vst.idx.msk $0xffff, v39  }
0x24e: {  	v45 =	vadd.s32 v26, v35;
	v39 =	vld [tilespmem:s20+$0xFFFFFF70];
	[tilespmem:v44+s7+$0x0] =	vst.idx.msk $0xffff, v40  }
0x24f: {  	v44 =	vadd.s32 v24, v35;
	v40 =	vld [tilespmem:s20+$0xFFFFFF30];
	[tilespmem:v34+s7+$0x0] =	vst.idx.msk $0xffff, v42  }
0x250: {  	v42 =	vadd.s32 v2, v35;
	v53 =	vld [tilespmem:s20+$0xFFFFFEB0];
	[tilespmem:v49+s7+$0x0] =	vst.idx.msk $0xffff, v41  }
0x251: {  	v49 =	vadd.s32 v4, v35;
	v41 =	vld [tilespmem:s20+$0xFFFFFE10];
	[tilespmem:v38+s7+$0x0] =	vst.idx.msk $0xffff, v33  }
0x252: {  	v38 =	vadd.s32 v6, v35;
	v33 =	vld [tilespmem:s20+$0xFFFFFE70];
	[tilespmem:v47+s7+$0x0] =	vst.idx.msk $0xffff, v48  }
0x253: {  	v48 =	vadd.s32 v8, v35;
	v47 =	vld [tilespmem:s20+$0xFFFFFE90];
	[tilespmem:v43+s7+$0x0] =	vst.idx.msk $0xffff, v39  }
0x254: {  	v34 =	vadd.s32 v27, v35;
	v39 =	vld [tilespmem:s20+$0xFFFFFE50];
	[tilespmem:v37+s7+$0x0] =	vst.idx.msk $0xffff, v40  }
0x255: {  	v40 =	vadd.s32 v31, v35;
	[tilespmem:v45+s7+$0x0] =	vst.idx.msk $0xffff, v52;
	v37 =	vld [tilespmem:s20+$0x0]  }
0x256: {  	[tilespmem:v42+s7+$0x0] =	vst.idx.msk $0xffff, v36;
	v42 =	vld [tilespmem:s20+$0xFFFFFF50]  }
0x257: {  	[tilespmem:v46+s7+$0x0] =	vst.idx.msk $0xffff, v41;
	v36 =	vld [tilespmem:s20+$0xFFFFFF10]  }
0x258: {  	v43 =	vadd.s32 v1, v35;
	v41 =	vld [tilespmem:s20+$0xFFFFFE20];
	[tilespmem:v38+s7+$0x0] =	vst.idx.msk $0xffff, v33  }
0x259: {  	[tilespmem:v49+s7+$0x0] =	vst.idx.msk $0xffff, v39;
	v38 =	vld [tilespmem:s20+$0xFFFFFEF0];
	v39 =	vadd.s32 v16, v35  }
0x25a: {  	v46 =	vadd.s32 v14, v35;
	v45 =	vld [tilespmem:s20+$0xFFFFFED0];
	[tilespmem:v40+s7+$0x0] =	vst.idx.msk $0xffff, v37  }
0x25b: {  	v37 =	vadd.s32 v12, v35;
	v40 =	vld [tilespmem:s20+$0xFFFFFF80];
	[tilespmem:v44+s7+$0x0] =	vst.idx.msk $0xffff, v51  }
0x25c: {  	v44 =	vadd.s32 v23, v35;
	v33 =	vld [tilespmem:s20+$0xFFFFFE80];
	[tilespmem:v48+s7+$0x0] =	vst.idx.msk $0xffff, v47  }
0x25d: {  	[tilespmem:v43+s7+$0x0] =	vst.idx.msk $0xffff, v41;
	v41 =	vld [tilespmem:s20+$0xFFFFFFD0];
	v43 =	vadd.s32 v28, v35  }
0x25e: {  	[tilespmem:v39+s7+$0x0] =	vst.idx.msk $0xffff, v36;
	v36 =	vld [tilespmem:s20+$0xFFFFFFA0]  }
0x25f: {  	[tilespmem:v46+s7+$0x0] =	vst.idx.msk $0xffff, v38;
	v39 =	vld [tilespmem:s20+$0xFFFFFF20];
	v46 =	vadd.s32 v20, v35  }
0x260: {  	v47 =	vadd.s32 v17, v35;
	[tilespmem:v37+s7+$0x0] =	vst.idx.msk $0xffff, v45;
	v45 =	vld [tilespmem:s20+$0xFFFFFF00]  }
0x261: {  	v49 =	vadd.s32 v13, v35;
	v48 =	vld [tilespmem:s20+$0xFFFFFEE0];
	[tilespmem:v44+s7+$0x0] =	vst.idx.msk $0xffff, v40  }
0x262: {  	v51 =	vadd.s32 v15, v35;
	v44 =	vld [tilespmem:s20+$0xFFFFFEA0];
	[tilespmem:v43+s7+$0x0] =	vst.idx.msk $0xffff, v41  }
0x263: {  	v41 =	vadd.s32 v9, v35;
	[tilespmem:v50+s7+$0x0] =	vst.idx.msk $0xffff, v53;
	v50 =	vld [tilespmem:s20+$0xFFFFFFE0]  }
0x264: {  	v52 =	vadd.s32 v29, v35;
	v38 =	vld [tilespmem:s20+$0xFFFFFE60];
	[tilespmem:v46+s7+$0x0] =	vst.idx.msk $0xffff, v42  }
.Ltmp5:
0x265: {  	v37 =	vld [tilespmem:s20+$0xFFFFFE40];
	[tilespmem:v47+s7+$0x0] =	vst.idx.msk $0xffff, v39;
	v47 =	vadd.s32 v25, v35;
	(pc) =	sbr.rel @p0 .LBB2_12-.Ltmp5, $4  }
0x266: {  	v46 =	vadd.s32 v5, v35;
	[tilespmem:v49+s7+$0x0] =	vst.idx.msk $0xffff, v48;
	v39 =	vld [tilespmem:s20+$0xFFFFFF40]  }
0x267: {  	v43 =	vadd.s32 v3, v35;
	v40 =	vld [tilespmem:s20+$0xFFFFFEC0];
	[tilespmem:v51+s7+$0x0] =	vst.idx.msk $0xffff, v45  }
0x268: {  	v45 =	vadd.s32 v19, v35;
	[tilespmem:v41+s7+$0x0] =	vst.idx.msk $0xffff, v44;
	v41 =	vld [tilespmem:s20+$0xFFFFFF60]  }
0x269: {  	v44 =	vadd.s32 v11, v35;
	v42 =	vld [tilespmem:s20+$0xFFFFFFC0];
	[tilespmem:v52+s7+$0x0] =	vst.idx.msk $0xffff, v50;
	s20 =	sadd.s32 $0x200, s20  }
0x26a: {  	_ =	sdelay $0x3  }
0x26b: {  	[tilespmem:v47+s7+$0x0] =	vst.idx.msk $0xffff, v36  }
0x26c: {  	v35 =	vadd.s32 v21, v32;
	[tilespmem:v46+s7+$0x0] =	vst.idx.msk $0xffff, v38  }
0x26d: {  	v63 =	vadd.s32 v7, v32;
	[tilespmem:v43+s7+$0x0] =	vst.idx.msk $0xffff, v37  }
0x26e: {  	[tilespmem:v45+s7+$0x0] =	vst.idx.msk $0xffff, v39  }
0x26f: {  	[tilespmem:v44+s7+$0x0] =	vst.idx.msk $0xffff, v40  }
0x270: {  	[tilespmem:v34+s7+$0x0] =	vst.idx.msk $0xffff, v42  }
0x271: {  	s9 =	sor.u32 $0x180, s18;
	[tilespmem:v35+s7+$0x0] =	vst.idx.msk $0xffff, v41  }
0x272: {  	s16 =	sadd.s32 s3, s9;
	[tilespmem:v63+s7+$0x0] =	vst.idx.msk $0xffff, v33  }
0x273: {  	[hbm4b:s16+s4] =	stream.linear.scatter [tilespmem:s7], [sflag:$0xA], $0x80, $0x38;
	[tilespmem:$0x6400] =	vst v63  }
0x274: {  	s23 =	simm.s32 $0x5388;
	s17 =	sadd.s32 $0x10, s16  }
0x275: {  	[hbm4b:s17+s4] =	stream.linear.scatter [tilespmem:s23], [sflag:$0xA], $0x80, $0x38;
	[tilespmem:$0x6400] =	vst v63  }
0x276: {  	s20 =	sadd.s32 $0x20, s16;
	s23 =	simm.s32 $0x5410  }
0x277: {  	[hbm4b:s20+s4] =	stream.linear.scatter [tilespmem:s23], [sflag:$0xA], $0x80, $0x38;
	[tilespmem:$0x6400] =	vst v63  }
0x278: {  	s20 =	sadd.s32 $0x30, s16;
	s23 =	simm.s32 $0x5498  }
0x279: {  	[hbm4b:s20+s4] =	stream.linear.scatter [tilespmem:s23], [sflag:$0xA], $0x80, $0x38;
	[tilespmem:$0x6400] =	vst v63  }
0x27a: {  	s20 =	sadd.s32 $0x40, s16;
	s23 =	simm.s32 $0x5520  }
0x27b: {  	[hbm4b:s20+s4] =	stream.linear.scatter [tilespmem:s23], [sflag:$0xA], $0x80, $0x38;
	[tilespmem:$0x6400] =	vst v63  }
0x27c: {  	s20 =	sadd.s32 $0x50, s16;
	s23 =	simm.s32 $0x55A8  }
0x27d: {  	[hbm4b:s20+s4] =	stream.linear.scatter [tilespmem:s23], [sflag:$0xA], $0x80, $0x38;
	[tilespmem:$0x6400] =	vst v63  }
0x27e: {  	s18 =	sadd.s32 $0x60, s16;
	s20 =	simm.s32 $0x5630  }
0x27f: {  	[hbm4b:s18+s4] =	stream.linear.scatter [tilespmem:s20], [sflag:$0xA], $0x80, $0x38;
	[tilespmem:$0x6400] =	vst v63  }
0x280: {  	s16 =	sadd.s32 $0x70, s16;
	s23 =	simm.s32 $0x56B8  }
0x281: {  	[hbm4b:s16+s4] =	stream.linear.scatter [tilespmem:s23], [sflag:$0xA], $0x80, $0x38;
	[tilespmem:$0x6400] =	vst v63  }
0x282: {  	s18 =	simm.s32 $0x5740;
	s16 =	sadd.s32 s9, s11  }
0x283: {  	[hbm4b:s16+s4] =	stream.linear.scatter [tilespmem:s18], [sflag:$0xA], $0x80, $0x38;
	[tilespmem:$0x6400] =	vst v63  }
0x284: {  	s23 =	simm.s32 $0x57C8;
	s20 =	sadd.s32 $0x10, s16  }
0x285: {  	[hbm4b:s20+s4] =	stream.linear.scatter [tilespmem:s23], [sflag:$0xA], $0x80, $0x38;
	[tilespmem:$0x6400] =	vst v63  }
0x286: {  	s20 =	sadd.s32 $0x20, s16;
	s23 =	simm.s32 $0x5850  }
0x287: {  	[hbm4b:s20+s4] =	stream.linear.scatter [tilespmem:s23], [sflag:$0xA], $0x80, $0x38;
	[tilespmem:$0x6400] =	vst v63  }
0x288: {  	s20 =	sadd.s32 $0x30, s16;
	s23 =	simm.s32 $0x58D8  }
0x289: {  	[hbm4b:s20+s4] =	stream.linear.scatter [tilespmem:s23], [sflag:$0xA], $0x80, $0x38;
	[tilespmem:$0x6400] =	vst v63  }
0x28a: {  	s20 =	sadd.s32 $0x40, s16;
	s23 =	simm.s32 $0x5960  }
0x28b: {  	[hbm4b:s20+s4] =	stream.linear.scatter [tilespmem:s23], [sflag:$0xA], $0x80, $0x38;
	[tilespmem:$0x6400] =	vst v63  }
0x28c: {  	s20 =	sadd.s32 $0x50, s16;
	s23 =	simm.s32 $0x59E8  }
0x28d: {  	[hbm4b:s20+s4] =	stream.linear.scatter [tilespmem:s23], [sflag:$0xA], $0x80, $0x38;
	[tilespmem:$0x6400] =	vst v63  }
0x28e: {  	s18 =	sadd.s32 $0x60, s16;
	s20 =	simm.s32 $0x5A70  }
0x28f: {  	[hbm4b:s18+s4] =	stream.linear.scatter [tilespmem:s20], [sflag:$0xA], $0x80, $0x38;
	[tilespmem:$0x6400] =	vst v63  }
0x290: {  	s16 =	sadd.s32 $0x70, s16;
	s23 =	simm.s32 $0x5AF8  }
0x291: {  	[hbm4b:s16+s4] =	stream.linear.scatter [tilespmem:s23], [sflag:$0xA], $0x80, $0x38;
	[tilespmem:$0x6400] =	vst v63  }
0x292: {  	s18 =	simm.s32 $0x5B80;
	s16 =	sadd.s32 s9, s12  }
0x293: {  	[hbm4b:s16+s4] =	stream.linear.scatter [tilespmem:s18], [sflag:$0xA], $0x80, $0x38;
	[tilespmem:$0x6400] =	vst v63  }
0x294: {  	s23 =	simm.s32 $0x5C08;
	s20 =	sadd.s32 $0x10, s16  }
0x295: {  	[hbm4b:s20+s4] =	stream.linear.scatter [tilespmem:s23], [sflag:$0xA], $0x80, $0x38;
	[tilespmem:$0x6400] =	vst v63  }
0x296: {  	s20 =	sadd.s32 $0x20, s16;
	s23 =	simm.s32 $0x5C90  }
0x297: {  	[hbm4b:s20+s4] =	stream.linear.scatter [tilespmem:s23], [sflag:$0xA], $0x80, $0x38;
	[tilespmem:$0x6400] =	vst v63  }
0x298: {  	s20 =	sadd.s32 $0x30, s16;
	s23 =	simm.s32 $0x5D18  }
0x299: {  	[hbm4b:s20+s4] =	stream.linear.scatter [tilespmem:s23], [sflag:$0xA], $0x80, $0x38;
	[tilespmem:$0x6400] =	vst v63  }
0x29a: {  	s20 =	sadd.s32 $0x40, s16;
	s23 =	simm.s32 $0x5DA0  }
0x29b: {  	[hbm4b:s20+s4] =	stream.linear.scatter [tilespmem:s23], [sflag:$0xA], $0x80, $0x38;
	[tilespmem:$0x6400] =	vst v63  }
0x29c: {  	s20 =	sadd.s32 $0x50, s16;
	s23 =	simm.s32 $0x5E28  }
0x29d: {  	[hbm4b:s20+s4] =	stream.linear.scatter [tilespmem:s23], [sflag:$0xA], $0x80, $0x38;
	[tilespmem:$0x6400] =	vst v63  }
0x29e: {  	s20 =	sadd.s32 $0x60, s16;
	s23 =	simm.s32 $0x5EB0  }
0x29f: {  	[hbm4b:s20+s4] =	stream.linear.scatter [tilespmem:s23], [sflag:$0xA], $0x80, $0x38;
	[tilespmem:$0x6400] =	vst v63  }
0x2a0: {  	s16 =	sadd.s32 $0x70, s16  }
0x2a1: {  	[hbm4b:s16+s4] =	stream.linear.scatter [tilespmem:s6], [sflag:$0xA], $0x80, $0x38;
	[tilespmem:$0x6400] =	vst v63  }
0x2a2: {  	s9 =	sadd.s32 s9, s13  }
0x2a3: {  	[hbm4b:s9+s4] =	stream.linear.scatter [tilespmem:s26], [sflag:$0xA], $0x80, $0x38;
	[tilespmem:$0x6400] =	vst v63  }
0x2a4: {  	s20 =	sadd.s32 $0x10, s9  }
0x2a5: {  	[hbm4b:s20+s4] =	stream.linear.scatter [tilespmem:s28], [sflag:$0xA], $0x80, $0x38;
	[tilespmem:$0x6400] =	vst v63  }
0x2a6: {  	s23 =	sadd.s32 $0x20, s9  }
0x2a7: {  	[hbm4b:s23+s4] =	stream.linear.scatter [tilespmem:s29], [sflag:$0xA], $0x80, $0x38;
	[tilespmem:$0x6400] =	vst v63  }
0x2a8: {  	s17 =	sadd.s32 $0x30, s9  }
0x2a9: {  	[hbm4b:s17+s4] =	stream.linear.scatter [tilespmem:s30], [sflag:$0xA], $0x80, $0x38;
	[tilespmem:$0x6400] =	vst v63  }
0x2aa: {  	s8 =	sadd.s32 $0x1, s8;
	s18 =	sadd.s32 $0x40, s9  }
0x2ab: {  	[hbm4b:s18+s4] =	stream.linear.scatter [tilespmem:s31], [sflag:$0xA], $0x80, $0x38;
	[tilespmem:$0x6400] =	vst v63  }
0x2ac: {  	p0 =	sne.s32 s8, $0x32;
	s20 =	sadd.s32 $0x50, s9  }
0x2ad: {  	[hbm4b:s20+s4] =	stream.linear.scatter [tilespmem:s2], [sflag:$0xA], $0x80, $0x38;
	[tilespmem:$0x6400] =	vst v63  }
.Ltmp6:
0x2ae: {  	_ = 	snop;
	(pc) =	sbr.rel @p0 .LBB2_2-.Ltmp6, $4  }
0x2af: {  	s23 =	sadd.s32 $0x60, s9  }
0x2b0: {  	[hbm4b:s23+s4] =	stream.linear.scatter [tilespmem:s15], [sflag:$0xA], $0x80, $0x38;
	[tilespmem:$0x6400] =	vst v63  }
0x2b1: {  	s9 =	sadd.s32 $0x70, s9;
	s17 =	simm.s32 $0x80  }
0x2b2: {  	[hbm4b:s9+s4] =	stream.linear.scatter [tilespmem:s0], [sflag:$0xA], $0x80, $0x38;
	[tilespmem:$0x6400] =	vst v63  }
0x2b3: {  	_ =	swait.ge [sflag:s19], $0x400  }
0x2b4: {  	[sflag:s19] =	ssyncset.done $0x0  }
0x2b5: {  	[sflag:s19] =	ssyncadd.s32 $0xFFFFFC00  }
0x2b6: {  	_ =	swait.ge [sflag:s19], $0x400  }
0x2b7: {  	[sflag:s19] =	ssyncset.done $0x0  }
0x2b8: {  	[sflag:s19] =	ssyncadd.s32 $0xFFFFFC00  }
0x2b9: {  	_ =	swait.ge [sflag:s19], $0x400  }
0x2ba: {  	[sflag:s19] =	ssyncset.done $0x0  }
0x2bb: {  	[sflag:s19] =	ssyncadd.s32 $0xFFFFFC00  }
0x2bc: {  	_ =	swait.ge [sflag:s19], $0x400  }
0x2bd: {  	[sflag:s19] =	ssyncset.done $0x0  }
0x2be: {  	[sflag:s19] =	ssyncadd.s32 $0xFFFFFC00  }
0x2bf: {  	_ =	swait.ge [sflag:s21], $0x400  }
0x2c0: {  	[sflag:s21] =	ssyncset.done $0x0  }
0x2c1: {  	[sflag:s21] =	ssyncadd.s32 $0xFFFFFC00  }
0x2c2: {  	_ =	swait.ge [sflag:s21], $0x400  }
0x2c3: {  	[sflag:s21] =	ssyncset.done $0x0  }
0x2c4: {  	[sflag:s21] =	ssyncadd.s32 $0xFFFFFC00  }
0x2c5: {  	_ =	swait.ge [sflag:s21], $0x400  }
0x2c6: {  	[sflag:s21] =	ssyncset.done $0x0  }
0x2c7: {  	[sflag:s21] =	ssyncadd.s32 $0xFFFFFC00  }
0x2c8: {  	_ =	swait.ge [sflag:s21], $0x400  }
0x2c9: {  	s9 =	rddreg [dreg:$0xa]  }
0x2ca: {  	s8 =	rddreg [dreg:$0x9];
	s9 =	sadd.s32 $0x1, s9  }
0x2cb: {  	p0 =	sne.s32 s9, s8  }
.Ltmp7:
0x2cc: {  	_ = 	snop;
	(pc) =	sbr.rel @p0 .LBB2_1-.Ltmp7, $3  }
0x2cd: {  	_ =	sdelay $0x1  }
0x2ce: {  	[sflag:s21] =	ssyncset.done $0x0  }
0x2cf: {  	[sflag:s21] =	ssyncadd.s32 $0xFFFFFC00  }
0x2d0: {  	_ =	sfence.sel $0x180000  }
0x2d1: {  	[bflag:$0x0] =	sbarrier.arrive $0xFFFF  }
0x2d2: {  	_ =	strace $0x90000047  }
0x2d3: {  	s0 =	stileid.u32;
	[bflag:$0x2] =	sbarrier.arrive $0xFFFF  }
0x2d4: {  	p0 =	sne.s32 s0, $0x0;
	s0 =	rddreg [dreg:$0x3]  }
0x2d5: {  	s0 =	sadd.s32 @!p0 $0x100000, s0  }
0x2d6: {  	[sflag:s0] =	ssyncadd.tile.s32 @!p0 $0x1;
	_ =	shalt  }
.Lfunc_end2:
_tile_overlayer_lowered:
.L_overlay_start_2:
0x2d7: {  	(tag) =	ssettag $0x2  }
0x2d8: {  	s0 =	rddreg [dreg:$0x0];
	s2 =	stileid.u32  }
0x2d9: {  	s1 =	rddreg [dreg:$0x1];
	p0 =	sne.s32 s2, $0x0  }
0x2da: {  	s3 =	rddreg [dreg:$0x2];
	[bflag:$0x3] =	sbarrier.arrive $0xFFFF;
	s2 =	simm.s32 @!p0 $0x1C0B  }
0x2db: {  	[timem:s3], [sflag:s2] =	dma.local @!p0 [hbm:s0], s1  }
0x2dc: {  	s0 =	simm.s32 @!p0 $0xB  }
0x2dd: {  	_ =	swait.ge @!p0 [sflag:s0], s1  }
0x2de: {  	s1 =	ssub.s32 @!p0 $0x0, s1;
	[sflag:s0] =	ssyncset.done @!p0 $0x0  }
0x2df: {  	[sflag:s0] =	ssyncadd.s32 @!p0 s1  }
0x2e0: {  	[bflag:$0x3] =	sbarrier.arrive $0xFFFF  }
0x2e1: {  	_ =	shalt  }

</sc_bundles>
